<compile_context>
chip_gen: v7x
topology: tpu7x:2x2x1
jax: 0.10.2.dev20260603
libtpu: 0.0.44.dev20260713+nightly
codegen_flags: <defaults>
</compile_context>

<pallas_src>
import functools

import jax
import jax.numpy as jnp
from jax import lax
from jax.experimental import pallas as pl
from jax.experimental.pallas import tpu as pltpu
from jax.experimental.pallas import tpu_sc as plsc

R = 128
N = 32768
NC = 2
NS = 16
L = 16
NW = NC * NS
ROWS_PER_W = R // NW
CW = 2 * L
NSEG = N // (L * CW)
NEG = float("-inf")
BIG = 0x7FFFFFFF


def _insert(c, v, gv):
    a1, a2, a3, i1, i2, i3 = c
    m1 = v > a1
    na1 = jnp.maximum(v, a1)
    d1 = jnp.minimum(v, a1)
    ni1 = jnp.where(m1, gv, i1)
    e1 = jnp.where(m1, i1, gv)
    m2 = d1 > a2
    na2 = jnp.maximum(d1, a2)
    d2 = jnp.minimum(d1, a2)
    ni2 = jnp.where(m2, e1, i2)
    e2 = jnp.where(m2, i2, e1)
    m3 = d2 > a3
    na3 = jnp.maximum(d2, a3)
    ni3 = jnp.where(m3, e2, i3)
    return (na1, na2, na3, ni1, ni2, ni3)


def _empty_cascade():
    return (jnp.full((L,), NEG, jnp.float32),
            jnp.full((L,), NEG, jnp.float32),
            jnp.full((L,), NEG, jnp.float32),
            jnp.zeros((L,), jnp.int32),
            jnp.zeros((L,), jnp.int32),
            jnp.zeros((L,), jnp.int32))


def _body(x_hbm, out_hbm, row0_v, row1_v, out_v, sem0, sem1, sem2):
    cid = lax.axis_index("c")
    sid = lax.axis_index("s")
    wid = sid * NC + cid
    iota = lax.iota(jnp.int32, L)
    iota16 = iota * L

    bufs = (row0_v, row1_v)
    sems = (sem0, sem1)
    row0 = wid * ROWS_PER_W
    H = N // 2
    cp00 = pltpu.async_copy(x_hbm.at[row0, pl.ds(0, H)],
                            bufs[0].at[pl.ds(0, H)], sems[0])
    cp01 = pltpu.async_copy(x_hbm.at[row0, pl.ds(H, H)],
                            bufs[0].at[pl.ds(H, H)], sem2)

    def pass1(buf, lo, hi, casc):
        @pl.loop(lo, hi, init_carry=casc)
        def result(s, casc, buf=buf):
            base = s * (L * CW)
            vs = [buf[pl.ds(base + L * c, L)] for c in range(CW)]
            while len(vs) > 1:
                vs = [jnp.maximum(vs[i], vs[i + 1])
                      for i in range(0, len(vs), 2)]
            return _insert(casc, vs[0], iota + s * L)
        return result

    cps = [None] * ROWS_PER_W
    for r in range(ROWS_PER_W):
        buf = bufs[r % 2]
        if r + 1 < ROWS_PER_W:
            cps[r + 1] = pltpu.async_copy(
                x_hbm.at[row0 + r + 1], bufs[(r + 1) % 2], sems[(r + 1) % 2])
        if r == 0:
            cp00.wait()
            carry = pass1(buf, 0, NSEG // 2, _empty_cascade())
            cp01.wait()
            carry = pass1(buf, NSEG // 2, NSEG, carry)
        else:
            cps[r].wait()
            carry = pass1(buf, 0, NSEG, _empty_cascade())

        a1, a2, a3, j1, j2, j3 = carry
        cells = []
        for _ in range(4):
            sk, sv = plsc.sort_key_val(a1, j1, descending=True)
            vt, p = sk[0], sv[0]
            cells.append(p)
            lm = (j1 == p) & (a1 == vt)
            a1 = jnp.where(lm, a2, a1)
            j1 = jnp.where(lm, j2, j1)
            a2 = jnp.where(lm, a3, a2)
            j2 = jnp.where(lm, j3, j2)
            a3 = jnp.where(lm, NEG, a3)

        fc = _empty_cascade()
        for p in cells:
            gi = (p & (L - 1)) + (p >> 4) * (L * CW) + iota16
            for h in range(CW // L):
                gih = gi + h * (L * L)
                v = plsc.load_gather(buf, [gih])
                fc = _insert(fc, v, gih)

        a1, a2, a3, i1, i2, i3 = fc
        res = jnp.zeros((L,), jnp.int32)
        for t in range(3):
            sk, _ = plsc.sort_key_val(a1, i1, descending=True)
            vt = sk[0]
            mi = jnp.where(a1 == vt, i1, BIG)
            si, _ = plsc.sort_key_val(mi, mi)
            st = si[0]
            res = jnp.where(iota == t, st, res)
            lm = (i1 == st) & (a1 == vt)
            a1 = jnp.where(lm, a2, a1)
            i1 = jnp.where(lm, i2, i1)
            a2 = jnp.where(lm, a3, a2)
            i2 = jnp.where(lm, i3, i2)
            a3 = jnp.where(lm, NEG, a3)

        out_v[pl.ds(r * L, L)] = res

    pltpu.sync_copy(out_v, out_hbm.at[pl.ds(row0 * L, ROWS_PER_W * L)])


@functools.partial(
    pl.kernel,
    out_type=jax.ShapeDtypeStruct((R * L,), jnp.int32),
    mesh=plsc.VectorSubcoreMesh(core_axis_name="c", subcore_axis_name="s"),
    compiler_params=pltpu.CompilerParams(
        needs_layout_passes=False,
        disable_bounds_checks=True,
        disable_semaphore_checks=True,
        skip_device_barrier=True,
    ),
    scratch_types=[
        pltpu.VMEM((N,), jnp.float32),
        pltpu.VMEM((N,), jnp.float32),
        pltpu.VMEM((ROWS_PER_W * L,), jnp.int32),
        pltpu.SemaphoreType.DMA,
        pltpu.SemaphoreType.DMA,
        pltpu.SemaphoreType.DMA,
    ],
)
def _sc_topk(x_hbm, out_hbm, row0_v, row1_v, out_v,
             sem0, sem1, sem2):
    _body(x_hbm, out_hbm, row0_v, row1_v, out_v, sem0, sem1, sem2)


def kernel(x):
    return _sc_topk(x).reshape(R, L)[:, :3]

# --- scband reference (transcript-rebuilt; emitter-appended) ---
"""Pipeline reference for scband-top-kindices-method-62749472195501 (READ-ONLY COPY).

The authoritative reference and input builder live on the scoring server;
editing this copy changes nothing except your own understanding.
"""

import jax, jax.numpy as jnp
import numpy as np

def setup_inputs(seed: int = 0) -> dict:
    key = jax.random.key(seed)
    x = jax.random.normal(key, (128, 32768), dtype=jnp.float32)
    return {"x": x}

def reference(x) -> jnp.ndarray:
    # torch: x.topk(3)[1] -> indices of top-3 along last dim, largest=True, sorted=True
    _, idx = jax.lax.top_k(x, 3)
    return idx

if __name__ == "__main__":
    import jax
    _d = setup_inputs()
    print(jax.jit(kernel)(*tuple(_d.values())))

</pallas_src>

<mosaic_0001>
#map = affine_map<(d0, d1) -> (0, 0)>
#map1 = affine_map<(d0, d1) -> (0)>
module attributes {stable_mosaic.version = 14 : i64} {
  func.func @_sc_topk(%arg0: i32, %arg1: i32, %arg2: memref<128x32768xf32, #tpu.memory_space<hbm>>, %arg3: memref<2048xi32, #tpu.memory_space<hbm>>, %arg4: memref<32768xf32, #tpu.memory_space<vmem>>, %arg5: memref<32768xf32, #tpu.memory_space<vmem>>, %arg6: memref<64xi32, #tpu.memory_space<vmem>>, %arg7: memref<!tpu.dma_semaphore, #tpu.memory_space<semaphore_mem>>, %arg8: memref<!tpu.dma_semaphore, #tpu.memory_space<semaphore_mem>>, %arg9: memref<!tpu.dma_semaphore, #tpu.memory_space<semaphore_mem>>) attributes {dimension_semantics = [#tpu.dimension_semantics<core_parallel>, #tpu.dimension_semantics<subcore_parallel>], iteration_bounds = array<i64: 2, 16>, scalar_prefetch = 0 : i64, scratch_operands = 6 : i64, tpu.core_type = #tpu.core_type<sc_vector_subcore>, window_params = [{transform_indices = #map}, {transform_indices = #map1}]} {
    %mul3A = arith.constant 2 : i32
    %mul3A_0 = arith.muli %arg1, %mul3A : i32
    %add3A = arith.addi %mul3A_0, %arg0 : i32
    %iota3A = tpu.iota {dimensions = array<i32: 0>} : vector<16xi32>
    %mul3A_1 = arith.constant 16 : i32
    %mul3A_2 = vector.broadcast %mul3A_1 : i32 to vector<16xi32>
    %mul3A_3 = arith.muli %iota3A, %mul3A_2 : vector<16xi32>
    %mul3A_4 = arith.constant 4 : i32
    %mul3A_5 = arith.muli %add3A, %mul3A_4 : i32
    %dma_start3A = arith.constant 0 : i32
    %dma_start3A_6 = tpu.memref_slice %arg4[%dma_start3A] : memref<32768xf32, #tpu.memory_space<vmem>> -> memref<16384xf32, #tpu.memory_space<vmem>>
    %dma_start3A_7 = arith.constant 0 : i32
    %dma_start3A_8 = tpu.memref_slice %arg2[%mul3A_5, %dma_start3A_7] : memref<128x32768xf32, #tpu.memory_space<hbm>> -> memref<1x16384xf32, #tpu.memory_space<hbm>>
    %dma_start3A_9 = tpu.memref_squeeze %dma_start3A_8 : memref<1x16384xf32, #tpu.memory_space<hbm>> -> memref<16384xf32, #tpu.memory_space<hbm>>
    %dma_start3A_10 = arith.constant 0 : i32
    %dma_start3A_11 = tpu.memref_slice %arg4[%dma_start3A_10] : memref<32768xf32, #tpu.memory_space<vmem>> -> memref<16384xf32, #tpu.memory_space<vmem>>
    %dma_start3A_12 = arith.constant 0 : i32
    %dma_start3A_13 = tpu.memref_slice %arg2[%mul3A_5, %dma_start3A_12] : memref<128x32768xf32, #tpu.memory_space<hbm>> -> memref<1x16384xf32, #tpu.memory_space<hbm>>
    %dma_start3A_14 = tpu.memref_squeeze %dma_start3A_13 : memref<1x16384xf32, #tpu.memory_space<hbm>> -> memref<16384xf32, #tpu.memory_space<hbm>>
    tpu.enqueue_dma source(%dma_start3A_14 : memref<16384xf32, #tpu.memory_space<hbm>>) target(%dma_start3A_11 : memref<16384xf32, #tpu.memory_space<vmem>>) target_semaphore(%arg7 : memref<!tpu.dma_semaphore, #tpu.memory_space<semaphore_mem>>)
    %dma_start3A_15 = arith.constant 16384 : i32
    %dma_start3A_16 = tpu.memref_slice %arg4[%dma_start3A_15] : memref<32768xf32, #tpu.memory_space<vmem>> -> memref<16384xf32, #tpu.memory_space<vmem>>
    %dma_start3A_17 = arith.constant 16384 : i32
    %dma_start3A_18 = tpu.memref_slice %arg2[%mul3A_5, %dma_start3A_17] : memref<128x32768xf32, #tpu.memory_space<hbm>> -> memref<1x16384xf32, #tpu.memory_space<hbm>>
    %dma_start3A_19 = tpu.memref_squeeze %dma_start3A_18 : memref<1x16384xf32, #tpu.memory_space<hbm>> -> memref<16384xf32, #tpu.memory_space<hbm>>
    %dma_start3A_20 = arith.constant 16384 : i32
    %dma_start3A_21 = tpu.memref_slice %arg4[%dma_start3A_20] : memref<32768xf32, #tpu.memory_space<vmem>> -> memref<16384xf32, #tpu.memory_space<vmem>>
    %dma_start3A_22 = arith.constant 16384 : i32
    %dma_start3A_23 = tpu.memref_slice %arg2[%mul3A_5, %dma_start3A_22] : memref<128x32768xf32, #tpu.memory_space<hbm>> -> memref<1x16384xf32, #tpu.memory_space<hbm>>
    %dma_start3A_24 = tpu.memref_squeeze %dma_start3A_23 : memref<1x16384xf32, #tpu.memory_space<hbm>> -> memref<16384xf32, #tpu.memory_space<hbm>>
    tpu.enqueue_dma source(%dma_start3A_24 : memref<16384xf32, #tpu.memory_space<hbm>>) target(%dma_start3A_21 : memref<16384xf32, #tpu.memory_space<vmem>>) target_semaphore(%arg9 : memref<!tpu.dma_semaphore, #tpu.memory_space<semaphore_mem>>)
    %add3A_25 = arith.constant 0 : i32
    %add3A_26 = arith.addi %mul3A_5, %add3A_25 : i32
    %add3A_27 = arith.constant 1 : i32
    %add3A_28 = arith.addi %add3A_26, %add3A_27 : i32
    %dma_start3A_29 = arith.constant 0 : i32
    %dma_start3A_30 = tpu.memref_slice %arg2[%add3A_28, %dma_start3A_29] : memref<128x32768xf32, #tpu.memory_space<hbm>> -> memref<1x32768xf32, #tpu.memory_space<hbm>>
    %dma_start3A_31 = tpu.memref_squeeze %dma_start3A_30 : memref<1x32768xf32, #tpu.memory_space<hbm>> -> memref<32768xf32, #tpu.memory_space<hbm>>
    %dma_start3A_32 = arith.constant 0 : i32
    %dma_start3A_33 = tpu.memref_slice %arg2[%add3A_28, %dma_start3A_32] : memref<128x32768xf32, #tpu.memory_space<hbm>> -> memref<1x32768xf32, #tpu.memory_space<hbm>>
    %dma_start3A_34 = tpu.memref_squeeze %dma_start3A_33 : memref<1x32768xf32, #tpu.memory_space<hbm>> -> memref<32768xf32, #tpu.memory_space<hbm>>
    tpu.enqueue_dma source(%dma_start3A_34 : memref<32768xf32, #tpu.memory_space<hbm>>) target(%arg5 : memref<32768xf32, #tpu.memory_space<vmem>>) target_semaphore(%arg8 : memref<!tpu.dma_semaphore, #tpu.memory_space<semaphore_mem>>)
    %dma_wait3A = arith.constant 0 : i32
    %dma_wait3A_35 = tpu.memref_slice %arg4[%dma_wait3A] : memref<32768xf32, #tpu.memory_space<vmem>> -> memref<16384xf32, #tpu.memory_space<vmem>>
    %dma_wait3A_36 = arith.constant 0 : i32
    %dma_wait3A_37 = tpu.memref_slice %arg2[%mul3A_5, %dma_wait3A_36] : memref<128x32768xf32, #tpu.memory_space<hbm>> -> memref<1x16384xf32, #tpu.memory_space<hbm>>
    %dma_wait3A_38 = tpu.memref_squeeze %dma_wait3A_37 : memref<1x16384xf32, #tpu.memory_space<hbm>> -> memref<16384xf32, #tpu.memory_space<hbm>>
    %dma_wait3A_39 = arith.constant 0 : i32
    %dma_wait3A_40 = tpu.memref_slice %arg4[%dma_wait3A_39] : memref<32768xf32, #tpu.memory_space<vmem>> -> memref<16384xf32, #tpu.memory_space<vmem>>
    %dma_wait3A_41 = arith.constant 0 : i32
    %dma_wait3A_42 = tpu.memref_slice %arg2[%mul3A_5, %dma_wait3A_41] : memref<128x32768xf32, #tpu.memory_space<hbm>> -> memref<1x16384xf32, #tpu.memory_space<hbm>>
    %dma_wait3A_43 = tpu.memref_squeeze %dma_wait3A_42 : memref<1x16384xf32, #tpu.memory_space<hbm>> -> memref<16384xf32, #tpu.memory_space<hbm>>
    tpu.wait_dma2 semaphore(%arg7 : memref<!tpu.dma_semaphore, #tpu.memory_space<semaphore_mem>>) src(%dma_wait3A_43 : memref<16384xf32, #tpu.memory_space<hbm>>) dst(%dma_wait3A_40 : memref<16384xf32, #tpu.memory_space<vmem>>)
    %broadcast_in_dim3A = arith.constant 0xFF800000 : f32
    %broadcast_in_dim3A_44 = vector.broadcast %broadcast_in_dim3A : f32 to vector<16xf32>
    %broadcast_in_dim3A_45 = arith.constant 0xFF800000 : f32
    %broadcast_in_dim3A_46 = vector.broadcast %broadcast_in_dim3A_45 : f32 to vector<16xf32>
    %broadcast_in_dim3A_47 = arith.constant 0xFF800000 : f32
    %broadcast_in_dim3A_48 = vector.broadcast %broadcast_in_dim3A_47 : f32 to vector<16xf32>
    %broadcast_in_dim3A_49 = arith.constant 0 : i32
    %broadcast_in_dim3A_50 = vector.broadcast %broadcast_in_dim3A_49 : i32 to vector<16xi32>
    %broadcast_in_dim3A_51 = arith.constant 0 : i32
    %broadcast_in_dim3A_52 = vector.broadcast %broadcast_in_dim3A_51 : i32 to vector<16xi32>
    %broadcast_in_dim3A_53 = arith.constant 0 : i32
    %broadcast_in_dim3A_54 = vector.broadcast %broadcast_in_dim3A_53 : i32 to vector<16xi32>
    %scan3A = arith.constant 0 : i32
    %scan3A_55 = arith.constant 32 : i32
    %scan3A_56 = arith.addi %scan3A, %scan3A_55 : i32
    %scan3A_57 = arith.constant 1 : i32
    %scan3A_58:6 = scf.for %scan3A_1685 = %scan3A to %scan3A_56 step %scan3A_57 iter_args(%scan3A_1686 = %broadcast_in_dim3A_44, %scan3A_1687 = %broadcast_in_dim3A_46, %scan3A_1688 = %broadcast_in_dim3A_48, %scan3A_1689 = %broadcast_in_dim3A_50, %scan3A_1690 = %broadcast_in_dim3A_52, %scan3A_1691 = %broadcast_in_dim3A_54) -> (vector<16xf32>, vector<16xf32>, vector<16xf32>, vector<16xi32>, vector<16xi32>, vector<16xi32>)  : i32 {
      %mul3A_1692 = arith.constant 1 : i32
      %mul3A_1693 = arith.muli %scan3A_1685, %mul3A_1692 : i32
      %add3A_1694 = arith.constant 0 : i32
      %add3A_1695 = arith.addi %add3A_1694, %mul3A_1693 : i32
      %mul3A_1696 = arith.constant 512 : i32
      %mul3A_1697 = arith.muli %add3A_1695, %mul3A_1696 : i32
      %add3A_1698 = arith.constant 0 : i32
      %add3A_1699 = arith.addi %mul3A_1697, %add3A_1698 : i32
      %get3A = arith.index_cast %add3A_1699 : i32 to index
      %get3A_1700 = tpu.vector_load %arg4[%get3A] {strides = array<i32>} : memref<32768xf32, #tpu.memory_space<vmem>>, vector<16xf32>,
      %add3A_1701 = arith.constant 16 : i32
      %add3A_1702 = arith.addi %mul3A_1697, %add3A_1701 : i32
      %get3A_1703 = arith.index_cast %add3A_1702 : i32 to index
      %get3A_1704 = tpu.vector_load %arg4[%get3A_1703] {strides = array<i32>} : memref<32768xf32, #tpu.memory_space<vmem>>, vector<16xf32>,
      %add3A_1705 = arith.constant 32 : i32
      %add3A_1706 = arith.addi %mul3A_1697, %add3A_1705 : i32
      %get3A_1707 = arith.index_cast %add3A_1706 : i32 to index
      %get3A_1708 = tpu.vector_load %arg4[%get3A_1707] {strides = array<i32>} : memref<32768xf32, #tpu.memory_space<vmem>>, vector<16xf32>,
      %add3A_1709 = arith.constant 48 : i32
      %add3A_1710 = arith.addi %mul3A_1697, %add3A_1709 : i32
      %get3A_1711 = arith.index_cast %add3A_1710 : i32 to index
      %get3A_1712 = tpu.vector_load %arg4[%get3A_1711] {strides = array<i32>} : memref<32768xf32, #tpu.memory_space<vmem>>, vector<16xf32>,
      %add3A_1713 = arith.constant 64 : i32
      %add3A_1714 = arith.addi %mul3A_1697, %add3A_1713 : i32
      %get3A_1715 = arith.index_cast %add3A_1714 : i32 to index
      %get3A_1716 = tpu.vector_load %arg4[%get3A_1715] {strides = array<i32>} : memref<32768xf32, #tpu.memory_space<vmem>>, vector<16xf32>,
      %add3A_1717 = arith.constant 80 : i32
      %add3A_1718 = arith.addi %mul3A_1697, %add3A_1717 : i32
      %get3A_1719 = arith.index_cast %add3A_1718 : i32 to index
      %get3A_1720 = tpu.vector_load %arg4[%get3A_1719] {strides = array<i32>} : memref<32768xf32, #tpu.memory_space<vmem>>, vector<16xf32>,
      %add3A_1721 = arith.constant 96 : i32
      %add3A_1722 = arith.addi %mul3A_1697, %add3A_1721 : i32
      %get3A_1723 = arith.index_cast %add3A_1722 : i32 to index
      %get3A_1724 = tpu.vector_load %arg4[%get3A_1723] {strides = array<i32>} : memref<32768xf32, #tpu.memory_space<vmem>>, vector<16xf32>,
      %add3A_1725 = arith.constant 112 : i32
      %add3A_1726 = arith.addi %mul3A_1697, %add3A_1725 : i32
      %get3A_1727 = arith.index_cast %add3A_1726 : i32 to index
      %get3A_1728 = tpu.vector_load %arg4[%get3A_1727] {strides = array<i32>} : memref<32768xf32, #tpu.memory_space<vmem>>, vector<16xf32>,
      %add3A_1729 = arith.constant 128 : i32
      %add3A_1730 = arith.addi %mul3A_1697, %add3A_1729 : i32
      %get3A_1731 = arith.index_cast %add3A_1730 : i32 to index
      %get3A_1732 = tpu.vector_load %arg4[%get3A_1731] {strides = array<i32>} : memref<32768xf32, #tpu.memory_space<vmem>>, vector<16xf32>,
      %add3A_1733 = arith.constant 144 : i32
      %add3A_1734 = arith.addi %mul3A_1697, %add3A_1733 : i32
      %get3A_1735 = arith.index_cast %add3A_1734 : i32 to index
      %get3A_1736 = tpu.vector_load %arg4[%get3A_1735] {strides = array<i32>} : memref<32768xf32, #tpu.memory_space<vmem>>, vector<16xf32>,
      %add3A_1737 = arith.constant 160 : i32
      %add3A_1738 = arith.addi %mul3A_1697, %add3A_1737 : i32
      %get3A_1739 = arith.index_cast %add3A_1738 : i32 to index
      %get3A_1740 = tpu.vector_load %arg4[%get3A_1739] {strides = array<i32>} : memref<32768xf32, #tpu.memory_space<vmem>>, vector<16xf32>,
      %add3A_1741 = arith.constant 176 : i32
      %add3A_1742 = arith.addi %mul3A_1697, %add3A_1741 : i32
      %get3A_1743 = arith.index_cast %add3A_1742 : i32 to index
      %get3A_1744 = tpu.vector_load %arg4[%get3A_1743] {strides = array<i32>} : memref<32768xf32, #tpu.memory_space<vmem>>, vector<16xf32>,
      %add3A_1745 = arith.constant 192 : i32
      %add3A_1746 = arith.addi %mul3A_1697, %add3A_1745 : i32
      %get3A_1747 = arith.index_cast %add3A_1746 : i32 to index
      %get3A_1748 = tpu.vector_load %arg4[%get3A_1747] {strides = array<i32>} : memref<32768xf32, #tpu.memory_space<vmem>>, vector<16xf32>,
      %add3A_1749 = arith.constant 208 : i32
      %add3A_1750 = arith.addi %mul3A_1697, %add3A_1749 : i32
      %get3A_1751 = arith.index_cast %add3A_1750 : i32 to index
      %get3A_1752 = tpu.vector_load %arg4[%get3A_1751] {strides = array<i32>} : memref<32768xf32, #tpu.memory_space<vmem>>, vector<16xf32>,
      %add3A_1753 = arith.constant 224 : i32
      %add3A_1754 = arith.addi %mul3A_1697, %add3A_1753 : i32
      %get3A_1755 = arith.index_cast %add3A_1754 : i32 to index
      %get3A_1756 = tpu.vector_load %arg4[%get3A_1755] {strides = array<i32>} : memref<32768xf32, #tpu.memory_space<vmem>>, vector<16xf32>,
      %add3A_1757 = arith.constant 240 : i32
      %add3A_1758 = arith.addi %mul3A_1697, %add3A_1757 : i32
      %get3A_1759 = arith.index_cast %add3A_1758 : i32 to index
      %get3A_1760 = tpu.vector_load %arg4[%get3A_1759] {strides = array<i32>} : memref<32768xf32, #tpu.memory_space<vmem>>, vector<16xf32>,
      %add3A_1761 = arith.constant 256 : i32
      %add3A_1762 = arith.addi %mul3A_1697, %add3A_1761 : i32
      %get3A_1763 = arith.index_cast %add3A_1762 : i32 to index
      %get3A_1764 = tpu.vector_load %arg4[%get3A_1763] {strides = array<i32>} : memref<32768xf32, #tpu.memory_space<vmem>>, vector<16xf32>,
      %add3A_1765 = arith.constant 272 : i32
      %add3A_1766 = arith.addi %mul3A_1697, %add3A_1765 : i32
      %get3A_1767 = arith.index_cast %add3A_1766 : i32 to index
      %get3A_1768 = tpu.vector_load %arg4[%get3A_1767] {strides = array<i32>} : memref<32768xf32, #tpu.memory_space<vmem>>, vector<16xf32>,
      %add3A_1769 = arith.constant 288 : i32
      %add3A_1770 = arith.addi %mul3A_1697, %add3A_1769 : i32
      %get3A_1771 = arith.index_cast %add3A_1770 : i32 to index
      %get3A_1772 = tpu.vector_load %arg4[%get3A_1771] {strides = array<i32>} : memref<32768xf32, #tpu.memory_space<vmem>>, vector<16xf32>,
      %add3A_1773 = arith.constant 304 : i32
      %add3A_1774 = arith.addi %mul3A_1697, %add3A_1773 : i32
      %get3A_1775 = arith.index_cast %add3A_1774 : i32 to index
      %get3A_1776 = tpu.vector_load %arg4[%get3A_1775] {strides = array<i32>} : memref<32768xf32, #tpu.memory_space<vmem>>, vector<16xf32>,
      %add3A_1777 = arith.constant 320 : i32
      %add3A_1778 = arith.addi %mul3A_1697, %add3A_1777 : i32
      %get3A_1779 = arith.index_cast %add3A_1778 : i32 to index
      %get3A_1780 = tpu.vector_load %arg4[%get3A_1779] {strides = array<i32>} : memref<32768xf32, #tpu.memory_space<vmem>>, vector<16xf32>,
      %add3A_1781 = arith.constant 336 : i32
      %add3A_1782 = arith.addi %mul3A_1697, %add3A_1781 : i32
      %get3A_1783 = arith.index_cast %add3A_1782 : i32 to index
      %get3A_1784 = tpu.vector_load %arg4[%get3A_1783] {strides = array<i32>} : memref<32768xf32, #tpu.memory_space<vmem>>, vector<16xf32>,
      %add3A_1785 = arith.constant 352 : i32
      %add3A_1786 = arith.addi %mul3A_1697, %add3A_1785 : i32
      %get3A_1787 = arith.index_cast %add3A_1786 : i32 to index
      %get3A_1788 = tpu.vector_load %arg4[%get3A_1787] {strides = array<i32>} : memref<32768xf32, #tpu.memory_space<vmem>>, vector<16xf32>,
      %add3A_1789 = arith.constant 368 : i32
      %add3A_1790 = arith.addi %mul3A_1697, %add3A_1789 : i32
      %get3A_1791 = arith.index_cast %add3A_1790 : i32 to index
      %get3A_1792 = tpu.vector_load %arg4[%get3A_1791] {strides = array<i32>} : memref<32768xf32, #tpu.memory_space<vmem>>, vector<16xf32>,
      %add3A_1793 = arith.constant 384 : i32
      %add3A_1794 = arith.addi %mul3A_1697, %add3A_1793 : i32
      %get3A_1795 = arith.index_cast %add3A_1794 : i32 to index
      %get3A_1796 = tpu.vector_load %arg4[%get3A_1795] {strides = array<i32>} : memref<32768xf32, #tpu.memory_space<vmem>>, vector<16xf32>,
      %add3A_1797 = arith.constant 400 : i32
      %add3A_1798 = arith.addi %mul3A_1697, %add3A_1797 : i32
      %get3A_1799 = arith.index_cast %add3A_1798 : i32 to index
      %get3A_1800 = tpu.vector_load %arg4[%get3A_1799] {strides = array<i32>} : memref<32768xf32, #tpu.memory_space<vmem>>, vector<16xf32>,
      %add3A_1801 = arith.constant 416 : i32
      %add3A_1802 = arith.addi %mul3A_1697, %add3A_1801 : i32
      %get3A_1803 = arith.index_cast %add3A_1802 : i32 to index
      %get3A_1804 = tpu.vector_load %arg4[%get3A_1803] {strides = array<i32>} : memref<32768xf32, #tpu.memory_space<vmem>>, vector<16xf32>,
      %add3A_1805 = arith.constant 432 : i32
      %add3A_1806 = arith.addi %mul3A_1697, %add3A_1805 : i32
      %get3A_1807 = arith.index_cast %add3A_1806 : i32 to index
      %get3A_1808 = tpu.vector_load %arg4[%get3A_1807] {strides = array<i32>} : memref<32768xf32, #tpu.memory_space<vmem>>, vector<16xf32>,
      %add3A_1809 = arith.constant 448 : i32
      %add3A_1810 = arith.addi %mul3A_1697, %add3A_1809 : i32
      %get3A_1811 = arith.index_cast %add3A_1810 : i32 to index
      %get3A_1812 = tpu.vector_load %arg4[%get3A_1811] {strides = array<i32>} : memref<32768xf32, #tpu.memory_space<vmem>>, vector<16xf32>,
      %add3A_1813 = arith.constant 464 : i32
      %add3A_1814 = arith.addi %mul3A_1697, %add3A_1813 : i32
      %get3A_1815 = arith.index_cast %add3A_1814 : i32 to index
      %get3A_1816 = tpu.vector_load %arg4[%get3A_1815] {strides = array<i32>} : memref<32768xf32, #tpu.memory_space<vmem>>, vector<16xf32>,
      %add3A_1817 = arith.constant 480 : i32
      %add3A_1818 = arith.addi %mul3A_1697, %add3A_1817 : i32
      %get3A_1819 = arith.index_cast %add3A_1818 : i32 to index
      %get3A_1820 = tpu.vector_load %arg4[%get3A_1819] {strides = array<i32>} : memref<32768xf32, #tpu.memory_space<vmem>>, vector<16xf32>,
      %add3A_1821 = arith.constant 496 : i32
      %add3A_1822 = arith.addi %mul3A_1697, %add3A_1821 : i32
      %get3A_1823 = arith.index_cast %add3A_1822 : i32 to index
      %get3A_1824 = tpu.vector_load %arg4[%get3A_1823] {strides = array<i32>} : memref<32768xf32, #tpu.memory_space<vmem>>, vector<16xf32>,
      %max3A_1825 = arith.maximumf %get3A_1700, %get3A_1704 : vector<16xf32>
      %max3A_1826 = arith.maximumf %get3A_1708, %get3A_1712 : vector<16xf32>
      %max3A_1827 = arith.maximumf %get3A_1716, %get3A_1720 : vector<16xf32>
      %max3A_1828 = arith.maximumf %get3A_1724, %get3A_1728 : vector<16xf32>
      %max3A_1829 = arith.maximumf %get3A_1732, %get3A_1736 : vector<16xf32>
      %max3A_1830 = arith.maximumf %get3A_1740, %get3A_1744 : vector<16xf32>
      %max3A_1831 = arith.maximumf %get3A_1748, %get3A_1752 : vector<16xf32>
      %max3A_1832 = arith.maximumf %get3A_1756, %get3A_1760 : vector<16xf32>
      %max3A_1833 = arith.maximumf %get3A_1764, %get3A_1768 : vector<16xf32>
      %max3A_1834 = arith.maximumf %get3A_1772, %get3A_1776 : vector<16xf32>
      %max3A_1835 = arith.maximumf %get3A_1780, %get3A_1784 : vector<16xf32>
      %max3A_1836 = arith.maximumf %get3A_1788, %get3A_1792 : vector<16xf32>
      %max3A_1837 = arith.maximumf %get3A_1796, %get3A_1800 : vector<16xf32>
      %max3A_1838 = arith.maximumf %get3A_1804, %get3A_1808 : vector<16xf32>
      %max3A_1839 = arith.maximumf %get3A_1812, %get3A_1816 : vector<16xf32>
      %max3A_1840 = arith.maximumf %get3A_1820, %get3A_1824 : vector<16xf32>
      %max3A_1841 = arith.maximumf %max3A_1825, %max3A_1826 : vector<16xf32>
      %max3A_1842 = arith.maximumf %max3A_1827, %max3A_1828 : vector<16xf32>
      %max3A_1843 = arith.maximumf %max3A_1829, %max3A_1830 : vector<16xf32>
      %max3A_1844 = arith.maximumf %max3A_1831, %max3A_1832 : vector<16xf32>
      %max3A_1845 = arith.maximumf %max3A_1833, %max3A_1834 : vector<16xf32>
      %max3A_1846 = arith.maximumf %max3A_1835, %max3A_1836 : vector<16xf32>
      %max3A_1847 = arith.maximumf %max3A_1837, %max3A_1838 : vector<16xf32>
      %max3A_1848 = arith.maximumf %max3A_1839, %max3A_1840 : vector<16xf32>
      %max3A_1849 = arith.maximumf %max3A_1841, %max3A_1842 : vector<16xf32>
      %max3A_1850 = arith.maximumf %max3A_1843, %max3A_1844 : vector<16xf32>
      %max3A_1851 = arith.maximumf %max3A_1845, %max3A_1846 : vector<16xf32>
      %max3A_1852 = arith.maximumf %max3A_1847, %max3A_1848 : vector<16xf32>
      %max3A_1853 = arith.maximumf %max3A_1849, %max3A_1850 : vector<16xf32>
      %max3A_1854 = arith.maximumf %max3A_1851, %max3A_1852 : vector<16xf32>
      %max3A_1855 = arith.maximumf %max3A_1853, %max3A_1854 : vector<16xf32>
      %mul3A_1856 = arith.constant 16 : i32
      %mul3A_1857 = arith.muli %add3A_1695, %mul3A_1856 : i32
      %add3A_1858 = vector.broadcast %mul3A_1857 : i32 to vector<16xi32>
      %add3A_1859 = arith.addi %iota3A, %add3A_1858 : vector<16xi32>
      %gt3A_1860 = arith.cmpf ogt, %max3A_1855, %scan3A_1686 : vector<16xf32>
      %max3A_1861 = arith.maximumf %max3A_1855, %scan3A_1686 : vector<16xf32>
      %min3A_1862 = arith.minimumf %max3A_1855, %scan3A_1686 : vector<16xf32>
      %select_n3A_1863 = arith.select %gt3A_1860, %add3A_1859, %scan3A_1689 : vector<16xi1>, vector<16xi32>
      %select_n3A_1864 = arith.select %gt3A_1860, %scan3A_1689, %add3A_1859 : vector<16xi1>, vector<16xi32>
      %gt3A_1865 = arith.cmpf ogt, %min3A_1862, %scan3A_1687 : vector<16xf32>
      %max3A_1866 = arith.maximumf %min3A_1862, %scan3A_1687 : vector<16xf32>
      %min3A_1867 = arith.minimumf %min3A_1862, %scan3A_1687 : vector<16xf32>
      %select_n3A_1868 = arith.select %gt3A_1865, %select_n3A_1864, %scan3A_1690 : vector<16xi1>, vector<16xi32>
      %select_n3A_1869 = arith.select %gt3A_1865, %scan3A_1690, %select_n3A_1864 : vector<16xi1>, vector<16xi32>
      %gt3A_1870 = arith.cmpf ogt, %min3A_1867, %scan3A_1688 : vector<16xf32>
      %max3A_1871 = arith.maximumf %min3A_1867, %scan3A_1688 : vector<16xf32>
      %select_n3A_1872 = arith.select %gt3A_1870, %select_n3A_1869, %scan3A_1691 : vector<16xi1>, vector<16xi32>
      scf.yield %max3A_1861, %max3A_1866, %max3A_1871, %select_n3A_1863, %select_n3A_1868, %select_n3A_1872 : vector<16xf32>, vector<16xf32>, vector<16xf32>, vector<16xi32>, vector<16xi32>, vector<16xi32>
    }
    %scan3A_59 = arith.constant 32 : i32
    %dma_wait3A_60 = arith.constant 16384 : i32
    %dma_wait3A_61 = tpu.memref_slice %arg4[%dma_wait3A_60] : memref<32768xf32, #tpu.memory_space<vmem>> -> memref<16384xf32, #tpu.memory_space<vmem>>
    %dma_wait3A_62 = arith.constant 16384 : i32
    %dma_wait3A_63 = tpu.memref_slice %arg2[%mul3A_5, %dma_wait3A_62] : memref<128x32768xf32, #tpu.memory_space<hbm>> -> memref<1x16384xf32, #tpu.memory_space<hbm>>
    %dma_wait3A_64 = tpu.memref_squeeze %dma_wait3A_63 : memref<1x16384xf32, #tpu.memory_space<hbm>> -> memref<16384xf32, #tpu.memory_space<hbm>>
    %dma_wait3A_65 = arith.constant 16384 : i32
    %dma_wait3A_66 = tpu.memref_slice %arg4[%dma_wait3A_65] : memref<32768xf32, #tpu.memory_space<vmem>> -> memref<16384xf32, #tpu.memory_space<vmem>>
    %dma_wait3A_67 = arith.constant 16384 : i32
    %dma_wait3A_68 = tpu.memref_slice %arg2[%mul3A_5, %dma_wait3A_67] : memref<128x32768xf32, #tpu.memory_space<hbm>> -> memref<1x16384xf32, #tpu.memory_space<hbm>>
    %dma_wait3A_69 = tpu.memref_squeeze %dma_wait3A_68 : memref<1x16384xf32, #tpu.memory_space<hbm>> -> memref<16384xf32, #tpu.memory_space<hbm>>
    tpu.wait_dma2 semaphore(%arg9 : memref<!tpu.dma_semaphore, #tpu.memory_space<semaphore_mem>>) src(%dma_wait3A_69 : memref<16384xf32, #tpu.memory_space<hbm>>) dst(%dma_wait3A_66 : memref<16384xf32, #tpu.memory_space<vmem>>)
    %scan3A_70 = arith.constant 0 : i32
    %scan3A_71 = arith.constant 32 : i32
    %scan3A_72 = arith.addi %scan3A_70, %scan3A_71 : i32
    %scan3A_73 = arith.constant 1 : i32
    %scan3A_74:6 = scf.for %scan3A_1685 = %scan3A_70 to %scan3A_72 step %scan3A_73 iter_args(%scan3A_1686 = %scan3A_58#0, %scan3A_1687 = %scan3A_58#1, %scan3A_1688 = %scan3A_58#2, %scan3A_1689 = %scan3A_58#3, %scan3A_1690 = %scan3A_58#4, %scan3A_1691 = %scan3A_58#5) -> (vector<16xf32>, vector<16xf32>, vector<16xf32>, vector<16xi32>, vector<16xi32>, vector<16xi32>)  : i32 {
      %mul3A_1692 = arith.constant 1 : i32
      %mul3A_1693 = arith.muli %scan3A_1685, %mul3A_1692 : i32
      %add3A_1694 = arith.constant 32 : i32
      %add3A_1695 = arith.addi %add3A_1694, %mul3A_1693 : i32
      %mul3A_1696 = arith.constant 512 : i32
      %mul3A_1697 = arith.muli %add3A_1695, %mul3A_1696 : i32
      %add3A_1698 = arith.constant 0 : i32
      %add3A_1699 = arith.addi %mul3A_1697, %add3A_1698 : i32
      %get3A = arith.index_cast %add3A_1699 : i32 to index
      %get3A_1700 = tpu.vector_load %arg4[%get3A] {strides = array<i32>} : memref<32768xf32, #tpu.memory_space<vmem>>, vector<16xf32>,
      %add3A_1701 = arith.constant 16 : i32
      %add3A_1702 = arith.addi %mul3A_1697, %add3A_1701 : i32
      %get3A_1703 = arith.index_cast %add3A_1702 : i32 to index
      %get3A_1704 = tpu.vector_load %arg4[%get3A_1703] {strides = array<i32>} : memref<32768xf32, #tpu.memory_space<vmem>>, vector<16xf32>,
      %add3A_1705 = arith.constant 32 : i32
      %add3A_1706 = arith.addi %mul3A_1697, %add3A_1705 : i32
      %get3A_1707 = arith.index_cast %add3A_1706 : i32 to index
      %get3A_1708 = tpu.vector_load %arg4[%get3A_1707] {strides = array<i32>} : memref<32768xf32, #tpu.memory_space<vmem>>, vector<16xf32>,
      %add3A_1709 = arith.constant 48 : i32
      %add3A_1710 = arith.addi %mul3A_1697, %add3A_1709 : i32
      %get3A_1711 = arith.index_cast %add3A_1710 : i32 to index
      %get3A_1712 = tpu.vector_load %arg4[%get3A_1711] {strides = array<i32>} : memref<32768xf32, #tpu.memory_space<vmem>>, vector<16xf32>,
      %add3A_1713 = arith.constant 64 : i32
      %add3A_1714 = arith.addi %mul3A_1697, %add3A_1713 : i32
      %get3A_1715 = arith.index_cast %add3A_1714 : i32 to index
      %get3A_1716 = tpu.vector_load %arg4[%get3A_1715] {strides = array<i32>} : memref<32768xf32, #tpu.memory_space<vmem>>, vector<16xf32>,
      %add3A_1717 = arith.constant 80 : i32
      %add3A_1718 = arith.addi %mul3A_1697, %add3A_1717 : i32
      %get3A_1719 = arith.index_cast %add3A_1718 : i32 to index
      %get3A_1720 = tpu.vector_load %arg4[%get3A_1719] {strides = array<i32>} : memref<32768xf32, #tpu.memory_space<vmem>>, vector<16xf32>,
      %add3A_1721 = arith.constant 96 : i32
      %add3A_1722 = arith.addi %mul3A_1697, %add3A_1721 : i32
      %get3A_1723 = arith.index_cast %add3A_1722 : i32 to index
      %get3A_1724 = tpu.vector_load %arg4[%get3A_1723] {strides = array<i32>} : memref<32768xf32, #tpu.memory_space<vmem>>, vector<16xf32>,
      %add3A_1725 = arith.constant 112 : i32
      %add3A_1726 = arith.addi %mul3A_1697, %add3A_1725 : i32
      %get3A_1727 = arith.index_cast %add3A_1726 : i32 to index
      %get3A_1728 = tpu.vector_load %arg4[%get3A_1727] {strides = array<i32>} : memref<32768xf32, #tpu.memory_space<vmem>>, vector<16xf32>,
      %add3A_1729 = arith.constant 128 : i32
      %add3A_1730 = arith.addi %mul3A_1697, %add3A_1729 : i32
      %get3A_1731 = arith.index_cast %add3A_1730 : i32 to index
      %get3A_1732 = tpu.vector_load %arg4[%get3A_1731] {strides = array<i32>} : memref<32768xf32, #tpu.memory_space<vmem>>, vector<16xf32>,
      %add3A_1733 = arith.constant 144 : i32
      %add3A_1734 = arith.addi %mul3A_1697, %add3A_1733 : i32
      %get3A_1735 = arith.index_cast %add3A_1734 : i32 to index
      %get3A_1736 = tpu.vector_load %arg4[%get3A_1735] {strides = array<i32>} : memref<32768xf32, #tpu.memory_space<vmem>>, vector<16xf32>,
      %add3A_1737 = arith.constant 160 : i32
      %add3A_1738 = arith.addi %mul3A_1697, %add3A_1737 : i32
      %get3A_1739 = arith.index_cast %add3A_1738 : i32 to index
      %get3A_1740 = tpu.vector_load %arg4[%get3A_1739] {strides = array<i32>} : memref<32768xf32, #tpu.memory_space<vmem>>, vector<16xf32>,
      %add3A_1741 = arith.constant 176 : i32
      %add3A_1742 = arith.addi %mul3A_1697, %add3A_1741 : i32
      %get3A_1743 = arith.index_cast %add3A_1742 : i32 to index
      %get3A_1744 = tpu.vector_load %arg4[%get3A_1743] {strides = array<i32>} : memref<32768xf32, #tpu.memory_space<vmem>>, vector<16xf32>,
      %add3A_1745 = arith.constant 192 : i32
      %add3A_1746 = arith.addi %mul3A_1697, %add3A_1745 : i32
      %get3A_1747 = arith.index_cast %add3A_1746 : i32 to index
      %get3A_1748 = tpu.vector_load %arg4[%get3A_1747] {strides = array<i32>} : memref<32768xf32, #tpu.memory_space<vmem>>, vector<16xf32>,
      %add3A_1749 = arith.constant 208 : i32
      %add3A_1750 = arith.addi %mul3A_1697, %add3A_1749 : i32
      %get3A_1751 = arith.index_cast %add3A_1750 : i32 to index
      %get3A_1752 = tpu.vector_load %arg4[%get3A_1751] {strides = array<i32>} : memref<32768xf32, #tpu.memory_space<vmem>>, vector<16xf32>,
      %add3A_1753 = arith.constant 224 : i32
      %add3A_1754 = arith.addi %mul3A_1697, %add3A_1753 : i32
      %get3A_1755 = arith.index_cast %add3A_1754 : i32 to index
      %get3A_1756 = tpu.vector_load %arg4[%get3A_1755] {strides = array<i32>} : memref<32768xf32, #tpu.memory_space<vmem>>, vector<16xf32>,
      %add3A_1757 = arith.constant 240 : i32
      %add3A_1758 = arith.addi %mul3A_1697, %add3A_1757 : i32
      %get3A_1759 = arith.index_cast %add3A_1758 : i32 to index
      %get3A_1760 = tpu.vector_load %arg4[%get3A_1759] {strides = array<i32>} : memref<32768xf32, #tpu.memory_space<vmem>>, vector<16xf32>,
      %add3A_1761 = arith.constant 256 : i32
      %add3A_1762 = arith.addi %mul3A_1697, %add3A_1761 : i32
      %get3A_1763 = arith.index_cast %add3A_1762 : i32 to index
      %get3A_1764 = tpu.vector_load %arg4[%get3A_1763] {strides = array<i32>} : memref<32768xf32, #tpu.memory_space<vmem>>, vector<16xf32>,
      %add3A_1765 = arith.constant 272 : i32
      %add3A_1766 = arith.addi %mul3A_1697, %add3A_1765 : i32
      %get3A_1767 = arith.index_cast %add3A_1766 : i32 to index
      %get3A_1768 = tpu.vector_load %arg4[%get3A_1767] {strides = array<i32>} : memref<32768xf32, #tpu.memory_space<vmem>>, vector<16xf32>,
      %add3A_1769 = arith.constant 288 : i32
      %add3A_1770 = arith.addi %mul3A_1697, %add3A_1769 : i32
      %get3A_1771 = arith.index_cast %add3A_1770 : i32 to index
      %get3A_1772 = tpu.vector_load %arg4[%get3A_1771] {strides = array<i32>} : memref<32768xf32, #tpu.memory_space<vmem>>, vector<16xf32>,
      %add3A_1773 = arith.constant 304 : i32
      %add3A_1774 = arith.addi %mul3A_1697, %add3A_1773 : i32
      %get3A_1775 = arith.index_cast %add3A_1774 : i32 to index
      %get3A_1776 = tpu.vector_load %arg4[%get3A_1775] {strides = array<i32>} : memref<32768xf32, #tpu.memory_space<vmem>>, vector<16xf32>,
      %add3A_1777 = arith.constant 320 : i32
      %add3A_1778 = arith.addi %mul3A_1697, %add3A_1777 : i32
      %get3A_1779 = arith.index_cast %add3A_1778 : i32 to index
      %get3A_1780 = tpu.vector_load %arg4[%get3A_1779] {strides = array<i32>} : memref<32768xf32, #tpu.memory_space<vmem>>, vector<16xf32>,
      %add3A_1781 = arith.constant 336 : i32
      %add3A_1782 = arith.addi %mul3A_1697, %add3A_1781 : i32
      %get3A_1783 = arith.index_cast %add3A_1782 : i32 to index
      %get3A_1784 = tpu.vector_load %arg4[%get3A_1783] {strides = array<i32>} : memref<32768xf32, #tpu.memory_space<vmem>>, vector<16xf32>,
      %add3A_1785 = arith.constant 352 : i32
      %add3A_1786 = arith.addi %mul3A_1697, %add3A_1785 : i32
      %get3A_1787 = arith.index_cast %add3A_1786 : i32 to index
      %get3A_1788 = tpu.vector_load %arg4[%get3A_1787] {strides = array<i32>} : memref<32768xf32, #tpu.memory_space<vmem>>, vector<16xf32>,
      %add3A_1789 = arith.constant 368 : i32
      %add3A_1790 = arith.addi %mul3A_1697, %add3A_1789 : i32
      %get3A_1791 = arith.index_cast %add3A_1790 : i32 to index
      %get3A_1792 = tpu.vector_load %arg4[%get3A_1791] {strides = array<i32>} : memref<32768xf32, #tpu.memory_space<vmem>>, vector<16xf32>,
      %add3A_1793 = arith.constant 384 : i32
      %add3A_1794 = arith.addi %mul3A_1697, %add3A_1793 : i32
      %get3A_1795 = arith.index_cast %add3A_1794 : i32 to index
      %get3A_1796 = tpu.vector_load %arg4[%get3A_1795] {strides = array<i32>} : memref<32768xf32, #tpu.memory_space<vmem>>, vector<16xf32>,
      %add3A_1797 = arith.constant 400 : i32
      %add3A_1798 = arith.addi %mul3A_1697, %add3A_1797 : i32
      %get3A_1799 = arith.index_cast %add3A_1798 : i32 to index
      %get3A_1800 = tpu.vector_load %arg4[%get3A_1799] {strides = array<i32>} : memref<32768xf32, #tpu.memory_space<vmem>>, vector<16xf32>,
      %add3A_1801 = arith.constant 416 : i32
      %add3A_1802 = arith.addi %mul3A_1697, %add3A_1801 : i32
      %get3A_1803 = arith.index_cast %add3A_1802 : i32 to index
      %get3A_1804 = tpu.vector_load %arg4[%get3A_1803] {strides = array<i32>} : memref<32768xf32, #tpu.memory_space<vmem>>, vector<16xf32>,
      %add3A_1805 = arith.constant 432 : i32
      %add3A_1806 = arith.addi %mul3A_1697, %add3A_1805 : i32
      %get3A_1807 = arith.index_cast %add3A_1806 : i32 to index
      %get3A_1808 = tpu.vector_load %arg4[%get3A_1807] {strides = array<i32>} : memref<32768xf32, #tpu.memory_space<vmem>>, vector<16xf32>,
      %add3A_1809 = arith.constant 448 : i32
      %add3A_1810 = arith.addi %mul3A_1697, %add3A_1809 : i32
      %get3A_1811 = arith.index_cast %add3A_1810 : i32 to index
      %get3A_1812 = tpu.vector_load %arg4[%get3A_1811] {strides = array<i32>} : memref<32768xf32, #tpu.memory_space<vmem>>, vector<16xf32>,
      %add3A_1813 = arith.constant 464 : i32
      %add3A_1814 = arith.addi %mul3A_1697, %add3A_1813 : i32
      %get3A_1815 = arith.index_cast %add3A_1814 : i32 to index
      %get3A_1816 = tpu.vector_load %arg4[%get3A_1815] {strides = array<i32>} : memref<32768xf32, #tpu.memory_space<vmem>>, vector<16xf32>,
      %add3A_1817 = arith.constant 480 : i32
      %add3A_1818 = arith.addi %mul3A_1697, %add3A_1817 : i32
      %get3A_1819 = arith.index_cast %add3A_1818 : i32 to index
      %get3A_1820 = tpu.vector_load %arg4[%get3A_1819] {strides = array<i32>} : memref<32768xf32, #tpu.memory_space<vmem>>, vector<16xf32>,
      %add3A_1821 = arith.constant 496 : i32
      %add3A_1822 = arith.addi %mul3A_1697, %add3A_1821 : i32
      %get3A_1823 = arith.index_cast %add3A_1822 : i32 to index
      %get3A_1824 = tpu.vector_load %arg4[%get3A_1823] {strides = array<i32>} : memref<32768xf32, #tpu.memory_space<vmem>>, vector<16xf32>,
      %max3A_1825 = arith.maximumf %get3A_1700, %get3A_1704 : vector<16xf32>
      %max3A_1826 = arith.maximumf %get3A_1708, %get3A_1712 : vector<16xf32>
      %max3A_1827 = arith.maximumf %get3A_1716, %get3A_1720 : vector<16xf32>
      %max3A_1828 = arith.maximumf %get3A_1724, %get3A_1728 : vector<16xf32>
      %max3A_1829 = arith.maximumf %get3A_1732, %get3A_1736 : vector<16xf32>
      %max3A_1830 = arith.maximumf %get3A_1740, %get3A_1744 : vector<16xf32>
      %max3A_1831 = arith.maximumf %get3A_1748, %get3A_1752 : vector<16xf32>
      %max3A_1832 = arith.maximumf %get3A_1756, %get3A_1760 : vector<16xf32>
      %max3A_1833 = arith.maximumf %get3A_1764, %get3A_1768 : vector<16xf32>
      %max3A_1834 = arith.maximumf %get3A_1772, %get3A_1776 : vector<16xf32>
      %max3A_1835 = arith.maximumf %get3A_1780, %get3A_1784 : vector<16xf32>
      %max3A_1836 = arith.maximumf %get3A_1788, %get3A_1792 : vector<16xf32>
      %max3A_1837 = arith.maximumf %get3A_1796, %get3A_1800 : vector<16xf32>
      %max3A_1838 = arith.maximumf %get3A_1804, %get3A_1808 : vector<16xf32>
      %max3A_1839 = arith.maximumf %get3A_1812, %get3A_1816 : vector<16xf32>
      %max3A_1840 = arith.maximumf %get3A_1820, %get3A_1824 : vector<16xf32>
      %max3A_1841 = arith.maximumf %max3A_1825, %max3A_1826 : vector<16xf32>
      %max3A_1842 = arith.maximumf %max3A_1827, %max3A_1828 : vector<16xf32>
      %max3A_1843 = arith.maximumf %max3A_1829, %max3A_1830 : vector<16xf32>
      %max3A_1844 = arith.maximumf %max3A_1831, %max3A_1832 : vector<16xf32>
      %max3A_1845 = arith.maximumf %max3A_1833, %max3A_1834 : vector<16xf32>
      %max3A_1846 = arith.maximumf %max3A_1835, %max3A_1836 : vector<16xf32>
      %max3A_1847 = arith.maximumf %max3A_1837, %max3A_1838 : vector<16xf32>
      %max3A_1848 = arith.maximumf %max3A_1839, %max3A_1840 : vector<16xf32>
      %max3A_1849 = arith.maximumf %max3A_1841, %max3A_1842 : vector<16xf32>
      %max3A_1850 = arith.maximumf %max3A_1843, %max3A_1844 : vector<16xf32>
      %max3A_1851 = arith.maximumf %max3A_1845, %max3A_1846 : vector<16xf32>
      %max3A_1852 = arith.maximumf %max3A_1847, %max3A_1848 : vector<16xf32>
      %max3A_1853 = arith.maximumf %max3A_1849, %max3A_1850 : vector<16xf32>
      %max3A_1854 = arith.maximumf %max3A_1851, %max3A_1852 : vector<16xf32>
      %max3A_1855 = arith.maximumf %max3A_1853, %max3A_1854 : vector<16xf32>
      %mul3A_1856 = arith.constant 16 : i32
      %mul3A_1857 = arith.muli %add3A_1695, %mul3A_1856 : i32
      %add3A_1858 = vector.broadcast %mul3A_1857 : i32 to vector<16xi32>
      %add3A_1859 = arith.addi %iota3A, %add3A_1858 : vector<16xi32>
      %gt3A_1860 = arith.cmpf ogt, %max3A_1855, %scan3A_1686 : vector<16xf32>
      %max3A_1861 = arith.maximumf %max3A_1855, %scan3A_1686 : vector<16xf32>
      %min3A_1862 = arith.minimumf %max3A_1855, %scan3A_1686 : vector<16xf32>
      %select_n3A_1863 = arith.select %gt3A_1860, %add3A_1859, %scan3A_1689 : vector<16xi1>, vector<16xi32>
      %select_n3A_1864 = arith.select %gt3A_1860, %scan3A_1689, %add3A_1859 : vector<16xi1>, vector<16xi32>
      %gt3A_1865 = arith.cmpf ogt, %min3A_1862, %scan3A_1687 : vector<16xf32>
      %max3A_1866 = arith.maximumf %min3A_1862, %scan3A_1687 : vector<16xf32>
      %min3A_1867 = arith.minimumf %min3A_1862, %scan3A_1687 : vector<16xf32>
      %select_n3A_1868 = arith.select %gt3A_1865, %select_n3A_1864, %scan3A_1690 : vector<16xi1>, vector<16xi32>
      %select_n3A_1869 = arith.select %gt3A_1865, %scan3A_1690, %select_n3A_1864 : vector<16xi1>, vector<16xi32>
      %gt3A_1870 = arith.cmpf ogt, %min3A_1867, %scan3A_1688 : vector<16xf32>
      %max3A_1871 = arith.maximumf %min3A_1867, %scan3A_1688 : vector<16xf32>
      %select_n3A_1872 = arith.select %gt3A_1870, %select_n3A_1869, %scan3A_1691 : vector<16xi1>, vector<16xi32>
      scf.yield %max3A_1861, %max3A_1866, %max3A_1871, %select_n3A_1863, %select_n3A_1868, %select_n3A_1872 : vector<16xf32>, vector<16xf32>, vector<16xf32>, vector<16xi32>, vector<16xi32>, vector<16xi32>
    }
    %scan3A_75 = arith.constant 32 : i32
    %masked_sort3A = arith.constant dense<true> : vector<16xi1>
    %masked_sort3A_76, %masked_sort3A_77, %masked_sort3A_78 = tpu.sort %scan3A_74#0, %scan3A_74#3 masked %masked_sort3A {descending = true} : (vector<16xf32>, vector<16xi32>, vector<16xi1>) -> (vector<16xi1>, vector<16xf32>, vector<16xi32>)
    %slice3A = vector.extract_strided_slice %masked_sort3A_77 {offsets = [0], sizes = [1], strides = [1]} : vector<16xf32> to vector<1xf32>
    %squeeze3A = vector.extract %slice3A[0] : f32 from vector<1xf32>
    %slice3A_79 = vector.extract_strided_slice %masked_sort3A_78 {offsets = [0], sizes = [1], strides = [1]} : vector<16xi32> to vector<1xi32>
    %squeeze3A_80 = vector.extract %slice3A_79[0] : i32 from vector<1xi32>
    %eq3A = vector.broadcast %squeeze3A_80 : i32 to vector<16xi32>
    %eq3A_81 = arith.cmpi eq, %scan3A_74#3, %eq3A : vector<16xi32>
    %eq3A_82 = vector.broadcast %squeeze3A : f32 to vector<16xf32>
    %eq3A_83 = arith.cmpf oeq, %scan3A_74#0, %eq3A_82 : vector<16xf32>
    %and3A = arith.andi %eq3A_81, %eq3A_83 : vector<16xi1>
    %select_n3A = arith.select %and3A, %scan3A_74#1, %scan3A_74#0 : vector<16xi1>, vector<16xf32>
    %select_n3A_84 = arith.select %and3A, %scan3A_74#4, %scan3A_74#3 : vector<16xi1>, vector<16xi32>
    %select_n3A_85 = arith.select %and3A, %scan3A_74#2, %scan3A_74#1 : vector<16xi1>, vector<16xf32>
    %select_n3A_86 = arith.select %and3A, %scan3A_74#5, %scan3A_74#4 : vector<16xi1>, vector<16xi32>
    %jit3A = arith.constant 0xFF800000 : f32
    %broadcast_in_dim3A_87 = vector.broadcast %jit3A : f32 to vector<16xf32>
    %select_n3A_88 = arith.select %and3A, %broadcast_in_dim3A_87, %scan3A_74#2 : vector<16xi1>, vector<16xf32>
    %masked_sort3A_89 = arith.constant dense<true> : vector<16xi1>
    %masked_sort3A_90, %masked_sort3A_91, %masked_sort3A_92 = tpu.sort %select_n3A, %select_n3A_84 masked %masked_sort3A_89 {descending = true} : (vector<16xf32>, vector<16xi32>, vector<16xi1>) -> (vector<16xi1>, vector<16xf32>, vector<16xi32>)
    %slice3A_93 = vector.extract_strided_slice %masked_sort3A_91 {offsets = [0], sizes = [1], strides = [1]} : vector<16xf32> to vector<1xf32>
    %squeeze3A_94 = vector.extract %slice3A_93[0] : f32 from vector<1xf32>
    %slice3A_95 = vector.extract_strided_slice %masked_sort3A_92 {offsets = [0], sizes = [1], strides = [1]} : vector<16xi32> to vector<1xi32>
    %squeeze3A_96 = vector.extract %slice3A_95[0] : i32 from vector<1xi32>
    %eq3A_97 = vector.broadcast %squeeze3A_96 : i32 to vector<16xi32>
    %eq3A_98 = arith.cmpi eq, %select_n3A_84, %eq3A_97 : vector<16xi32>
    %eq3A_99 = vector.broadcast %squeeze3A_94 : f32 to vector<16xf32>
    %eq3A_100 = arith.cmpf oeq, %select_n3A, %eq3A_99 : vector<16xf32>
    %and3A_101 = arith.andi %eq3A_98, %eq3A_100 : vector<16xi1>
    %select_n3A_102 = arith.select %and3A_101, %select_n3A_85, %select_n3A : vector<16xi1>, vector<16xf32>
    %select_n3A_103 = arith.select %and3A_101, %select_n3A_86, %select_n3A_84 : vector<16xi1>, vector<16xi32>
    %select_n3A_104 = arith.select %and3A_101, %select_n3A_88, %select_n3A_85 : vector<16xi1>, vector<16xf32>
    %select_n3A_105 = arith.select %and3A_101, %scan3A_74#5, %select_n3A_86 : vector<16xi1>, vector<16xi32>
    %jit3A_106 = arith.constant 0xFF800000 : f32
    %broadcast_in_dim3A_107 = vector.broadcast %jit3A_106 : f32 to vector<16xf32>
    %select_n3A_108 = arith.select %and3A_101, %broadcast_in_dim3A_107, %select_n3A_88 : vector<16xi1>, vector<16xf32>
    %masked_sort3A_109 = arith.constant dense<true> : vector<16xi1>
    %masked_sort3A_110, %masked_sort3A_111, %masked_sort3A_112 = tpu.sort %select_n3A_102, %select_n3A_103 masked %masked_sort3A_109 {descending = true} : (vector<16xf32>, vector<16xi32>, vector<16xi1>) -> (vector<16xi1>, vector<16xf32>, vector<16xi32>)
    %slice3A_113 = vector.extract_strided_slice %masked_sort3A_111 {offsets = [0], sizes = [1], strides = [1]} : vector<16xf32> to vector<1xf32>
    %squeeze3A_114 = vector.extract %slice3A_113[0] : f32 from vector<1xf32>
    %slice3A_115 = vector.extract_strided_slice %masked_sort3A_112 {offsets = [0], sizes = [1], strides = [1]} : vector<16xi32> to vector<1xi32>
    %squeeze3A_116 = vector.extract %slice3A_115[0] : i32 from vector<1xi32>
    %eq3A_117 = vector.broadcast %squeeze3A_116 : i32 to vector<16xi32>
    %eq3A_118 = arith.cmpi eq, %select_n3A_103, %eq3A_117 : vector<16xi32>
    %eq3A_119 = vector.broadcast %squeeze3A_114 : f32 to vector<16xf32>
    %eq3A_120 = arith.cmpf oeq, %select_n3A_102, %eq3A_119 : vector<16xf32>
    %and3A_121 = arith.andi %eq3A_118, %eq3A_120 : vector<16xi1>
    %select_n3A_122 = arith.select %and3A_121, %select_n3A_104, %select_n3A_102 : vector<16xi1>, vector<16xf32>
    %select_n3A_123 = arith.select %and3A_121, %select_n3A_105, %select_n3A_103 : vector<16xi1>, vector<16xi32>
    %select_n3A_124 = arith.select %and3A_121, %select_n3A_108, %select_n3A_104 : vector<16xi1>, vector<16xf32>
    %select_n3A_125 = arith.select %and3A_121, %scan3A_74#5, %select_n3A_105 : vector<16xi1>, vector<16xi32>
    %jit3A_126 = arith.constant 0xFF800000 : f32
    %broadcast_in_dim3A_127 = vector.broadcast %jit3A_126 : f32 to vector<16xf32>
    %select_n3A_128 = arith.select %and3A_121, %broadcast_in_dim3A_127, %select_n3A_108 : vector<16xi1>, vector<16xf32>
    %masked_sort3A_129 = arith.constant dense<true> : vector<16xi1>
    %masked_sort3A_130, %masked_sort3A_131, %masked_sort3A_132 = tpu.sort %select_n3A_122, %select_n3A_123 masked %masked_sort3A_129 {descending = true} : (vector<16xf32>, vector<16xi32>, vector<16xi1>) -> (vector<16xi1>, vector<16xf32>, vector<16xi32>)
    %slice3A_133 = vector.extract_strided_slice %masked_sort3A_131 {offsets = [0], sizes = [1], strides = [1]} : vector<16xf32> to vector<1xf32>
    %squeeze3A_134 = vector.extract %slice3A_133[0] : f32 from vector<1xf32>
    %slice3A_135 = vector.extract_strided_slice %masked_sort3A_132 {offsets = [0], sizes = [1], strides = [1]} : vector<16xi32> to vector<1xi32>
    %squeeze3A_136 = vector.extract %slice3A_135[0] : i32 from vector<1xi32>
    %eq3A_137 = vector.broadcast %squeeze3A_136 : i32 to vector<16xi32>
    %eq3A_138 = arith.cmpi eq, %select_n3A_123, %eq3A_137 : vector<16xi32>
    %eq3A_139 = vector.broadcast %squeeze3A_134 : f32 to vector<16xf32>
    %eq3A_140 = arith.cmpf oeq, %select_n3A_122, %eq3A_139 : vector<16xf32>
    %and3A_141 = arith.andi %eq3A_138, %eq3A_140 : vector<16xi1>
    %select_n3A_142 = arith.select %and3A_141, %select_n3A_124, %select_n3A_122 : vector<16xi1>, vector<16xf32>
    %select_n3A_143 = arith.select %and3A_141, %select_n3A_125, %select_n3A_123 : vector<16xi1>, vector<16xi32>
    %select_n3A_144 = arith.select %and3A_141, %select_n3A_128, %select_n3A_124 : vector<16xi1>, vector<16xf32>
    %select_n3A_145 = arith.select %and3A_141, %scan3A_74#5, %select_n3A_125 : vector<16xi1>, vector<16xi32>
    %jit3A_146 = arith.constant 0xFF800000 : f32
    %broadcast_in_dim3A_147 = vector.broadcast %jit3A_146 : f32 to vector<16xf32>
    %select_n3A_148 = arith.select %and3A_141, %broadcast_in_dim3A_147, %select_n3A_128 : vector<16xi1>, vector<16xf32>
    %broadcast_in_dim3A_149 = arith.constant 0xFF800000 : f32
    %broadcast_in_dim3A_150 = vector.broadcast %broadcast_in_dim3A_149 : f32 to vector<16xf32>
    %broadcast_in_dim3A_151 = arith.constant 0xFF800000 : f32
    %broadcast_in_dim3A_152 = vector.broadcast %broadcast_in_dim3A_151 : f32 to vector<16xf32>
    %broadcast_in_dim3A_153 = arith.constant 0xFF800000 : f32
    %broadcast_in_dim3A_154 = vector.broadcast %broadcast_in_dim3A_153 : f32 to vector<16xf32>
    %broadcast_in_dim3A_155 = arith.constant 0 : i32
    %broadcast_in_dim3A_156 = vector.broadcast %broadcast_in_dim3A_155 : i32 to vector<16xi32>
    %broadcast_in_dim3A_157 = arith.constant 0 : i32
    %broadcast_in_dim3A_158 = vector.broadcast %broadcast_in_dim3A_157 : i32 to vector<16xi32>
    %broadcast_in_dim3A_159 = arith.constant 0 : i32
    %broadcast_in_dim3A_160 = vector.broadcast %broadcast_in_dim3A_159 : i32 to vector<16xi32>
    %and3A_161 = arith.constant 15 : i32
    %and3A_162 = arith.andi %squeeze3A_80, %and3A_161 : i32
    %shift_right_arithmetic3A = arith.constant 4 : i32
    %shift_right_arithmetic3A_163 = arith.shrsi %squeeze3A_80, %shift_right_arithmetic3A : i32
    %mul3A_164 = arith.constant 512 : i32
    %mul3A_165 = arith.muli %shift_right_arithmetic3A_163, %mul3A_164 : i32
    %add3A_166 = arith.addi %and3A_162, %mul3A_165 : i32
    %add3A_167 = vector.broadcast %add3A_166 : i32 to vector<16xi32>
    %add3A_168 = arith.addi %add3A_167, %mul3A_3 : vector<16xi32>
    %add3A_169 = arith.constant 0 : i32
    %add3A_170 = vector.broadcast %add3A_169 : i32 to vector<16xi32>
    %add3A_171 = arith.addi %add3A_168, %add3A_170 : vector<16xi32>
    %gather3A = tpu.vector_load_idx %arg4[%add3A_171] : memref<32768xf32, #tpu.memory_space<vmem>>[vector<16xi32>], vector<16xf32>,
    %gt3A = arith.cmpf ogt, %gather3A, %broadcast_in_dim3A_150 : vector<16xf32>
    %max3A = arith.maximumf %gather3A, %broadcast_in_dim3A_150 : vector<16xf32>
    %min3A = arith.minimumf %gather3A, %broadcast_in_dim3A_150 : vector<16xf32>
    %select_n3A_172 = arith.select %gt3A, %add3A_171, %broadcast_in_dim3A_156 : vector<16xi1>, vector<16xi32>
    %select_n3A_173 = arith.select %gt3A, %broadcast_in_dim3A_156, %add3A_171 : vector<16xi1>, vector<16xi32>
    %gt3A_174 = arith.cmpf ogt, %min3A, %broadcast_in_dim3A_152 : vector<16xf32>
    %max3A_175 = arith.maximumf %min3A, %broadcast_in_dim3A_152 : vector<16xf32>
    %min3A_176 = arith.minimumf %min3A, %broadcast_in_dim3A_152 : vector<16xf32>
    %select_n3A_177 = arith.select %gt3A_174, %select_n3A_173, %broadcast_in_dim3A_158 : vector<16xi1>, vector<16xi32>
    %select_n3A_178 = arith.select %gt3A_174, %broadcast_in_dim3A_158, %select_n3A_173 : vector<16xi1>, vector<16xi32>
    %gt3A_179 = arith.cmpf ogt, %min3A_176, %broadcast_in_dim3A_154 : vector<16xf32>
    %max3A_180 = arith.maximumf %min3A_176, %broadcast_in_dim3A_154 : vector<16xf32>
    %select_n3A_181 = arith.select %gt3A_179, %select_n3A_178, %broadcast_in_dim3A_160 : vector<16xi1>, vector<16xi32>
    %add3A_182 = arith.constant 256 : i32
    %add3A_183 = vector.broadcast %add3A_182 : i32 to vector<16xi32>
    %add3A_184 = arith.addi %add3A_168, %add3A_183 : vector<16xi32>
    %gather3A_185 = tpu.vector_load_idx %arg4[%add3A_184] : memref<32768xf32, #tpu.memory_space<vmem>>[vector<16xi32>], vector<16xf32>,
    %gt3A_186 = arith.cmpf ogt, %gather3A_185, %max3A : vector<16xf32>
    %max3A_187 = arith.maximumf %gather3A_185, %max3A : vector<16xf32>
    %min3A_188 = arith.minimumf %gather3A_185, %max3A : vector<16xf32>
    %select_n3A_189 = arith.select %gt3A_186, %add3A_184, %select_n3A_172 : vector<16xi1>, vector<16xi32>
    %select_n3A_190 = arith.select %gt3A_186, %select_n3A_172, %add3A_184 : vector<16xi1>, vector<16xi32>
    %gt3A_191 = arith.cmpf ogt, %min3A_188, %max3A_175 : vector<16xf32>
    %max3A_192 = arith.maximumf %min3A_188, %max3A_175 : vector<16xf32>
    %min3A_193 = arith.minimumf %min3A_188, %max3A_175 : vector<16xf32>
    %select_n3A_194 = arith.select %gt3A_191, %select_n3A_190, %select_n3A_177 : vector<16xi1>, vector<16xi32>
    %select_n3A_195 = arith.select %gt3A_191, %select_n3A_177, %select_n3A_190 : vector<16xi1>, vector<16xi32>
    %gt3A_196 = arith.cmpf ogt, %min3A_193, %max3A_180 : vector<16xf32>
    %max3A_197 = arith.maximumf %min3A_193, %max3A_180 : vector<16xf32>
    %select_n3A_198 = arith.select %gt3A_196, %select_n3A_195, %select_n3A_181 : vector<16xi1>, vector<16xi32>
    %and3A_199 = arith.constant 15 : i32
    %and3A_200 = arith.andi %squeeze3A_96, %and3A_199 : i32
    %shift_right_arithmetic3A_201 = arith.constant 4 : i32
    %shift_right_arithmetic3A_202 = arith.shrsi %squeeze3A_96, %shift_right_arithmetic3A_201 : i32
    %mul3A_203 = arith.constant 512 : i32
    %mul3A_204 = arith.muli %shift_right_arithmetic3A_202, %mul3A_203 : i32
    %add3A_205 = arith.addi %and3A_200, %mul3A_204 : i32
    %add3A_206 = vector.broadcast %add3A_205 : i32 to vector<16xi32>
    %add3A_207 = arith.addi %add3A_206, %mul3A_3 : vector<16xi32>
    %add3A_208 = arith.constant 0 : i32
    %add3A_209 = vector.broadcast %add3A_208 : i32 to vector<16xi32>
    %add3A_210 = arith.addi %add3A_207, %add3A_209 : vector<16xi32>
    %gather3A_211 = tpu.vector_load_idx %arg4[%add3A_210] : memref<32768xf32, #tpu.memory_space<vmem>>[vector<16xi32>], vector<16xf32>,
    %gt3A_212 = arith.cmpf ogt, %gather3A_211, %max3A_187 : vector<16xf32>
    %max3A_213 = arith.maximumf %gather3A_211, %max3A_187 : vector<16xf32>
    %min3A_214 = arith.minimumf %gather3A_211, %max3A_187 : vector<16xf32>
    %select_n3A_215 = arith.select %gt3A_212, %add3A_210, %select_n3A_189 : vector<16xi1>, vector<16xi32>
    %select_n3A_216 = arith.select %gt3A_212, %select_n3A_189, %add3A_210 : vector<16xi1>, vector<16xi32>
    %gt3A_217 = arith.cmpf ogt, %min3A_214, %max3A_192 : vector<16xf32>
    %max3A_218 = arith.maximumf %min3A_214, %max3A_192 : vector<16xf32>
    %min3A_219 = arith.minimumf %min3A_214, %max3A_192 : vector<16xf32>
    %select_n3A_220 = arith.select %gt3A_217, %select_n3A_216, %select_n3A_194 : vector<16xi1>, vector<16xi32>
    %select_n3A_221 = arith.select %gt3A_217, %select_n3A_194, %select_n3A_216 : vector<16xi1>, vector<16xi32>
    %gt3A_222 = arith.cmpf ogt, %min3A_219, %max3A_197 : vector<16xf32>
    %max3A_223 = arith.maximumf %min3A_219, %max3A_197 : vector<16xf32>
    %select_n3A_224 = arith.select %gt3A_222, %select_n3A_221, %select_n3A_198 : vector<16xi1>, vector<16xi32>
    %add3A_225 = arith.constant 256 : i32
    %add3A_226 = vector.broadcast %add3A_225 : i32 to vector<16xi32>
    %add3A_227 = arith.addi %add3A_207, %add3A_226 : vector<16xi32>
    %gather3A_228 = tpu.vector_load_idx %arg4[%add3A_227] : memref<32768xf32, #tpu.memory_space<vmem>>[vector<16xi32>], vector<16xf32>,
    %gt3A_229 = arith.cmpf ogt, %gather3A_228, %max3A_213 : vector<16xf32>
    %max3A_230 = arith.maximumf %gather3A_228, %max3A_213 : vector<16xf32>
    %min3A_231 = arith.minimumf %gather3A_228, %max3A_213 : vector<16xf32>
    %select_n3A_232 = arith.select %gt3A_229, %add3A_227, %select_n3A_215 : vector<16xi1>, vector<16xi32>
    %select_n3A_233 = arith.select %gt3A_229, %select_n3A_215, %add3A_227 : vector<16xi1>, vector<16xi32>
    %gt3A_234 = arith.cmpf ogt, %min3A_231, %max3A_218 : vector<16xf32>
    %max3A_235 = arith.maximumf %min3A_231, %max3A_218 : vector<16xf32>
    %min3A_236 = arith.minimumf %min3A_231, %max3A_218 : vector<16xf32>
    %select_n3A_237 = arith.select %gt3A_234, %select_n3A_233, %select_n3A_220 : vector<16xi1>, vector<16xi32>
    %select_n3A_238 = arith.select %gt3A_234, %select_n3A_220, %select_n3A_233 : vector<16xi1>, vector<16xi32>
    %gt3A_239 = arith.cmpf ogt, %min3A_236, %max3A_223 : vector<16xf32>
    %max3A_240 = arith.maximumf %min3A_236, %max3A_223 : vector<16xf32>
    %select_n3A_241 = arith.select %gt3A_239, %select_n3A_238, %select_n3A_224 : vector<16xi1>, vector<16xi32>
    %and3A_242 = arith.constant 15 : i32
    %and3A_243 = arith.andi %squeeze3A_116, %and3A_242 : i32
    %shift_right_arithmetic3A_244 = arith.constant 4 : i32
    %shift_right_arithmetic3A_245 = arith.shrsi %squeeze3A_116, %shift_right_arithmetic3A_244 : i32
    %mul3A_246 = arith.constant 512 : i32
    %mul3A_247 = arith.muli %shift_right_arithmetic3A_245, %mul3A_246 : i32
    %add3A_248 = arith.addi %and3A_243, %mul3A_247 : i32
    %add3A_249 = vector.broadcast %add3A_248 : i32 to vector<16xi32>
    %add3A_250 = arith.addi %add3A_249, %mul3A_3 : vector<16xi32>
    %add3A_251 = arith.constant 0 : i32
    %add3A_252 = vector.broadcast %add3A_251 : i32 to vector<16xi32>
    %add3A_253 = arith.addi %add3A_250, %add3A_252 : vector<16xi32>
    %gather3A_254 = tpu.vector_load_idx %arg4[%add3A_253] : memref<32768xf32, #tpu.memory_space<vmem>>[vector<16xi32>], vector<16xf32>,
    %gt3A_255 = arith.cmpf ogt, %gather3A_254, %max3A_230 : vector<16xf32>
    %max3A_256 = arith.maximumf %gather3A_254, %max3A_230 : vector<16xf32>
    %min3A_257 = arith.minimumf %gather3A_254, %max3A_230 : vector<16xf32>
    %select_n3A_258 = arith.select %gt3A_255, %add3A_253, %select_n3A_232 : vector<16xi1>, vector<16xi32>
    %select_n3A_259 = arith.select %gt3A_255, %select_n3A_232, %add3A_253 : vector<16xi1>, vector<16xi32>
    %gt3A_260 = arith.cmpf ogt, %min3A_257, %max3A_235 : vector<16xf32>
    %max3A_261 = arith.maximumf %min3A_257, %max3A_235 : vector<16xf32>
    %min3A_262 = arith.minimumf %min3A_257, %max3A_235 : vector<16xf32>
    %select_n3A_263 = arith.select %gt3A_260, %select_n3A_259, %select_n3A_237 : vector<16xi1>, vector<16xi32>
    %select_n3A_264 = arith.select %gt3A_260, %select_n3A_237, %select_n3A_259 : vector<16xi1>, vector<16xi32>
    %gt3A_265 = arith.cmpf ogt, %min3A_262, %max3A_240 : vector<16xf32>
    %max3A_266 = arith.maximumf %min3A_262, %max3A_240 : vector<16xf32>
    %select_n3A_267 = arith.select %gt3A_265, %select_n3A_264, %select_n3A_241 : vector<16xi1>, vector<16xi32>
    %add3A_268 = arith.constant 256 : i32
    %add3A_269 = vector.broadcast %add3A_268 : i32 to vector<16xi32>
    %add3A_270 = arith.addi %add3A_250, %add3A_269 : vector<16xi32>
    %gather3A_271 = tpu.vector_load_idx %arg4[%add3A_270] : memref<32768xf32, #tpu.memory_space<vmem>>[vector<16xi32>], vector<16xf32>,
    %gt3A_272 = arith.cmpf ogt, %gather3A_271, %max3A_256 : vector<16xf32>
    %max3A_273 = arith.maximumf %gather3A_271, %max3A_256 : vector<16xf32>
    %min3A_274 = arith.minimumf %gather3A_271, %max3A_256 : vector<16xf32>
    %select_n3A_275 = arith.select %gt3A_272, %add3A_270, %select_n3A_258 : vector<16xi1>, vector<16xi32>
    %select_n3A_276 = arith.select %gt3A_272, %select_n3A_258, %add3A_270 : vector<16xi1>, vector<16xi32>
    %gt3A_277 = arith.cmpf ogt, %min3A_274, %max3A_261 : vector<16xf32>
    %max3A_278 = arith.maximumf %min3A_274, %max3A_261 : vector<16xf32>
    %min3A_279 = arith.minimumf %min3A_274, %max3A_261 : vector<16xf32>
    %select_n3A_280 = arith.select %gt3A_277, %select_n3A_276, %select_n3A_263 : vector<16xi1>, vector<16xi32>
    %select_n3A_281 = arith.select %gt3A_277, %select_n3A_263, %select_n3A_276 : vector<16xi1>, vector<16xi32>
    %gt3A_282 = arith.cmpf ogt, %min3A_279, %max3A_266 : vector<16xf32>
    %max3A_283 = arith.maximumf %min3A_279, %max3A_266 : vector<16xf32>
    %select_n3A_284 = arith.select %gt3A_282, %select_n3A_281, %select_n3A_267 : vector<16xi1>, vector<16xi32>
    %and3A_285 = arith.constant 15 : i32
    %and3A_286 = arith.andi %squeeze3A_136, %and3A_285 : i32
    %shift_right_arithmetic3A_287 = arith.constant 4 : i32
    %shift_right_arithmetic3A_288 = arith.shrsi %squeeze3A_136, %shift_right_arithmetic3A_287 : i32
    %mul3A_289 = arith.constant 512 : i32
    %mul3A_290 = arith.muli %shift_right_arithmetic3A_288, %mul3A_289 : i32
    %add3A_291 = arith.addi %and3A_286, %mul3A_290 : i32
    %add3A_292 = vector.broadcast %add3A_291 : i32 to vector<16xi32>
    %add3A_293 = arith.addi %add3A_292, %mul3A_3 : vector<16xi32>
    %add3A_294 = arith.constant 0 : i32
    %add3A_295 = vector.broadcast %add3A_294 : i32 to vector<16xi32>
    %add3A_296 = arith.addi %add3A_293, %add3A_295 : vector<16xi32>
    %gather3A_297 = tpu.vector_load_idx %arg4[%add3A_296] : memref<32768xf32, #tpu.memory_space<vmem>>[vector<16xi32>], vector<16xf32>,
    %gt3A_298 = arith.cmpf ogt, %gather3A_297, %max3A_273 : vector<16xf32>
    %max3A_299 = arith.maximumf %gather3A_297, %max3A_273 : vector<16xf32>
    %min3A_300 = arith.minimumf %gather3A_297, %max3A_273 : vector<16xf32>
    %select_n3A_301 = arith.select %gt3A_298, %add3A_296, %select_n3A_275 : vector<16xi1>, vector<16xi32>
    %select_n3A_302 = arith.select %gt3A_298, %select_n3A_275, %add3A_296 : vector<16xi1>, vector<16xi32>
    %gt3A_303 = arith.cmpf ogt, %min3A_300, %max3A_278 : vector<16xf32>
    %max3A_304 = arith.maximumf %min3A_300, %max3A_278 : vector<16xf32>
    %min3A_305 = arith.minimumf %min3A_300, %max3A_278 : vector<16xf32>
    %select_n3A_306 = arith.select %gt3A_303, %select_n3A_302, %select_n3A_280 : vector<16xi1>, vector<16xi32>
    %select_n3A_307 = arith.select %gt3A_303, %select_n3A_280, %select_n3A_302 : vector<16xi1>, vector<16xi32>
    %gt3A_308 = arith.cmpf ogt, %min3A_305, %max3A_283 : vector<16xf32>
    %max3A_309 = arith.maximumf %min3A_305, %max3A_283 : vector<16xf32>
    %select_n3A_310 = arith.select %gt3A_308, %select_n3A_307, %select_n3A_284 : vector<16xi1>, vector<16xi32>
    %add3A_311 = arith.constant 256 : i32
    %add3A_312 = vector.broadcast %add3A_311 : i32 to vector<16xi32>
    %add3A_313 = arith.addi %add3A_293, %add3A_312 : vector<16xi32>
    %gather3A_314 = tpu.vector_load_idx %arg4[%add3A_313] : memref<32768xf32, #tpu.memory_space<vmem>>[vector<16xi32>], vector<16xf32>,
    %gt3A_315 = arith.cmpf ogt, %gather3A_314, %max3A_299 : vector<16xf32>
    %max3A_316 = arith.maximumf %gather3A_314, %max3A_299 : vector<16xf32>
    %min3A_317 = arith.minimumf %gather3A_314, %max3A_299 : vector<16xf32>
    %select_n3A_318 = arith.select %gt3A_315, %add3A_313, %select_n3A_301 : vector<16xi1>, vector<16xi32>
    %select_n3A_319 = arith.select %gt3A_315, %select_n3A_301, %add3A_313 : vector<16xi1>, vector<16xi32>
    %gt3A_320 = arith.cmpf ogt, %min3A_317, %max3A_304 : vector<16xf32>
    %max3A_321 = arith.maximumf %min3A_317, %max3A_304 : vector<16xf32>
    %min3A_322 = arith.minimumf %min3A_317, %max3A_304 : vector<16xf32>
    %select_n3A_323 = arith.select %gt3A_320, %select_n3A_319, %select_n3A_306 : vector<16xi1>, vector<16xi32>
    %select_n3A_324 = arith.select %gt3A_320, %select_n3A_306, %select_n3A_319 : vector<16xi1>, vector<16xi32>
    %gt3A_325 = arith.cmpf ogt, %min3A_322, %max3A_309 : vector<16xf32>
    %max3A_326 = arith.maximumf %min3A_322, %max3A_309 : vector<16xf32>
    %select_n3A_327 = arith.select %gt3A_325, %select_n3A_324, %select_n3A_310 : vector<16xi1>, vector<16xi32>
    %broadcast_in_dim3A_328 = arith.constant 0 : i32
    %broadcast_in_dim3A_329 = vector.broadcast %broadcast_in_dim3A_328 : i32 to vector<16xi32>
    %masked_sort3A_330 = arith.constant dense<true> : vector<16xi1>
    %masked_sort3A_331, %masked_sort3A_332, %masked_sort3A_333 = tpu.sort %max3A_316, %select_n3A_318 masked %masked_sort3A_330 {descending = true} : (vector<16xf32>, vector<16xi32>, vector<16xi1>) -> (vector<16xi1>, vector<16xf32>, vector<16xi32>)
    %slice3A_334 = vector.extract_strided_slice %masked_sort3A_332 {offsets = [0], sizes = [1], strides = [1]} : vector<16xf32> to vector<1xf32>
    %squeeze3A_335 = vector.extract %slice3A_334[0] : f32 from vector<1xf32>
    %eq3A_336 = vector.broadcast %squeeze3A_335 : f32 to vector<16xf32>
    %eq3A_337 = arith.cmpf oeq, %max3A_316, %eq3A_336 : vector<16xf32>
    %jit3A_338 = arith.constant 2147483647 : i32
    %broadcast_in_dim3A_339 = vector.broadcast %jit3A_338 : i32 to vector<16xi32>
    %select_n3A_340 = arith.select %eq3A_337, %select_n3A_318, %broadcast_in_dim3A_339 : vector<16xi1>, vector<16xi32>
    %masked_sort3A_341 = arith.constant dense<true> : vector<16xi1>
    %masked_sort3A_342 = arith.constant -2147483648 : i32
    %masked_sort3A_343 = vector.broadcast %masked_sort3A_342 : i32 to vector<16xi32>
    %masked_sort3A_344 = arith.xori %select_n3A_340, %masked_sort3A_343 : vector<16xi32>
    %masked_sort3A_345, %masked_sort3A_346, %masked_sort3A_347 = tpu.sort %masked_sort3A_344, %select_n3A_340 masked %masked_sort3A_341 : (vector<16xi32>, vector<16xi32>, vector<16xi1>) -> (vector<16xi1>, vector<16xi32>, vector<16xi32>)
    %masked_sort3A_348 = arith.xori %masked_sort3A_346, %masked_sort3A_343 : vector<16xi32>
    %slice3A_349 = vector.extract_strided_slice %masked_sort3A_348 {offsets = [0], sizes = [1], strides = [1]} : vector<16xi32> to vector<1xi32>
    %squeeze3A_350 = vector.extract %slice3A_349[0] : i32 from vector<1xi32>
    %eq3A_351 = arith.constant 0 : i32
    %eq3A_352 = vector.broadcast %eq3A_351 : i32 to vector<16xi32>
    %eq3A_353 = arith.cmpi eq, %iota3A, %eq3A_352 : vector<16xi32>
    %broadcast_in_dim3A_354 = vector.broadcast %squeeze3A_350 : i32 to vector<16xi32>
    %select_n3A_355 = arith.select %eq3A_353, %broadcast_in_dim3A_354, %broadcast_in_dim3A_329 : vector<16xi1>, vector<16xi32>
    %eq3A_356 = vector.broadcast %squeeze3A_350 : i32 to vector<16xi32>
    %eq3A_357 = arith.cmpi eq, %select_n3A_318, %eq3A_356 : vector<16xi32>
    %eq3A_358 = vector.broadcast %squeeze3A_335 : f32 to vector<16xf32>
    %eq3A_359 = arith.cmpf oeq, %max3A_316, %eq3A_358 : vector<16xf32>
    %and3A_360 = arith.andi %eq3A_357, %eq3A_359 : vector<16xi1>
    %select_n3A_361 = arith.select %and3A_360, %max3A_321, %max3A_316 : vector<16xi1>, vector<16xf32>
    %select_n3A_362 = arith.select %and3A_360, %select_n3A_323, %select_n3A_318 : vector<16xi1>, vector<16xi32>
    %select_n3A_363 = arith.select %and3A_360, %max3A_326, %max3A_321 : vector<16xi1>, vector<16xf32>
    %select_n3A_364 = arith.select %and3A_360, %select_n3A_327, %select_n3A_323 : vector<16xi1>, vector<16xi32>
    %jit3A_365 = arith.constant 0xFF800000 : f32
    %broadcast_in_dim3A_366 = vector.broadcast %jit3A_365 : f32 to vector<16xf32>
    %select_n3A_367 = arith.select %and3A_360, %broadcast_in_dim3A_366, %max3A_326 : vector<16xi1>, vector<16xf32>
    %masked_sort3A_368 = arith.constant dense<true> : vector<16xi1>
    %masked_sort3A_369, %masked_sort3A_370, %masked_sort3A_371 = tpu.sort %select_n3A_361, %select_n3A_362 masked %masked_sort3A_368 {descending = true} : (vector<16xf32>, vector<16xi32>, vector<16xi1>) -> (vector<16xi1>, vector<16xf32>, vector<16xi32>)
    %slice3A_372 = vector.extract_strided_slice %masked_sort3A_370 {offsets = [0], sizes = [1], strides = [1]} : vector<16xf32> to vector<1xf32>
    %squeeze3A_373 = vector.extract %slice3A_372[0] : f32 from vector<1xf32>
    %eq3A_374 = vector.broadcast %squeeze3A_373 : f32 to vector<16xf32>
    %eq3A_375 = arith.cmpf oeq, %select_n3A_361, %eq3A_374 : vector<16xf32>
    %jit3A_376 = arith.constant 2147483647 : i32
    %broadcast_in_dim3A_377 = vector.broadcast %jit3A_376 : i32 to vector<16xi32>
    %select_n3A_378 = arith.select %eq3A_375, %select_n3A_362, %broadcast_in_dim3A_377 : vector<16xi1>, vector<16xi32>
    %masked_sort3A_379 = arith.constant dense<true> : vector<16xi1>
    %masked_sort3A_380 = arith.constant -2147483648 : i32
    %masked_sort3A_381 = vector.broadcast %masked_sort3A_380 : i32 to vector<16xi32>
    %masked_sort3A_382 = arith.xori %select_n3A_378, %masked_sort3A_381 : vector<16xi32>
    %masked_sort3A_383, %masked_sort3A_384, %masked_sort3A_385 = tpu.sort %masked_sort3A_382, %select_n3A_378 masked %masked_sort3A_379 : (vector<16xi32>, vector<16xi32>, vector<16xi1>) -> (vector<16xi1>, vector<16xi32>, vector<16xi32>)
    %masked_sort3A_386 = arith.xori %masked_sort3A_384, %masked_sort3A_381 : vector<16xi32>
    %slice3A_387 = vector.extract_strided_slice %masked_sort3A_386 {offsets = [0], sizes = [1], strides = [1]} : vector<16xi32> to vector<1xi32>
    %squeeze3A_388 = vector.extract %slice3A_387[0] : i32 from vector<1xi32>
    %eq3A_389 = arith.constant 1 : i32
    %eq3A_390 = vector.broadcast %eq3A_389 : i32 to vector<16xi32>
    %eq3A_391 = arith.cmpi eq, %iota3A, %eq3A_390 : vector<16xi32>
    %broadcast_in_dim3A_392 = vector.broadcast %squeeze3A_388 : i32 to vector<16xi32>
    %select_n3A_393 = arith.select %eq3A_391, %broadcast_in_dim3A_392, %select_n3A_355 : vector<16xi1>, vector<16xi32>
    %eq3A_394 = vector.broadcast %squeeze3A_388 : i32 to vector<16xi32>
    %eq3A_395 = arith.cmpi eq, %select_n3A_362, %eq3A_394 : vector<16xi32>
    %eq3A_396 = vector.broadcast %squeeze3A_373 : f32 to vector<16xf32>
    %eq3A_397 = arith.cmpf oeq, %select_n3A_361, %eq3A_396 : vector<16xf32>
    %and3A_398 = arith.andi %eq3A_395, %eq3A_397 : vector<16xi1>
    %select_n3A_399 = arith.select %and3A_398, %select_n3A_363, %select_n3A_361 : vector<16xi1>, vector<16xf32>
    %select_n3A_400 = arith.select %and3A_398, %select_n3A_364, %select_n3A_362 : vector<16xi1>, vector<16xi32>
    %select_n3A_401 = arith.select %and3A_398, %select_n3A_367, %select_n3A_363 : vector<16xi1>, vector<16xf32>
    %select_n3A_402 = arith.select %and3A_398, %select_n3A_327, %select_n3A_364 : vector<16xi1>, vector<16xi32>
    %jit3A_403 = arith.constant 0xFF800000 : f32
    %broadcast_in_dim3A_404 = vector.broadcast %jit3A_403 : f32 to vector<16xf32>
    %select_n3A_405 = arith.select %and3A_398, %broadcast_in_dim3A_404, %select_n3A_367 : vector<16xi1>, vector<16xf32>
    %masked_sort3A_406 = arith.constant dense<true> : vector<16xi1>
    %masked_sort3A_407, %masked_sort3A_408, %masked_sort3A_409 = tpu.sort %select_n3A_399, %select_n3A_400 masked %masked_sort3A_406 {descending = true} : (vector<16xf32>, vector<16xi32>, vector<16xi1>) -> (vector<16xi1>, vector<16xf32>, vector<16xi32>)
    %slice3A_410 = vector.extract_strided_slice %masked_sort3A_408 {offsets = [0], sizes = [1], strides = [1]} : vector<16xf32> to vector<1xf32>
    %squeeze3A_411 = vector.extract %slice3A_410[0] : f32 from vector<1xf32>
    %eq3A_412 = vector.broadcast %squeeze3A_411 : f32 to vector<16xf32>
    %eq3A_413 = arith.cmpf oeq, %select_n3A_399, %eq3A_412 : vector<16xf32>
    %jit3A_414 = arith.constant 2147483647 : i32
    %broadcast_in_dim3A_415 = vector.broadcast %jit3A_414 : i32 to vector<16xi32>
    %select_n3A_416 = arith.select %eq3A_413, %select_n3A_400, %broadcast_in_dim3A_415 : vector<16xi1>, vector<16xi32>
    %masked_sort3A_417 = arith.constant dense<true> : vector<16xi1>
    %masked_sort3A_418 = arith.constant -2147483648 : i32
    %masked_sort3A_419 = vector.broadcast %masked_sort3A_418 : i32 to vector<16xi32>
    %masked_sort3A_420 = arith.xori %select_n3A_416, %masked_sort3A_419 : vector<16xi32>
    %masked_sort3A_421, %masked_sort3A_422, %masked_sort3A_423 = tpu.sort %masked_sort3A_420, %select_n3A_416 masked %masked_sort3A_417 : (vector<16xi32>, vector<16xi32>, vector<16xi1>) -> (vector<16xi1>, vector<16xi32>, vector<16xi32>)
    %masked_sort3A_424 = arith.xori %masked_sort3A_422, %masked_sort3A_419 : vector<16xi32>
    %slice3A_425 = vector.extract_strided_slice %masked_sort3A_424 {offsets = [0], sizes = [1], strides = [1]} : vector<16xi32> to vector<1xi32>
    %squeeze3A_426 = vector.extract %slice3A_425[0] : i32 from vector<1xi32>
    %eq3A_427 = arith.constant 2 : i32
    %eq3A_428 = vector.broadcast %eq3A_427 : i32 to vector<16xi32>
    %eq3A_429 = arith.cmpi eq, %iota3A, %eq3A_428 : vector<16xi32>
    %broadcast_in_dim3A_430 = vector.broadcast %squeeze3A_426 : i32 to vector<16xi32>
    %select_n3A_431 = arith.select %eq3A_429, %broadcast_in_dim3A_430, %select_n3A_393 : vector<16xi1>, vector<16xi32>
    %eq3A_432 = vector.broadcast %squeeze3A_426 : i32 to vector<16xi32>
    %eq3A_433 = arith.cmpi eq, %select_n3A_400, %eq3A_432 : vector<16xi32>
    %eq3A_434 = vector.broadcast %squeeze3A_411 : f32 to vector<16xf32>
    %eq3A_435 = arith.cmpf oeq, %select_n3A_399, %eq3A_434 : vector<16xf32>
    %and3A_436 = arith.andi %eq3A_433, %eq3A_435 : vector<16xi1>
    %select_n3A_437 = arith.select %and3A_436, %select_n3A_401, %select_n3A_399 : vector<16xi1>, vector<16xf32>
    %select_n3A_438 = arith.select %and3A_436, %select_n3A_402, %select_n3A_400 : vector<16xi1>, vector<16xi32>
    %select_n3A_439 = arith.select %and3A_436, %select_n3A_405, %select_n3A_401 : vector<16xi1>, vector<16xf32>
    %select_n3A_440 = arith.select %and3A_436, %select_n3A_327, %select_n3A_402 : vector<16xi1>, vector<16xi32>
    %jit3A_441 = arith.constant 0xFF800000 : f32
    %broadcast_in_dim3A_442 = vector.broadcast %jit3A_441 : f32 to vector<16xf32>
    %select_n3A_443 = arith.select %and3A_436, %broadcast_in_dim3A_442, %select_n3A_405 : vector<16xi1>, vector<16xf32>
    %swap3A = arith.constant 0 : index
    %swap3A_444 = tpu.vector_load %arg6[%swap3A] {strides = array<i32>} : memref<64xi32, #tpu.memory_space<vmem>>, vector<16xi32>,
    tpu.vector_store %arg6[%swap3A], %select_n3A_431 {strides = array<i32>} : memref<64xi32, #tpu.memory_space<vmem>>, vector<16xi32>,
    %add3A_445 = arith.constant 1 : i32
    %add3A_446 = arith.addi %mul3A_5, %add3A_445 : i32
    %add3A_447 = arith.constant 1 : i32
    %add3A_448 = arith.addi %add3A_446, %add3A_447 : i32
    %dma_start3A_449 = arith.constant 0 : i32
    %dma_start3A_450 = tpu.memref_slice %arg2[%add3A_448, %dma_start3A_449] : memref<128x32768xf32, #tpu.memory_space<hbm>> -> memref<1x32768xf32, #tpu.memory_space<hbm>>
    %dma_start3A_451 = tpu.memref_squeeze %dma_start3A_450 : memref<1x32768xf32, #tpu.memory_space<hbm>> -> memref<32768xf32, #tpu.memory_space<hbm>>
    %dma_start3A_452 = arith.constant 0 : i32
    %dma_start3A_453 = tpu.memref_slice %arg2[%add3A_448, %dma_start3A_452] : memref<128x32768xf32, #tpu.memory_space<hbm>> -> memref<1x32768xf32, #tpu.memory_space<hbm>>
    %dma_start3A_454 = tpu.memref_squeeze %dma_start3A_453 : memref<1x32768xf32, #tpu.memory_space<hbm>> -> memref<32768xf32, #tpu.memory_space<hbm>>
    tpu.enqueue_dma source(%dma_start3A_454 : memref<32768xf32, #tpu.memory_space<hbm>>) target(%arg4 : memref<32768xf32, #tpu.memory_space<vmem>>) target_semaphore(%arg7 : memref<!tpu.dma_semaphore, #tpu.memory_space<semaphore_mem>>)
    %dma_wait3A_455 = arith.constant 0 : i32
    %dma_wait3A_456 = tpu.memref_slice %arg2[%add3A_28, %dma_wait3A_455] : memref<128x32768xf32, #tpu.memory_space<hbm>> -> memref<1x32768xf32, #tpu.memory_space<hbm>>
    %dma_wait3A_457 = tpu.memref_squeeze %dma_wait3A_456 : memref<1x32768xf32, #tpu.memory_space<hbm>> -> memref<32768xf32, #tpu.memory_space<hbm>>
    %dma_wait3A_458 = arith.constant 0 : i32
    %dma_wait3A_459 = tpu.memref_slice %arg2[%add3A_28, %dma_wait3A_458] : memref<128x32768xf32, #tpu.memory_space<hbm>> -> memref<1x32768xf32, #tpu.memory_space<hbm>>
    %dma_wait3A_460 = tpu.memref_squeeze %dma_wait3A_459 : memref<1x32768xf32, #tpu.memory_space<hbm>> -> memref<32768xf32, #tpu.memory_space<hbm>>
    tpu.wait_dma2 semaphore(%arg8 : memref<!tpu.dma_semaphore, #tpu.memory_space<semaphore_mem>>) src(%dma_wait3A_460 : memref<32768xf32, #tpu.memory_space<hbm>>) dst(%arg5 : memref<32768xf32, #tpu.memory_space<vmem>>)
    %broadcast_in_dim3A_461 = arith.constant 0xFF800000 : f32
    %broadcast_in_dim3A_462 = vector.broadcast %broadcast_in_dim3A_461 : f32 to vector<16xf32>
    %broadcast_in_dim3A_463 = arith.constant 0xFF800000 : f32
    %broadcast_in_dim3A_464 = vector.broadcast %broadcast_in_dim3A_463 : f32 to vector<16xf32>
    %broadcast_in_dim3A_465 = arith.constant 0xFF800000 : f32
    %broadcast_in_dim3A_466 = vector.broadcast %broadcast_in_dim3A_465 : f32 to vector<16xf32>
    %broadcast_in_dim3A_467 = arith.constant 0 : i32
    %broadcast_in_dim3A_468 = vector.broadcast %broadcast_in_dim3A_467 : i32 to vector<16xi32>
    %broadcast_in_dim3A_469 = arith.constant 0 : i32
    %broadcast_in_dim3A_470 = vector.broadcast %broadcast_in_dim3A_469 : i32 to vector<16xi32>
    %broadcast_in_dim3A_471 = arith.constant 0 : i32
    %broadcast_in_dim3A_472 = vector.broadcast %broadcast_in_dim3A_471 : i32 to vector<16xi32>
    %scan3A_473 = arith.constant 0 : i32
    %scan3A_474 = arith.constant 64 : i32
    %scan3A_475 = arith.addi %scan3A_473, %scan3A_474 : i32
    %scan3A_476 = arith.constant 1 : i32
    %scan3A_477:6 = scf.for %scan3A_1685 = %scan3A_473 to %scan3A_475 step %scan3A_476 iter_args(%scan3A_1686 = %broadcast_in_dim3A_462, %scan3A_1687 = %broadcast_in_dim3A_464, %scan3A_1688 = %broadcast_in_dim3A_466, %scan3A_1689 = %broadcast_in_dim3A_468, %scan3A_1690 = %broadcast_in_dim3A_470, %scan3A_1691 = %broadcast_in_dim3A_472) -> (vector<16xf32>, vector<16xf32>, vector<16xf32>, vector<16xi32>, vector<16xi32>, vector<16xi32>)  : i32 {
      %mul3A_1692 = arith.constant 1 : i32
      %mul3A_1693 = arith.muli %scan3A_1685, %mul3A_1692 : i32
      %add3A_1694 = arith.constant 0 : i32
      %add3A_1695 = arith.addi %add3A_1694, %mul3A_1693 : i32
      %mul3A_1696 = arith.constant 512 : i32
      %mul3A_1697 = arith.muli %add3A_1695, %mul3A_1696 : i32
      %add3A_1698 = arith.constant 0 : i32
      %add3A_1699 = arith.addi %mul3A_1697, %add3A_1698 : i32
      %get3A = arith.index_cast %add3A_1699 : i32 to index
      %get3A_1700 = tpu.vector_load %arg5[%get3A] {strides = array<i32>} : memref<32768xf32, #tpu.memory_space<vmem>>, vector<16xf32>,
      %add3A_1701 = arith.constant 16 : i32
      %add3A_1702 = arith.addi %mul3A_1697, %add3A_1701 : i32
      %get3A_1703 = arith.index_cast %add3A_1702 : i32 to index
      %get3A_1704 = tpu.vector_load %arg5[%get3A_1703] {strides = array<i32>} : memref<32768xf32, #tpu.memory_space<vmem>>, vector<16xf32>,
      %add3A_1705 = arith.constant 32 : i32
      %add3A_1706 = arith.addi %mul3A_1697, %add3A_1705 : i32
      %get3A_1707 = arith.index_cast %add3A_1706 : i32 to index
      %get3A_1708 = tpu.vector_load %arg5[%get3A_1707] {strides = array<i32>} : memref<32768xf32, #tpu.memory_space<vmem>>, vector<16xf32>,
      %add3A_1709 = arith.constant 48 : i32
      %add3A_1710 = arith.addi %mul3A_1697, %add3A_1709 : i32
      %get3A_1711 = arith.index_cast %add3A_1710 : i32 to index
      %get3A_1712 = tpu.vector_load %arg5[%get3A_1711] {strides = array<i32>} : memref<32768xf32, #tpu.memory_space<vmem>>, vector<16xf32>,
      %add3A_1713 = arith.constant 64 : i32
      %add3A_1714 = arith.addi %mul3A_1697, %add3A_1713 : i32
      %get3A_1715 = arith.index_cast %add3A_1714 : i32 to index
      %get3A_1716 = tpu.vector_load %arg5[%get3A_1715] {strides = array<i32>} : memref<32768xf32, #tpu.memory_space<vmem>>, vector<16xf32>,
      %add3A_1717 = arith.constant 80 : i32
      %add3A_1718 = arith.addi %mul3A_1697, %add3A_1717 : i32
      %get3A_1719 = arith.index_cast %add3A_1718 : i32 to index
      %get3A_1720 = tpu.vector_load %arg5[%get3A_1719] {strides = array<i32>} : memref<32768xf32, #tpu.memory_space<vmem>>, vector<16xf32>,
      %add3A_1721 = arith.constant 96 : i32
      %add3A_1722 = arith.addi %mul3A_1697, %add3A_1721 : i32
      %get3A_1723 = arith.index_cast %add3A_1722 : i32 to index
      %get3A_1724 = tpu.vector_load %arg5[%get3A_1723] {strides = array<i32>} : memref<32768xf32, #tpu.memory_space<vmem>>, vector<16xf32>,
      %add3A_1725 = arith.constant 112 : i32
      %add3A_1726 = arith.addi %mul3A_1697, %add3A_1725 : i32
      %get3A_1727 = arith.index_cast %add3A_1726 : i32 to index
      %get3A_1728 = tpu.vector_load %arg5[%get3A_1727] {strides = array<i32>} : memref<32768xf32, #tpu.memory_space<vmem>>, vector<16xf32>,
      %add3A_1729 = arith.constant 128 : i32
      %add3A_1730 = arith.addi %mul3A_1697, %add3A_1729 : i32
      %get3A_1731 = arith.index_cast %add3A_1730 : i32 to index
      %get3A_1732 = tpu.vector_load %arg5[%get3A_1731] {strides = array<i32>} : memref<32768xf32, #tpu.memory_space<vmem>>, vector<16xf32>,
      %add3A_1733 = arith.constant 144 : i32
      %add3A_1734 = arith.addi %mul3A_1697, %add3A_1733 : i32
      %get3A_1735 = arith.index_cast %add3A_1734 : i32 to index
      %get3A_1736 = tpu.vector_load %arg5[%get3A_1735] {strides = array<i32>} : memref<32768xf32, #tpu.memory_space<vmem>>, vector<16xf32>,
      %add3A_1737 = arith.constant 160 : i32
      %add3A_1738 = arith.addi %mul3A_1697, %add3A_1737 : i32
      %get3A_1739 = arith.index_cast %add3A_1738 : i32 to index
      %get3A_1740 = tpu.vector_load %arg5[%get3A_1739] {strides = array<i32>} : memref<32768xf32, #tpu.memory_space<vmem>>, vector<16xf32>,
      %add3A_1741 = arith.constant 176 : i32
      %add3A_1742 = arith.addi %mul3A_1697, %add3A_1741 : i32
      %get3A_1743 = arith.index_cast %add3A_1742 : i32 to index
      %get3A_1744 = tpu.vector_load %arg5[%get3A_1743] {strides = array<i32>} : memref<32768xf32, #tpu.memory_space<vmem>>, vector<16xf32>,
      %add3A_1745 = arith.constant 192 : i32
      %add3A_1746 = arith.addi %mul3A_1697, %add3A_1745 : i32
      %get3A_1747 = arith.index_cast %add3A_1746 : i32 to index
      %get3A_1748 = tpu.vector_load %arg5[%get3A_1747] {strides = array<i32>} : memref<32768xf32, #tpu.memory_space<vmem>>, vector<16xf32>,
      %add3A_1749 = arith.constant 208 : i32
      %add3A_1750 = arith.addi %mul3A_1697, %add3A_1749 : i32
      %get3A_1751 = arith.index_cast %add3A_1750 : i32 to index
      %get3A_1752 = tpu.vector_load %arg5[%get3A_1751] {strides = array<i32>} : memref<32768xf32, #tpu.memory_space<vmem>>, vector<16xf32>,
      %add3A_1753 = arith.constant 224 : i32
      %add3A_1754 = arith.addi %mul3A_1697, %add3A_1753 : i32
      %get3A_1755 = arith.index_cast %add3A_1754 : i32 to index
      %get3A_1756 = tpu.vector_load %arg5[%get3A_1755] {strides = array<i32>} : memref<32768xf32, #tpu.memory_space<vmem>>, vector<16xf32>,
      %add3A_1757 = arith.constant 240 : i32
      %add3A_1758 = arith.addi %mul3A_1697, %add3A_1757 : i32
      %get3A_1759 = arith.index_cast %add3A_1758 : i32 to index
      %get3A_1760 = tpu.vector_load %arg5[%get3A_1759] {strides = array<i32>} : memref<32768xf32, #tpu.memory_space<vmem>>, vector<16xf32>,
      %add3A_1761 = arith.constant 256 : i32
      %add3A_1762 = arith.addi %mul3A_1697, %add3A_1761 : i32
      %get3A_1763 = arith.index_cast %add3A_1762 : i32 to index
      %get3A_1764 = tpu.vector_load %arg5[%get3A_1763] {strides = array<i32>} : memref<32768xf32, #tpu.memory_space<vmem>>, vector<16xf32>,
      %add3A_1765 = arith.constant 272 : i32
      %add3A_1766 = arith.addi %mul3A_1697, %add3A_1765 : i32
      %get3A_1767 = arith.index_cast %add3A_1766 : i32 to index
      %get3A_1768 = tpu.vector_load %arg5[%get3A_1767] {strides = array<i32>} : memref<32768xf32, #tpu.memory_space<vmem>>, vector<16xf32>,
      %add3A_1769 = arith.constant 288 : i32
      %add3A_1770 = arith.addi %mul3A_1697, %add3A_1769 : i32
      %get3A_1771 = arith.index_cast %add3A_1770 : i32 to index
      %get3A_1772 = tpu.vector_load %arg5[%get3A_1771] {strides = array<i32>} : memref<32768xf32, #tpu.memory_space<vmem>>, vector<16xf32>,
      %add3A_1773 = arith.constant 304 : i32
      %add3A_1774 = arith.addi %mul3A_1697, %add3A_1773 : i32
      %get3A_1775 = arith.index_cast %add3A_1774 : i32 to index
      %get3A_1776 = tpu.vector_load %arg5[%get3A_1775] {strides = array<i32>} : memref<32768xf32, #tpu.memory_space<vmem>>, vector<16xf32>,
      %add3A_1777 = arith.constant 320 : i32
      %add3A_1778 = arith.addi %mul3A_1697, %add3A_1777 : i32
      %get3A_1779 = arith.index_cast %add3A_1778 : i32 to index
      %get3A_1780 = tpu.vector_load %arg5[%get3A_1779] {strides = array<i32>} : memref<32768xf32, #tpu.memory_space<vmem>>, vector<16xf32>,
      %add3A_1781 = arith.constant 336 : i32
      %add3A_1782 = arith.addi %mul3A_1697, %add3A_1781 : i32
      %get3A_1783 = arith.index_cast %add3A_1782 : i32 to index
      %get3A_1784 = tpu.vector_load %arg5[%get3A_1783] {strides = array<i32>} : memref<32768xf32, #tpu.memory_space<vmem>>, vector<16xf32>,
      %add3A_1785 = arith.constant 352 : i32
      %add3A_1786 = arith.addi %mul3A_1697, %add3A_1785 : i32
      %get3A_1787 = arith.index_cast %add3A_1786 : i32 to index
      %get3A_1788 = tpu.vector_load %arg5[%get3A_1787] {strides = array<i32>} : memref<32768xf32, #tpu.memory_space<vmem>>, vector<16xf32>,
      %add3A_1789 = arith.constant 368 : i32
      %add3A_1790 = arith.addi %mul3A_1697, %add3A_1789 : i32
      %get3A_1791 = arith.index_cast %add3A_1790 : i32 to index
      %get3A_1792 = tpu.vector_load %arg5[%get3A_1791] {strides = array<i32>} : memref<32768xf32, #tpu.memory_space<vmem>>, vector<16xf32>,
      %add3A_1793 = arith.constant 384 : i32
      %add3A_1794 = arith.addi %mul3A_1697, %add3A_1793 : i32
      %get3A_1795 = arith.index_cast %add3A_1794 : i32 to index
      %get3A_1796 = tpu.vector_load %arg5[%get3A_1795] {strides = array<i32>} : memref<32768xf32, #tpu.memory_space<vmem>>, vector<16xf32>,
      %add3A_1797 = arith.constant 400 : i32
      %add3A_1798 = arith.addi %mul3A_1697, %add3A_1797 : i32
      %get3A_1799 = arith.index_cast %add3A_1798 : i32 to index
      %get3A_1800 = tpu.vector_load %arg5[%get3A_1799] {strides = array<i32>} : memref<32768xf32, #tpu.memory_space<vmem>>, vector<16xf32>,
      %add3A_1801 = arith.constant 416 : i32
      %add3A_1802 = arith.addi %mul3A_1697, %add3A_1801 : i32
      %get3A_1803 = arith.index_cast %add3A_1802 : i32 to index
      %get3A_1804 = tpu.vector_load %arg5[%get3A_1803] {strides = array<i32>} : memref<32768xf32, #tpu.memory_space<vmem>>, vector<16xf32>,
      %add3A_1805 = arith.constant 432 : i32
      %add3A_1806 = arith.addi %mul3A_1697, %add3A_1805 : i32
      %get3A_1807 = arith.index_cast %add3A_1806 : i32 to index
      %get3A_1808 = tpu.vector_load %arg5[%get3A_1807] {strides = array<i32>} : memref<32768xf32, #tpu.memory_space<vmem>>, vector<16xf32>,
      %add3A_1809 = arith.constant 448 : i32
      %add3A_1810 = arith.addi %mul3A_1697, %add3A_1809 : i32
      %get3A_1811 = arith.index_cast %add3A_1810 : i32 to index
      %get3A_1812 = tpu.vector_load %arg5[%get3A_1811] {strides = array<i32>} : memref<32768xf32, #tpu.memory_space<vmem>>, vector<16xf32>,
      %add3A_1813 = arith.constant 464 : i32
      %add3A_1814 = arith.addi %mul3A_1697, %add3A_1813 : i32
      %get3A_1815 = arith.index_cast %add3A_1814 : i32 to index
      %get3A_1816 = tpu.vector_load %arg5[%get3A_1815] {strides = array<i32>} : memref<32768xf32, #tpu.memory_space<vmem>>, vector<16xf32>,
      %add3A_1817 = arith.constant 480 : i32
      %add3A_1818 = arith.addi %mul3A_1697, %add3A_1817 : i32
      %get3A_1819 = arith.index_cast %add3A_1818 : i32 to index
      %get3A_1820 = tpu.vector_load %arg5[%get3A_1819] {strides = array<i32>} : memref<32768xf32, #tpu.memory_space<vmem>>, vector<16xf32>,
      %add3A_1821 = arith.constant 496 : i32
      %add3A_1822 = arith.addi %mul3A_1697, %add3A_1821 : i32
      %get3A_1823 = arith.index_cast %add3A_1822 : i32 to index
      %get3A_1824 = tpu.vector_load %arg5[%get3A_1823] {strides = array<i32>} : memref<32768xf32, #tpu.memory_space<vmem>>, vector<16xf32>,
      %max3A_1825 = arith.maximumf %get3A_1700, %get3A_1704 : vector<16xf32>
      %max3A_1826 = arith.maximumf %get3A_1708, %get3A_1712 : vector<16xf32>
      %max3A_1827 = arith.maximumf %get3A_1716, %get3A_1720 : vector<16xf32>
      %max3A_1828 = arith.maximumf %get3A_1724, %get3A_1728 : vector<16xf32>
      %max3A_1829 = arith.maximumf %get3A_1732, %get3A_1736 : vector<16xf32>
      %max3A_1830 = arith.maximumf %get3A_1740, %get3A_1744 : vector<16xf32>
      %max3A_1831 = arith.maximumf %get3A_1748, %get3A_1752 : vector<16xf32>
      %max3A_1832 = arith.maximumf %get3A_1756, %get3A_1760 : vector<16xf32>
      %max3A_1833 = arith.maximumf %get3A_1764, %get3A_1768 : vector<16xf32>
      %max3A_1834 = arith.maximumf %get3A_1772, %get3A_1776 : vector<16xf32>
      %max3A_1835 = arith.maximumf %get3A_1780, %get3A_1784 : vector<16xf32>
      %max3A_1836 = arith.maximumf %get3A_1788, %get3A_1792 : vector<16xf32>
      %max3A_1837 = arith.maximumf %get3A_1796, %get3A_1800 : vector<16xf32>
      %max3A_1838 = arith.maximumf %get3A_1804, %get3A_1808 : vector<16xf32>
      %max3A_1839 = arith.maximumf %get3A_1812, %get3A_1816 : vector<16xf32>
      %max3A_1840 = arith.maximumf %get3A_1820, %get3A_1824 : vector<16xf32>
      %max3A_1841 = arith.maximumf %max3A_1825, %max3A_1826 : vector<16xf32>
      %max3A_1842 = arith.maximumf %max3A_1827, %max3A_1828 : vector<16xf32>
      %max3A_1843 = arith.maximumf %max3A_1829, %max3A_1830 : vector<16xf32>
      %max3A_1844 = arith.maximumf %max3A_1831, %max3A_1832 : vector<16xf32>
      %max3A_1845 = arith.maximumf %max3A_1833, %max3A_1834 : vector<16xf32>
      %max3A_1846 = arith.maximumf %max3A_1835, %max3A_1836 : vector<16xf32>
      %max3A_1847 = arith.maximumf %max3A_1837, %max3A_1838 : vector<16xf32>
      %max3A_1848 = arith.maximumf %max3A_1839, %max3A_1840 : vector<16xf32>
      %max3A_1849 = arith.maximumf %max3A_1841, %max3A_1842 : vector<16xf32>
      %max3A_1850 = arith.maximumf %max3A_1843, %max3A_1844 : vector<16xf32>
      %max3A_1851 = arith.maximumf %max3A_1845, %max3A_1846 : vector<16xf32>
      %max3A_1852 = arith.maximumf %max3A_1847, %max3A_1848 : vector<16xf32>
      %max3A_1853 = arith.maximumf %max3A_1849, %max3A_1850 : vector<16xf32>
      %max3A_1854 = arith.maximumf %max3A_1851, %max3A_1852 : vector<16xf32>
      %max3A_1855 = arith.maximumf %max3A_1853, %max3A_1854 : vector<16xf32>
      %mul3A_1856 = arith.constant 16 : i32
      %mul3A_1857 = arith.muli %add3A_1695, %mul3A_1856 : i32
      %add3A_1858 = vector.broadcast %mul3A_1857 : i32 to vector<16xi32>
      %add3A_1859 = arith.addi %iota3A, %add3A_1858 : vector<16xi32>
      %gt3A_1860 = arith.cmpf ogt, %max3A_1855, %scan3A_1686 : vector<16xf32>
      %max3A_1861 = arith.maximumf %max3A_1855, %scan3A_1686 : vector<16xf32>
      %min3A_1862 = arith.minimumf %max3A_1855, %scan3A_1686 : vector<16xf32>
      %select_n3A_1863 = arith.select %gt3A_1860, %add3A_1859, %scan3A_1689 : vector<16xi1>, vector<16xi32>
      %select_n3A_1864 = arith.select %gt3A_1860, %scan3A_1689, %add3A_1859 : vector<16xi1>, vector<16xi32>
      %gt3A_1865 = arith.cmpf ogt, %min3A_1862, %scan3A_1687 : vector<16xf32>
      %max3A_1866 = arith.maximumf %min3A_1862, %scan3A_1687 : vector<16xf32>
      %min3A_1867 = arith.minimumf %min3A_1862, %scan3A_1687 : vector<16xf32>
      %select_n3A_1868 = arith.select %gt3A_1865, %select_n3A_1864, %scan3A_1690 : vector<16xi1>, vector<16xi32>
      %select_n3A_1869 = arith.select %gt3A_1865, %scan3A_1690, %select_n3A_1864 : vector<16xi1>, vector<16xi32>
      %gt3A_1870 = arith.cmpf ogt, %min3A_1867, %scan3A_1688 : vector<16xf32>
      %max3A_1871 = arith.maximumf %min3A_1867, %scan3A_1688 : vector<16xf32>
      %select_n3A_1872 = arith.select %gt3A_1870, %select_n3A_1869, %scan3A_1691 : vector<16xi1>, vector<16xi32>
      scf.yield %max3A_1861, %max3A_1866, %max3A_1871, %select_n3A_1863, %select_n3A_1868, %select_n3A_1872 : vector<16xf32>, vector<16xf32>, vector<16xf32>, vector<16xi32>, vector<16xi32>, vector<16xi32>
    }
    %scan3A_478 = arith.constant 64 : i32
    %masked_sort3A_479 = arith.constant dense<true> : vector<16xi1>
    %masked_sort3A_480, %masked_sort3A_481, %masked_sort3A_482 = tpu.sort %scan3A_477#0, %scan3A_477#3 masked %masked_sort3A_479 {descending = true} : (vector<16xf32>, vector<16xi32>, vector<16xi1>) -> (vector<16xi1>, vector<16xf32>, vector<16xi32>)
    %slice3A_483 = vector.extract_strided_slice %masked_sort3A_481 {offsets = [0], sizes = [1], strides = [1]} : vector<16xf32> to vector<1xf32>
    %squeeze3A_484 = vector.extract %slice3A_483[0] : f32 from vector<1xf32>
    %slice3A_485 = vector.extract_strided_slice %masked_sort3A_482 {offsets = [0], sizes = [1], strides = [1]} : vector<16xi32> to vector<1xi32>
    %squeeze3A_486 = vector.extract %slice3A_485[0] : i32 from vector<1xi32>
    %eq3A_487 = vector.broadcast %squeeze3A_486 : i32 to vector<16xi32>
    %eq3A_488 = arith.cmpi eq, %scan3A_477#3, %eq3A_487 : vector<16xi32>
    %eq3A_489 = vector.broadcast %squeeze3A_484 : f32 to vector<16xf32>
    %eq3A_490 = arith.cmpf oeq, %scan3A_477#0, %eq3A_489 : vector<16xf32>
    %and3A_491 = arith.andi %eq3A_488, %eq3A_490 : vector<16xi1>
    %select_n3A_492 = arith.select %and3A_491, %scan3A_477#1, %scan3A_477#0 : vector<16xi1>, vector<16xf32>
    %select_n3A_493 = arith.select %and3A_491, %scan3A_477#4, %scan3A_477#3 : vector<16xi1>, vector<16xi32>
    %select_n3A_494 = arith.select %and3A_491, %scan3A_477#2, %scan3A_477#1 : vector<16xi1>, vector<16xf32>
    %select_n3A_495 = arith.select %and3A_491, %scan3A_477#5, %scan3A_477#4 : vector<16xi1>, vector<16xi32>
    %jit3A_496 = arith.constant 0xFF800000 : f32
    %broadcast_in_dim3A_497 = vector.broadcast %jit3A_496 : f32 to vector<16xf32>
    %select_n3A_498 = arith.select %and3A_491, %broadcast_in_dim3A_497, %scan3A_477#2 : vector<16xi1>, vector<16xf32>
    %masked_sort3A_499 = arith.constant dense<true> : vector<16xi1>
    %masked_sort3A_500, %masked_sort3A_501, %masked_sort3A_502 = tpu.sort %select_n3A_492, %select_n3A_493 masked %masked_sort3A_499 {descending = true} : (vector<16xf32>, vector<16xi32>, vector<16xi1>) -> (vector<16xi1>, vector<16xf32>, vector<16xi32>)
    %slice3A_503 = vector.extract_strided_slice %masked_sort3A_501 {offsets = [0], sizes = [1], strides = [1]} : vector<16xf32> to vector<1xf32>
    %squeeze3A_504 = vector.extract %slice3A_503[0] : f32 from vector<1xf32>
    %slice3A_505 = vector.extract_strided_slice %masked_sort3A_502 {offsets = [0], sizes = [1], strides = [1]} : vector<16xi32> to vector<1xi32>
    %squeeze3A_506 = vector.extract %slice3A_505[0] : i32 from vector<1xi32>
    %eq3A_507 = vector.broadcast %squeeze3A_506 : i32 to vector<16xi32>
    %eq3A_508 = arith.cmpi eq, %select_n3A_493, %eq3A_507 : vector<16xi32>
    %eq3A_509 = vector.broadcast %squeeze3A_504 : f32 to vector<16xf32>
    %eq3A_510 = arith.cmpf oeq, %select_n3A_492, %eq3A_509 : vector<16xf32>
    %and3A_511 = arith.andi %eq3A_508, %eq3A_510 : vector<16xi1>
    %select_n3A_512 = arith.select %and3A_511, %select_n3A_494, %select_n3A_492 : vector<16xi1>, vector<16xf32>
    %select_n3A_513 = arith.select %and3A_511, %select_n3A_495, %select_n3A_493 : vector<16xi1>, vector<16xi32>
    %select_n3A_514 = arith.select %and3A_511, %select_n3A_498, %select_n3A_494 : vector<16xi1>, vector<16xf32>
    %select_n3A_515 = arith.select %and3A_511, %scan3A_477#5, %select_n3A_495 : vector<16xi1>, vector<16xi32>
    %jit3A_516 = arith.constant 0xFF800000 : f32
    %broadcast_in_dim3A_517 = vector.broadcast %jit3A_516 : f32 to vector<16xf32>
    %select_n3A_518 = arith.select %and3A_511, %broadcast_in_dim3A_517, %select_n3A_498 : vector<16xi1>, vector<16xf32>
    %masked_sort3A_519 = arith.constant dense<true> : vector<16xi1>
    %masked_sort3A_520, %masked_sort3A_521, %masked_sort3A_522 = tpu.sort %select_n3A_512, %select_n3A_513 masked %masked_sort3A_519 {descending = true} : (vector<16xf32>, vector<16xi32>, vector<16xi1>) -> (vector<16xi1>, vector<16xf32>, vector<16xi32>)
    %slice3A_523 = vector.extract_strided_slice %masked_sort3A_521 {offsets = [0], sizes = [1], strides = [1]} : vector<16xf32> to vector<1xf32>
    %squeeze3A_524 = vector.extract %slice3A_523[0] : f32 from vector<1xf32>
    %slice3A_525 = vector.extract_strided_slice %masked_sort3A_522 {offsets = [0], sizes = [1], strides = [1]} : vector<16xi32> to vector<1xi32>
    %squeeze3A_526 = vector.extract %slice3A_525[0] : i32 from vector<1xi32>
    %eq3A_527 = vector.broadcast %squeeze3A_526 : i32 to vector<16xi32>
    %eq3A_528 = arith.cmpi eq, %select_n3A_513, %eq3A_527 : vector<16xi32>
    %eq3A_529 = vector.broadcast %squeeze3A_524 : f32 to vector<16xf32>
    %eq3A_530 = arith.cmpf oeq, %select_n3A_512, %eq3A_529 : vector<16xf32>
    %and3A_531 = arith.andi %eq3A_528, %eq3A_530 : vector<16xi1>
    %select_n3A_532 = arith.select %and3A_531, %select_n3A_514, %select_n3A_512 : vector<16xi1>, vector<16xf32>
    %select_n3A_533 = arith.select %and3A_531, %select_n3A_515, %select_n3A_513 : vector<16xi1>, vector<16xi32>
    %select_n3A_534 = arith.select %and3A_531, %select_n3A_518, %select_n3A_514 : vector<16xi1>, vector<16xf32>
    %select_n3A_535 = arith.select %and3A_531, %scan3A_477#5, %select_n3A_515 : vector<16xi1>, vector<16xi32>
    %jit3A_536 = arith.constant 0xFF800000 : f32
    %broadcast_in_dim3A_537 = vector.broadcast %jit3A_536 : f32 to vector<16xf32>
    %select_n3A_538 = arith.select %and3A_531, %broadcast_in_dim3A_537, %select_n3A_518 : vector<16xi1>, vector<16xf32>
    %masked_sort3A_539 = arith.constant dense<true> : vector<16xi1>
    %masked_sort3A_540, %masked_sort3A_541, %masked_sort3A_542 = tpu.sort %select_n3A_532, %select_n3A_533 masked %masked_sort3A_539 {descending = true} : (vector<16xf32>, vector<16xi32>, vector<16xi1>) -> (vector<16xi1>, vector<16xf32>, vector<16xi32>)
    %slice3A_543 = vector.extract_strided_slice %masked_sort3A_541 {offsets = [0], sizes = [1], strides = [1]} : vector<16xf32> to vector<1xf32>
    %squeeze3A_544 = vector.extract %slice3A_543[0] : f32 from vector<1xf32>
    %slice3A_545 = vector.extract_strided_slice %masked_sort3A_542 {offsets = [0], sizes = [1], strides = [1]} : vector<16xi32> to vector<1xi32>
    %squeeze3A_546 = vector.extract %slice3A_545[0] : i32 from vector<1xi32>
    %eq3A_547 = vector.broadcast %squeeze3A_546 : i32 to vector<16xi32>
    %eq3A_548 = arith.cmpi eq, %select_n3A_533, %eq3A_547 : vector<16xi32>
    %eq3A_549 = vector.broadcast %squeeze3A_544 : f32 to vector<16xf32>
    %eq3A_550 = arith.cmpf oeq, %select_n3A_532, %eq3A_549 : vector<16xf32>
    %and3A_551 = arith.andi %eq3A_548, %eq3A_550 : vector<16xi1>
    %select_n3A_552 = arith.select %and3A_551, %select_n3A_534, %select_n3A_532 : vector<16xi1>, vector<16xf32>
    %select_n3A_553 = arith.select %and3A_551, %select_n3A_535, %select_n3A_533 : vector<16xi1>, vector<16xi32>
    %select_n3A_554 = arith.select %and3A_551, %select_n3A_538, %select_n3A_534 : vector<16xi1>, vector<16xf32>
    %select_n3A_555 = arith.select %and3A_551, %scan3A_477#5, %select_n3A_535 : vector<16xi1>, vector<16xi32>
    %jit3A_556 = arith.constant 0xFF800000 : f32
    %broadcast_in_dim3A_557 = vector.broadcast %jit3A_556 : f32 to vector<16xf32>
    %select_n3A_558 = arith.select %and3A_551, %broadcast_in_dim3A_557, %select_n3A_538 : vector<16xi1>, vector<16xf32>
    %broadcast_in_dim3A_559 = arith.constant 0xFF800000 : f32
    %broadcast_in_dim3A_560 = vector.broadcast %broadcast_in_dim3A_559 : f32 to vector<16xf32>
    %broadcast_in_dim3A_561 = arith.constant 0xFF800000 : f32
    %broadcast_in_dim3A_562 = vector.broadcast %broadcast_in_dim3A_561 : f32 to vector<16xf32>
    %broadcast_in_dim3A_563 = arith.constant 0xFF800000 : f32
    %broadcast_in_dim3A_564 = vector.broadcast %broadcast_in_dim3A_563 : f32 to vector<16xf32>
    %broadcast_in_dim3A_565 = arith.constant 0 : i32
    %broadcast_in_dim3A_566 = vector.broadcast %broadcast_in_dim3A_565 : i32 to vector<16xi32>
    %broadcast_in_dim3A_567 = arith.constant 0 : i32
    %broadcast_in_dim3A_568 = vector.broadcast %broadcast_in_dim3A_567 : i32 to vector<16xi32>
    %broadcast_in_dim3A_569 = arith.constant 0 : i32
    %broadcast_in_dim3A_570 = vector.broadcast %broadcast_in_dim3A_569 : i32 to vector<16xi32>
    %and3A_571 = arith.constant 15 : i32
    %and3A_572 = arith.andi %squeeze3A_486, %and3A_571 : i32
    %shift_right_arithmetic3A_573 = arith.constant 4 : i32
    %shift_right_arithmetic3A_574 = arith.shrsi %squeeze3A_486, %shift_right_arithmetic3A_573 : i32
    %mul3A_575 = arith.constant 512 : i32
    %mul3A_576 = arith.muli %shift_right_arithmetic3A_574, %mul3A_575 : i32
    %add3A_577 = arith.addi %and3A_572, %mul3A_576 : i32
    %add3A_578 = vector.broadcast %add3A_577 : i32 to vector<16xi32>
    %add3A_579 = arith.addi %add3A_578, %mul3A_3 : vector<16xi32>
    %add3A_580 = arith.constant 0 : i32
    %add3A_581 = vector.broadcast %add3A_580 : i32 to vector<16xi32>
    %add3A_582 = arith.addi %add3A_579, %add3A_581 : vector<16xi32>
    %gather3A_583 = tpu.vector_load_idx %arg5[%add3A_582] : memref<32768xf32, #tpu.memory_space<vmem>>[vector<16xi32>], vector<16xf32>,
    %gt3A_584 = arith.cmpf ogt, %gather3A_583, %broadcast_in_dim3A_560 : vector<16xf32>
    %max3A_585 = arith.maximumf %gather3A_583, %broadcast_in_dim3A_560 : vector<16xf32>
    %min3A_586 = arith.minimumf %gather3A_583, %broadcast_in_dim3A_560 : vector<16xf32>
    %select_n3A_587 = arith.select %gt3A_584, %add3A_582, %broadcast_in_dim3A_566 : vector<16xi1>, vector<16xi32>
    %select_n3A_588 = arith.select %gt3A_584, %broadcast_in_dim3A_566, %add3A_582 : vector<16xi1>, vector<16xi32>
    %gt3A_589 = arith.cmpf ogt, %min3A_586, %broadcast_in_dim3A_562 : vector<16xf32>
    %max3A_590 = arith.maximumf %min3A_586, %broadcast_in_dim3A_562 : vector<16xf32>
    %min3A_591 = arith.minimumf %min3A_586, %broadcast_in_dim3A_562 : vector<16xf32>
    %select_n3A_592 = arith.select %gt3A_589, %select_n3A_588, %broadcast_in_dim3A_568 : vector<16xi1>, vector<16xi32>
    %select_n3A_593 = arith.select %gt3A_589, %broadcast_in_dim3A_568, %select_n3A_588 : vector<16xi1>, vector<16xi32>
    %gt3A_594 = arith.cmpf ogt, %min3A_591, %broadcast_in_dim3A_564 : vector<16xf32>
    %max3A_595 = arith.maximumf %min3A_591, %broadcast_in_dim3A_564 : vector<16xf32>
    %select_n3A_596 = arith.select %gt3A_594, %select_n3A_593, %broadcast_in_dim3A_570 : vector<16xi1>, vector<16xi32>
    %add3A_597 = arith.constant 256 : i32
    %add3A_598 = vector.broadcast %add3A_597 : i32 to vector<16xi32>
    %add3A_599 = arith.addi %add3A_579, %add3A_598 : vector<16xi32>
    %gather3A_600 = tpu.vector_load_idx %arg5[%add3A_599] : memref<32768xf32, #tpu.memory_space<vmem>>[vector<16xi32>], vector<16xf32>,
    %gt3A_601 = arith.cmpf ogt, %gather3A_600, %max3A_585 : vector<16xf32>
    %max3A_602 = arith.maximumf %gather3A_600, %max3A_585 : vector<16xf32>
    %min3A_603 = arith.minimumf %gather3A_600, %max3A_585 : vector<16xf32>
    %select_n3A_604 = arith.select %gt3A_601, %add3A_599, %select_n3A_587 : vector<16xi1>, vector<16xi32>
    %select_n3A_605 = arith.select %gt3A_601, %select_n3A_587, %add3A_599 : vector<16xi1>, vector<16xi32>
    %gt3A_606 = arith.cmpf ogt, %min3A_603, %max3A_590 : vector<16xf32>
    %max3A_607 = arith.maximumf %min3A_603, %max3A_590 : vector<16xf32>
    %min3A_608 = arith.minimumf %min3A_603, %max3A_590 : vector<16xf32>
    %select_n3A_609 = arith.select %gt3A_606, %select_n3A_605, %select_n3A_592 : vector<16xi1>, vector<16xi32>
    %select_n3A_610 = arith.select %gt3A_606, %select_n3A_592, %select_n3A_605 : vector<16xi1>, vector<16xi32>
    %gt3A_611 = arith.cmpf ogt, %min3A_608, %max3A_595 : vector<16xf32>
    %max3A_612 = arith.maximumf %min3A_608, %max3A_595 : vector<16xf32>
    %select_n3A_613 = arith.select %gt3A_611, %select_n3A_610, %select_n3A_596 : vector<16xi1>, vector<16xi32>
    %and3A_614 = arith.constant 15 : i32
    %and3A_615 = arith.andi %squeeze3A_506, %and3A_614 : i32
    %shift_right_arithmetic3A_616 = arith.constant 4 : i32
    %shift_right_arithmetic3A_617 = arith.shrsi %squeeze3A_506, %shift_right_arithmetic3A_616 : i32
    %mul3A_618 = arith.constant 512 : i32
    %mul3A_619 = arith.muli %shift_right_arithmetic3A_617, %mul3A_618 : i32
    %add3A_620 = arith.addi %and3A_615, %mul3A_619 : i32
    %add3A_621 = vector.broadcast %add3A_620 : i32 to vector<16xi32>
    %add3A_622 = arith.addi %add3A_621, %mul3A_3 : vector<16xi32>
    %add3A_623 = arith.constant 0 : i32
    %add3A_624 = vector.broadcast %add3A_623 : i32 to vector<16xi32>
    %add3A_625 = arith.addi %add3A_622, %add3A_624 : vector<16xi32>
    %gather3A_626 = tpu.vector_load_idx %arg5[%add3A_625] : memref<32768xf32, #tpu.memory_space<vmem>>[vector<16xi32>], vector<16xf32>,
    %gt3A_627 = arith.cmpf ogt, %gather3A_626, %max3A_602 : vector<16xf32>
    %max3A_628 = arith.maximumf %gather3A_626, %max3A_602 : vector<16xf32>
    %min3A_629 = arith.minimumf %gather3A_626, %max3A_602 : vector<16xf32>
    %select_n3A_630 = arith.select %gt3A_627, %add3A_625, %select_n3A_604 : vector<16xi1>, vector<16xi32>
    %select_n3A_631 = arith.select %gt3A_627, %select_n3A_604, %add3A_625 : vector<16xi1>, vector<16xi32>
    %gt3A_632 = arith.cmpf ogt, %min3A_629, %max3A_607 : vector<16xf32>
    %max3A_633 = arith.maximumf %min3A_629, %max3A_607 : vector<16xf32>
    %min3A_634 = arith.minimumf %min3A_629, %max3A_607 : vector<16xf32>
    %select_n3A_635 = arith.select %gt3A_632, %select_n3A_631, %select_n3A_609 : vector<16xi1>, vector<16xi32>
    %select_n3A_636 = arith.select %gt3A_632, %select_n3A_609, %select_n3A_631 : vector<16xi1>, vector<16xi32>
    %gt3A_637 = arith.cmpf ogt, %min3A_634, %max3A_612 : vector<16xf32>
    %max3A_638 = arith.maximumf %min3A_634, %max3A_612 : vector<16xf32>
    %select_n3A_639 = arith.select %gt3A_637, %select_n3A_636, %select_n3A_613 : vector<16xi1>, vector<16xi32>
    %add3A_640 = arith.constant 256 : i32
    %add3A_641 = vector.broadcast %add3A_640 : i32 to vector<16xi32>
    %add3A_642 = arith.addi %add3A_622, %add3A_641 : vector<16xi32>
    %gather3A_643 = tpu.vector_load_idx %arg5[%add3A_642] : memref<32768xf32, #tpu.memory_space<vmem>>[vector<16xi32>], vector<16xf32>,
    %gt3A_644 = arith.cmpf ogt, %gather3A_643, %max3A_628 : vector<16xf32>
    %max3A_645 = arith.maximumf %gather3A_643, %max3A_628 : vector<16xf32>
    %min3A_646 = arith.minimumf %gather3A_643, %max3A_628 : vector<16xf32>
    %select_n3A_647 = arith.select %gt3A_644, %add3A_642, %select_n3A_630 : vector<16xi1>, vector<16xi32>
    %select_n3A_648 = arith.select %gt3A_644, %select_n3A_630, %add3A_642 : vector<16xi1>, vector<16xi32>
    %gt3A_649 = arith.cmpf ogt, %min3A_646, %max3A_633 : vector<16xf32>
    %max3A_650 = arith.maximumf %min3A_646, %max3A_633 : vector<16xf32>
    %min3A_651 = arith.minimumf %min3A_646, %max3A_633 : vector<16xf32>
    %select_n3A_652 = arith.select %gt3A_649, %select_n3A_648, %select_n3A_635 : vector<16xi1>, vector<16xi32>
    %select_n3A_653 = arith.select %gt3A_649, %select_n3A_635, %select_n3A_648 : vector<16xi1>, vector<16xi32>
    %gt3A_654 = arith.cmpf ogt, %min3A_651, %max3A_638 : vector<16xf32>
    %max3A_655 = arith.maximumf %min3A_651, %max3A_638 : vector<16xf32>
    %select_n3A_656 = arith.select %gt3A_654, %select_n3A_653, %select_n3A_639 : vector<16xi1>, vector<16xi32>
    %and3A_657 = arith.constant 15 : i32
    %and3A_658 = arith.andi %squeeze3A_526, %and3A_657 : i32
    %shift_right_arithmetic3A_659 = arith.constant 4 : i32
    %shift_right_arithmetic3A_660 = arith.shrsi %squeeze3A_526, %shift_right_arithmetic3A_659 : i32
    %mul3A_661 = arith.constant 512 : i32
    %mul3A_662 = arith.muli %shift_right_arithmetic3A_660, %mul3A_661 : i32
    %add3A_663 = arith.addi %and3A_658, %mul3A_662 : i32
    %add3A_664 = vector.broadcast %add3A_663 : i32 to vector<16xi32>
    %add3A_665 = arith.addi %add3A_664, %mul3A_3 : vector<16xi32>
    %add3A_666 = arith.constant 0 : i32
    %add3A_667 = vector.broadcast %add3A_666 : i32 to vector<16xi32>
    %add3A_668 = arith.addi %add3A_665, %add3A_667 : vector<16xi32>
    %gather3A_669 = tpu.vector_load_idx %arg5[%add3A_668] : memref<32768xf32, #tpu.memory_space<vmem>>[vector<16xi32>], vector<16xf32>,
    %gt3A_670 = arith.cmpf ogt, %gather3A_669, %max3A_645 : vector<16xf32>
    %max3A_671 = arith.maximumf %gather3A_669, %max3A_645 : vector<16xf32>
    %min3A_672 = arith.minimumf %gather3A_669, %max3A_645 : vector<16xf32>
    %select_n3A_673 = arith.select %gt3A_670, %add3A_668, %select_n3A_647 : vector<16xi1>, vector<16xi32>
    %select_n3A_674 = arith.select %gt3A_670, %select_n3A_647, %add3A_668 : vector<16xi1>, vector<16xi32>
    %gt3A_675 = arith.cmpf ogt, %min3A_672, %max3A_650 : vector<16xf32>
    %max3A_676 = arith.maximumf %min3A_672, %max3A_650 : vector<16xf32>
    %min3A_677 = arith.minimumf %min3A_672, %max3A_650 : vector<16xf32>
    %select_n3A_678 = arith.select %gt3A_675, %select_n3A_674, %select_n3A_652 : vector<16xi1>, vector<16xi32>
    %select_n3A_679 = arith.select %gt3A_675, %select_n3A_652, %select_n3A_674 : vector<16xi1>, vector<16xi32>
    %gt3A_680 = arith.cmpf ogt, %min3A_677, %max3A_655 : vector<16xf32>
    %max3A_681 = arith.maximumf %min3A_677, %max3A_655 : vector<16xf32>
    %select_n3A_682 = arith.select %gt3A_680, %select_n3A_679, %select_n3A_656 : vector<16xi1>, vector<16xi32>
    %add3A_683 = arith.constant 256 : i32
    %add3A_684 = vector.broadcast %add3A_683 : i32 to vector<16xi32>
    %add3A_685 = arith.addi %add3A_665, %add3A_684 : vector<16xi32>
    %gather3A_686 = tpu.vector_load_idx %arg5[%add3A_685] : memref<32768xf32, #tpu.memory_space<vmem>>[vector<16xi32>], vector<16xf32>,
    %gt3A_687 = arith.cmpf ogt, %gather3A_686, %max3A_671 : vector<16xf32>
    %max3A_688 = arith.maximumf %gather3A_686, %max3A_671 : vector<16xf32>
    %min3A_689 = arith.minimumf %gather3A_686, %max3A_671 : vector<16xf32>
    %select_n3A_690 = arith.select %gt3A_687, %add3A_685, %select_n3A_673 : vector<16xi1>, vector<16xi32>
    %select_n3A_691 = arith.select %gt3A_687, %select_n3A_673, %add3A_685 : vector<16xi1>, vector<16xi32>
    %gt3A_692 = arith.cmpf ogt, %min3A_689, %max3A_676 : vector<16xf32>
    %max3A_693 = arith.maximumf %min3A_689, %max3A_676 : vector<16xf32>
    %min3A_694 = arith.minimumf %min3A_689, %max3A_676 : vector<16xf32>
    %select_n3A_695 = arith.select %gt3A_692, %select_n3A_691, %select_n3A_678 : vector<16xi1>, vector<16xi32>
    %select_n3A_696 = arith.select %gt3A_692, %select_n3A_678, %select_n3A_691 : vector<16xi1>, vector<16xi32>
    %gt3A_697 = arith.cmpf ogt, %min3A_694, %max3A_681 : vector<16xf32>
    %max3A_698 = arith.maximumf %min3A_694, %max3A_681 : vector<16xf32>
    %select_n3A_699 = arith.select %gt3A_697, %select_n3A_696, %select_n3A_682 : vector<16xi1>, vector<16xi32>
    %and3A_700 = arith.constant 15 : i32
    %and3A_701 = arith.andi %squeeze3A_546, %and3A_700 : i32
    %shift_right_arithmetic3A_702 = arith.constant 4 : i32
    %shift_right_arithmetic3A_703 = arith.shrsi %squeeze3A_546, %shift_right_arithmetic3A_702 : i32
    %mul3A_704 = arith.constant 512 : i32
    %mul3A_705 = arith.muli %shift_right_arithmetic3A_703, %mul3A_704 : i32
    %add3A_706 = arith.addi %and3A_701, %mul3A_705 : i32
    %add3A_707 = vector.broadcast %add3A_706 : i32 to vector<16xi32>
    %add3A_708 = arith.addi %add3A_707, %mul3A_3 : vector<16xi32>
    %add3A_709 = arith.constant 0 : i32
    %add3A_710 = vector.broadcast %add3A_709 : i32 to vector<16xi32>
    %add3A_711 = arith.addi %add3A_708, %add3A_710 : vector<16xi32>
    %gather3A_712 = tpu.vector_load_idx %arg5[%add3A_711] : memref<32768xf32, #tpu.memory_space<vmem>>[vector<16xi32>], vector<16xf32>,
    %gt3A_713 = arith.cmpf ogt, %gather3A_712, %max3A_688 : vector<16xf32>
    %max3A_714 = arith.maximumf %gather3A_712, %max3A_688 : vector<16xf32>
    %min3A_715 = arith.minimumf %gather3A_712, %max3A_688 : vector<16xf32>
    %select_n3A_716 = arith.select %gt3A_713, %add3A_711, %select_n3A_690 : vector<16xi1>, vector<16xi32>
    %select_n3A_717 = arith.select %gt3A_713, %select_n3A_690, %add3A_711 : vector<16xi1>, vector<16xi32>
    %gt3A_718 = arith.cmpf ogt, %min3A_715, %max3A_693 : vector<16xf32>
    %max3A_719 = arith.maximumf %min3A_715, %max3A_693 : vector<16xf32>
    %min3A_720 = arith.minimumf %min3A_715, %max3A_693 : vector<16xf32>
    %select_n3A_721 = arith.select %gt3A_718, %select_n3A_717, %select_n3A_695 : vector<16xi1>, vector<16xi32>
    %select_n3A_722 = arith.select %gt3A_718, %select_n3A_695, %select_n3A_717 : vector<16xi1>, vector<16xi32>
    %gt3A_723 = arith.cmpf ogt, %min3A_720, %max3A_698 : vector<16xf32>
    %max3A_724 = arith.maximumf %min3A_720, %max3A_698 : vector<16xf32>
    %select_n3A_725 = arith.select %gt3A_723, %select_n3A_722, %select_n3A_699 : vector<16xi1>, vector<16xi32>
    %add3A_726 = arith.constant 256 : i32
    %add3A_727 = vector.broadcast %add3A_726 : i32 to vector<16xi32>
    %add3A_728 = arith.addi %add3A_708, %add3A_727 : vector<16xi32>
    %gather3A_729 = tpu.vector_load_idx %arg5[%add3A_728] : memref<32768xf32, #tpu.memory_space<vmem>>[vector<16xi32>], vector<16xf32>,
    %gt3A_730 = arith.cmpf ogt, %gather3A_729, %max3A_714 : vector<16xf32>
    %max3A_731 = arith.maximumf %gather3A_729, %max3A_714 : vector<16xf32>
    %min3A_732 = arith.minimumf %gather3A_729, %max3A_714 : vector<16xf32>
    %select_n3A_733 = arith.select %gt3A_730, %add3A_728, %select_n3A_716 : vector<16xi1>, vector<16xi32>
    %select_n3A_734 = arith.select %gt3A_730, %select_n3A_716, %add3A_728 : vector<16xi1>, vector<16xi32>
    %gt3A_735 = arith.cmpf ogt, %min3A_732, %max3A_719 : vector<16xf32>
    %max3A_736 = arith.maximumf %min3A_732, %max3A_719 : vector<16xf32>
    %min3A_737 = arith.minimumf %min3A_732, %max3A_719 : vector<16xf32>
    %select_n3A_738 = arith.select %gt3A_735, %select_n3A_734, %select_n3A_721 : vector<16xi1>, vector<16xi32>
    %select_n3A_739 = arith.select %gt3A_735, %select_n3A_721, %select_n3A_734 : vector<16xi1>, vector<16xi32>
    %gt3A_740 = arith.cmpf ogt, %min3A_737, %max3A_724 : vector<16xf32>
    %max3A_741 = arith.maximumf %min3A_737, %max3A_724 : vector<16xf32>
    %select_n3A_742 = arith.select %gt3A_740, %select_n3A_739, %select_n3A_725 : vector<16xi1>, vector<16xi32>
    %broadcast_in_dim3A_743 = arith.constant 0 : i32
    %broadcast_in_dim3A_744 = vector.broadcast %broadcast_in_dim3A_743 : i32 to vector<16xi32>
    %masked_sort3A_745 = arith.constant dense<true> : vector<16xi1>
    %masked_sort3A_746, %masked_sort3A_747, %masked_sort3A_748 = tpu.sort %max3A_731, %select_n3A_733 masked %masked_sort3A_745 {descending = true} : (vector<16xf32>, vector<16xi32>, vector<16xi1>) -> (vector<16xi1>, vector<16xf32>, vector<16xi32>)
    %slice3A_749 = vector.extract_strided_slice %masked_sort3A_747 {offsets = [0], sizes = [1], strides = [1]} : vector<16xf32> to vector<1xf32>
    %squeeze3A_750 = vector.extract %slice3A_749[0] : f32 from vector<1xf32>
    %eq3A_751 = vector.broadcast %squeeze3A_750 : f32 to vector<16xf32>
    %eq3A_752 = arith.cmpf oeq, %max3A_731, %eq3A_751 : vector<16xf32>
    %jit3A_753 = arith.constant 2147483647 : i32
    %broadcast_in_dim3A_754 = vector.broadcast %jit3A_753 : i32 to vector<16xi32>
    %select_n3A_755 = arith.select %eq3A_752, %select_n3A_733, %broadcast_in_dim3A_754 : vector<16xi1>, vector<16xi32>
    %masked_sort3A_756 = arith.constant dense<true> : vector<16xi1>
    %masked_sort3A_757 = arith.constant -2147483648 : i32
    %masked_sort3A_758 = vector.broadcast %masked_sort3A_757 : i32 to vector<16xi32>
    %masked_sort3A_759 = arith.xori %select_n3A_755, %masked_sort3A_758 : vector<16xi32>
    %masked_sort3A_760, %masked_sort3A_761, %masked_sort3A_762 = tpu.sort %masked_sort3A_759, %select_n3A_755 masked %masked_sort3A_756 : (vector<16xi32>, vector<16xi32>, vector<16xi1>) -> (vector<16xi1>, vector<16xi32>, vector<16xi32>)
    %masked_sort3A_763 = arith.xori %masked_sort3A_761, %masked_sort3A_758 : vector<16xi32>
    %slice3A_764 = vector.extract_strided_slice %masked_sort3A_763 {offsets = [0], sizes = [1], strides = [1]} : vector<16xi32> to vector<1xi32>
    %squeeze3A_765 = vector.extract %slice3A_764[0] : i32 from vector<1xi32>
    %eq3A_766 = arith.constant 0 : i32
    %eq3A_767 = vector.broadcast %eq3A_766 : i32 to vector<16xi32>
    %eq3A_768 = arith.cmpi eq, %iota3A, %eq3A_767 : vector<16xi32>
    %broadcast_in_dim3A_769 = vector.broadcast %squeeze3A_765 : i32 to vector<16xi32>
    %select_n3A_770 = arith.select %eq3A_768, %broadcast_in_dim3A_769, %broadcast_in_dim3A_744 : vector<16xi1>, vector<16xi32>
    %eq3A_771 = vector.broadcast %squeeze3A_765 : i32 to vector<16xi32>
    %eq3A_772 = arith.cmpi eq, %select_n3A_733, %eq3A_771 : vector<16xi32>
    %eq3A_773 = vector.broadcast %squeeze3A_750 : f32 to vector<16xf32>
    %eq3A_774 = arith.cmpf oeq, %max3A_731, %eq3A_773 : vector<16xf32>
    %and3A_775 = arith.andi %eq3A_772, %eq3A_774 : vector<16xi1>
    %select_n3A_776 = arith.select %and3A_775, %max3A_736, %max3A_731 : vector<16xi1>, vector<16xf32>
    %select_n3A_777 = arith.select %and3A_775, %select_n3A_738, %select_n3A_733 : vector<16xi1>, vector<16xi32>
    %select_n3A_778 = arith.select %and3A_775, %max3A_741, %max3A_736 : vector<16xi1>, vector<16xf32>
    %select_n3A_779 = arith.select %and3A_775, %select_n3A_742, %select_n3A_738 : vector<16xi1>, vector<16xi32>
    %jit3A_780 = arith.constant 0xFF800000 : f32
    %broadcast_in_dim3A_781 = vector.broadcast %jit3A_780 : f32 to vector<16xf32>
    %select_n3A_782 = arith.select %and3A_775, %broadcast_in_dim3A_781, %max3A_741 : vector<16xi1>, vector<16xf32>
    %masked_sort3A_783 = arith.constant dense<true> : vector<16xi1>
    %masked_sort3A_784, %masked_sort3A_785, %masked_sort3A_786 = tpu.sort %select_n3A_776, %select_n3A_777 masked %masked_sort3A_783 {descending = true} : (vector<16xf32>, vector<16xi32>, vector<16xi1>) -> (vector<16xi1>, vector<16xf32>, vector<16xi32>)
    %slice3A_787 = vector.extract_strided_slice %masked_sort3A_785 {offsets = [0], sizes = [1], strides = [1]} : vector<16xf32> to vector<1xf32>
    %squeeze3A_788 = vector.extract %slice3A_787[0] : f32 from vector<1xf32>
    %eq3A_789 = vector.broadcast %squeeze3A_788 : f32 to vector<16xf32>
    %eq3A_790 = arith.cmpf oeq, %select_n3A_776, %eq3A_789 : vector<16xf32>
    %jit3A_791 = arith.constant 2147483647 : i32
    %broadcast_in_dim3A_792 = vector.broadcast %jit3A_791 : i32 to vector<16xi32>
    %select_n3A_793 = arith.select %eq3A_790, %select_n3A_777, %broadcast_in_dim3A_792 : vector<16xi1>, vector<16xi32>
    %masked_sort3A_794 = arith.constant dense<true> : vector<16xi1>
    %masked_sort3A_795 = arith.constant -2147483648 : i32
    %masked_sort3A_796 = vector.broadcast %masked_sort3A_795 : i32 to vector<16xi32>
    %masked_sort3A_797 = arith.xori %select_n3A_793, %masked_sort3A_796 : vector<16xi32>
    %masked_sort3A_798, %masked_sort3A_799, %masked_sort3A_800 = tpu.sort %masked_sort3A_797, %select_n3A_793 masked %masked_sort3A_794 : (vector<16xi32>, vector<16xi32>, vector<16xi1>) -> (vector<16xi1>, vector<16xi32>, vector<16xi32>)
    %masked_sort3A_801 = arith.xori %masked_sort3A_799, %masked_sort3A_796 : vector<16xi32>
    %slice3A_802 = vector.extract_strided_slice %masked_sort3A_801 {offsets = [0], sizes = [1], strides = [1]} : vector<16xi32> to vector<1xi32>
    %squeeze3A_803 = vector.extract %slice3A_802[0] : i32 from vector<1xi32>
    %eq3A_804 = arith.constant 1 : i32
    %eq3A_805 = vector.broadcast %eq3A_804 : i32 to vector<16xi32>
    %eq3A_806 = arith.cmpi eq, %iota3A, %eq3A_805 : vector<16xi32>
    %broadcast_in_dim3A_807 = vector.broadcast %squeeze3A_803 : i32 to vector<16xi32>
    %select_n3A_808 = arith.select %eq3A_806, %broadcast_in_dim3A_807, %select_n3A_770 : vector<16xi1>, vector<16xi32>
    %eq3A_809 = vector.broadcast %squeeze3A_803 : i32 to vector<16xi32>
    %eq3A_810 = arith.cmpi eq, %select_n3A_777, %eq3A_809 : vector<16xi32>
    %eq3A_811 = vector.broadcast %squeeze3A_788 : f32 to vector<16xf32>
    %eq3A_812 = arith.cmpf oeq, %select_n3A_776, %eq3A_811 : vector<16xf32>
    %and3A_813 = arith.andi %eq3A_810, %eq3A_812 : vector<16xi1>
    %select_n3A_814 = arith.select %and3A_813, %select_n3A_778, %select_n3A_776 : vector<16xi1>, vector<16xf32>
    %select_n3A_815 = arith.select %and3A_813, %select_n3A_779, %select_n3A_777 : vector<16xi1>, vector<16xi32>
    %select_n3A_816 = arith.select %and3A_813, %select_n3A_782, %select_n3A_778 : vector<16xi1>, vector<16xf32>
    %select_n3A_817 = arith.select %and3A_813, %select_n3A_742, %select_n3A_779 : vector<16xi1>, vector<16xi32>
    %jit3A_818 = arith.constant 0xFF800000 : f32
    %broadcast_in_dim3A_819 = vector.broadcast %jit3A_818 : f32 to vector<16xf32>
    %select_n3A_820 = arith.select %and3A_813, %broadcast_in_dim3A_819, %select_n3A_782 : vector<16xi1>, vector<16xf32>
    %masked_sort3A_821 = arith.constant dense<true> : vector<16xi1>
    %masked_sort3A_822, %masked_sort3A_823, %masked_sort3A_824 = tpu.sort %select_n3A_814, %select_n3A_815 masked %masked_sort3A_821 {descending = true} : (vector<16xf32>, vector<16xi32>, vector<16xi1>) -> (vector<16xi1>, vector<16xf32>, vector<16xi32>)
    %slice3A_825 = vector.extract_strided_slice %masked_sort3A_823 {offsets = [0], sizes = [1], strides = [1]} : vector<16xf32> to vector<1xf32>
    %squeeze3A_826 = vector.extract %slice3A_825[0] : f32 from vector<1xf32>
    %eq3A_827 = vector.broadcast %squeeze3A_826 : f32 to vector<16xf32>
    %eq3A_828 = arith.cmpf oeq, %select_n3A_814, %eq3A_827 : vector<16xf32>
    %jit3A_829 = arith.constant 2147483647 : i32
    %broadcast_in_dim3A_830 = vector.broadcast %jit3A_829 : i32 to vector<16xi32>
    %select_n3A_831 = arith.select %eq3A_828, %select_n3A_815, %broadcast_in_dim3A_830 : vector<16xi1>, vector<16xi32>
    %masked_sort3A_832 = arith.constant dense<true> : vector<16xi1>
    %masked_sort3A_833 = arith.constant -2147483648 : i32
    %masked_sort3A_834 = vector.broadcast %masked_sort3A_833 : i32 to vector<16xi32>
    %masked_sort3A_835 = arith.xori %select_n3A_831, %masked_sort3A_834 : vector<16xi32>
    %masked_sort3A_836, %masked_sort3A_837, %masked_sort3A_838 = tpu.sort %masked_sort3A_835, %select_n3A_831 masked %masked_sort3A_832 : (vector<16xi32>, vector<16xi32>, vector<16xi1>) -> (vector<16xi1>, vector<16xi32>, vector<16xi32>)
    %masked_sort3A_839 = arith.xori %masked_sort3A_837, %masked_sort3A_834 : vector<16xi32>
    %slice3A_840 = vector.extract_strided_slice %masked_sort3A_839 {offsets = [0], sizes = [1], strides = [1]} : vector<16xi32> to vector<1xi32>
    %squeeze3A_841 = vector.extract %slice3A_840[0] : i32 from vector<1xi32>
    %eq3A_842 = arith.constant 2 : i32
    %eq3A_843 = vector.broadcast %eq3A_842 : i32 to vector<16xi32>
    %eq3A_844 = arith.cmpi eq, %iota3A, %eq3A_843 : vector<16xi32>
    %broadcast_in_dim3A_845 = vector.broadcast %squeeze3A_841 : i32 to vector<16xi32>
    %select_n3A_846 = arith.select %eq3A_844, %broadcast_in_dim3A_845, %select_n3A_808 : vector<16xi1>, vector<16xi32>
    %eq3A_847 = vector.broadcast %squeeze3A_841 : i32 to vector<16xi32>
    %eq3A_848 = arith.cmpi eq, %select_n3A_815, %eq3A_847 : vector<16xi32>
    %eq3A_849 = vector.broadcast %squeeze3A_826 : f32 to vector<16xf32>
    %eq3A_850 = arith.cmpf oeq, %select_n3A_814, %eq3A_849 : vector<16xf32>
    %and3A_851 = arith.andi %eq3A_848, %eq3A_850 : vector<16xi1>
    %select_n3A_852 = arith.select %and3A_851, %select_n3A_816, %select_n3A_814 : vector<16xi1>, vector<16xf32>
    %select_n3A_853 = arith.select %and3A_851, %select_n3A_817, %select_n3A_815 : vector<16xi1>, vector<16xi32>
    %select_n3A_854 = arith.select %and3A_851, %select_n3A_820, %select_n3A_816 : vector<16xi1>, vector<16xf32>
    %select_n3A_855 = arith.select %and3A_851, %select_n3A_742, %select_n3A_817 : vector<16xi1>, vector<16xi32>
    %jit3A_856 = arith.constant 0xFF800000 : f32
    %broadcast_in_dim3A_857 = vector.broadcast %jit3A_856 : f32 to vector<16xf32>
    %select_n3A_858 = arith.select %and3A_851, %broadcast_in_dim3A_857, %select_n3A_820 : vector<16xi1>, vector<16xf32>
    %swap3A_859 = arith.constant 16 : index
    %swap3A_860 = tpu.vector_load %arg6[%swap3A_859] {strides = array<i32>} : memref<64xi32, #tpu.memory_space<vmem>>, vector<16xi32>,
    tpu.vector_store %arg6[%swap3A_859], %select_n3A_846 {strides = array<i32>} : memref<64xi32, #tpu.memory_space<vmem>>, vector<16xi32>,
    %add3A_861 = arith.constant 2 : i32
    %add3A_862 = arith.addi %mul3A_5, %add3A_861 : i32
    %add3A_863 = arith.constant 1 : i32
    %add3A_864 = arith.addi %add3A_862, %add3A_863 : i32
    %dma_start3A_865 = arith.constant 0 : i32
    %dma_start3A_866 = tpu.memref_slice %arg2[%add3A_864, %dma_start3A_865] : memref<128x32768xf32, #tpu.memory_space<hbm>> -> memref<1x32768xf32, #tpu.memory_space<hbm>>
    %dma_start3A_867 = tpu.memref_squeeze %dma_start3A_866 : memref<1x32768xf32, #tpu.memory_space<hbm>> -> memref<32768xf32, #tpu.memory_space<hbm>>
    %dma_start3A_868 = arith.constant 0 : i32
    %dma_start3A_869 = tpu.memref_slice %arg2[%add3A_864, %dma_start3A_868] : memref<128x32768xf32, #tpu.memory_space<hbm>> -> memref<1x32768xf32, #tpu.memory_space<hbm>>
    %dma_start3A_870 = tpu.memref_squeeze %dma_start3A_869 : memref<1x32768xf32, #tpu.memory_space<hbm>> -> memref<32768xf32, #tpu.memory_space<hbm>>
    tpu.enqueue_dma source(%dma_start3A_870 : memref<32768xf32, #tpu.memory_space<hbm>>) target(%arg5 : memref<32768xf32, #tpu.memory_space<vmem>>) target_semaphore(%arg8 : memref<!tpu.dma_semaphore, #tpu.memory_space<semaphore_mem>>)
    %dma_wait3A_871 = arith.constant 0 : i32
    %dma_wait3A_872 = tpu.memref_slice %arg2[%add3A_448, %dma_wait3A_871] : memref<128x32768xf32, #tpu.memory_space<hbm>> -> memref<1x32768xf32, #tpu.memory_space<hbm>>
    %dma_wait3A_873 = tpu.memref_squeeze %dma_wait3A_872 : memref<1x32768xf32, #tpu.memory_space<hbm>> -> memref<32768xf32, #tpu.memory_space<hbm>>
    %dma_wait3A_874 = arith.constant 0 : i32
    %dma_wait3A_875 = tpu.memref_slice %arg2[%add3A_448, %dma_wait3A_874] : memref<128x32768xf32, #tpu.memory_space<hbm>> -> memref<1x32768xf32, #tpu.memory_space<hbm>>
    %dma_wait3A_876 = tpu.memref_squeeze %dma_wait3A_875 : memref<1x32768xf32, #tpu.memory_space<hbm>> -> memref<32768xf32, #tpu.memory_space<hbm>>
    tpu.wait_dma2 semaphore(%arg7 : memref<!tpu.dma_semaphore, #tpu.memory_space<semaphore_mem>>) src(%dma_wait3A_876 : memref<32768xf32, #tpu.memory_space<hbm>>) dst(%arg4 : memref<32768xf32, #tpu.memory_space<vmem>>)
    %broadcast_in_dim3A_877 = arith.constant 0xFF800000 : f32
    %broadcast_in_dim3A_878 = vector.broadcast %broadcast_in_dim3A_877 : f32 to vector<16xf32>
    %broadcast_in_dim3A_879 = arith.constant 0xFF800000 : f32
    %broadcast_in_dim3A_880 = vector.broadcast %broadcast_in_dim3A_879 : f32 to vector<16xf32>
    %broadcast_in_dim3A_881 = arith.constant 0xFF800000 : f32
    %broadcast_in_dim3A_882 = vector.broadcast %broadcast_in_dim3A_881 : f32 to vector<16xf32>
    %broadcast_in_dim3A_883 = arith.constant 0 : i32
    %broadcast_in_dim3A_884 = vector.broadcast %broadcast_in_dim3A_883 : i32 to vector<16xi32>
    %broadcast_in_dim3A_885 = arith.constant 0 : i32
    %broadcast_in_dim3A_886 = vector.broadcast %broadcast_in_dim3A_885 : i32 to vector<16xi32>
    %broadcast_in_dim3A_887 = arith.constant 0 : i32
    %broadcast_in_dim3A_888 = vector.broadcast %broadcast_in_dim3A_887 : i32 to vector<16xi32>
    %scan3A_889 = arith.constant 0 : i32
    %scan3A_890 = arith.constant 64 : i32
    %scan3A_891 = arith.addi %scan3A_889, %scan3A_890 : i32
    %scan3A_892 = arith.constant 1 : i32
    %scan3A_893:6 = scf.for %scan3A_1685 = %scan3A_889 to %scan3A_891 step %scan3A_892 iter_args(%scan3A_1686 = %broadcast_in_dim3A_878, %scan3A_1687 = %broadcast_in_dim3A_880, %scan3A_1688 = %broadcast_in_dim3A_882, %scan3A_1689 = %broadcast_in_dim3A_884, %scan3A_1690 = %broadcast_in_dim3A_886, %scan3A_1691 = %broadcast_in_dim3A_888) -> (vector<16xf32>, vector<16xf32>, vector<16xf32>, vector<16xi32>, vector<16xi32>, vector<16xi32>)  : i32 {
      %mul3A_1692 = arith.constant 1 : i32
      %mul3A_1693 = arith.muli %scan3A_1685, %mul3A_1692 : i32
      %add3A_1694 = arith.constant 0 : i32
      %add3A_1695 = arith.addi %add3A_1694, %mul3A_1693 : i32
      %mul3A_1696 = arith.constant 512 : i32
      %mul3A_1697 = arith.muli %add3A_1695, %mul3A_1696 : i32
      %add3A_1698 = arith.constant 0 : i32
      %add3A_1699 = arith.addi %mul3A_1697, %add3A_1698 : i32
      %get3A = arith.index_cast %add3A_1699 : i32 to index
      %get3A_1700 = tpu.vector_load %arg4[%get3A] {strides = array<i32>} : memref<32768xf32, #tpu.memory_space<vmem>>, vector<16xf32>,
      %add3A_1701 = arith.constant 16 : i32
      %add3A_1702 = arith.addi %mul3A_1697, %add3A_1701 : i32
      %get3A_1703 = arith.index_cast %add3A_1702 : i32 to index
      %get3A_1704 = tpu.vector_load %arg4[%get3A_1703] {strides = array<i32>} : memref<32768xf32, #tpu.memory_space<vmem>>, vector<16xf32>,
      %add3A_1705 = arith.constant 32 : i32
      %add3A_1706 = arith.addi %mul3A_1697, %add3A_1705 : i32
      %get3A_1707 = arith.index_cast %add3A_1706 : i32 to index
      %get3A_1708 = tpu.vector_load %arg4[%get3A_1707] {strides = array<i32>} : memref<32768xf32, #tpu.memory_space<vmem>>, vector<16xf32>,
      %add3A_1709 = arith.constant 48 : i32
      %add3A_1710 = arith.addi %mul3A_1697, %add3A_1709 : i32
      %get3A_1711 = arith.index_cast %add3A_1710 : i32 to index
      %get3A_1712 = tpu.vector_load %arg4[%get3A_1711] {strides = array<i32>} : memref<32768xf32, #tpu.memory_space<vmem>>, vector<16xf32>,
      %add3A_1713 = arith.constant 64 : i32
      %add3A_1714 = arith.addi %mul3A_1697, %add3A_1713 : i32
      %get3A_1715 = arith.index_cast %add3A_1714 : i32 to index
      %get3A_1716 = tpu.vector_load %arg4[%get3A_1715] {strides = array<i32>} : memref<32768xf32, #tpu.memory_space<vmem>>, vector<16xf32>,
      %add3A_1717 = arith.constant 80 : i32
      %add3A_1718 = arith.addi %mul3A_1697, %add3A_1717 : i32
      %get3A_1719 = arith.index_cast %add3A_1718 : i32 to index
      %get3A_1720 = tpu.vector_load %arg4[%get3A_1719] {strides = array<i32>} : memref<32768xf32, #tpu.memory_space<vmem>>, vector<16xf32>,
      %add3A_1721 = arith.constant 96 : i32
      %add3A_1722 = arith.addi %mul3A_1697, %add3A_1721 : i32
      %get3A_1723 = arith.index_cast %add3A_1722 : i32 to index
      %get3A_1724 = tpu.vector_load %arg4[%get3A_1723] {strides = array<i32>} : memref<32768xf32, #tpu.memory_space<vmem>>, vector<16xf32>,
      %add3A_1725 = arith.constant 112 : i32
      %add3A_1726 = arith.addi %mul3A_1697, %add3A_1725 : i32
      %get3A_1727 = arith.index_cast %add3A_1726 : i32 to index
      %get3A_1728 = tpu.vector_load %arg4[%get3A_1727] {strides = array<i32>} : memref<32768xf32, #tpu.memory_space<vmem>>, vector<16xf32>,
      %add3A_1729 = arith.constant 128 : i32
      %add3A_1730 = arith.addi %mul3A_1697, %add3A_1729 : i32
      %get3A_1731 = arith.index_cast %add3A_1730 : i32 to index
      %get3A_1732 = tpu.vector_load %arg4[%get3A_1731] {strides = array<i32>} : memref<32768xf32, #tpu.memory_space<vmem>>, vector<16xf32>,
      %add3A_1733 = arith.constant 144 : i32
      %add3A_1734 = arith.addi %mul3A_1697, %add3A_1733 : i32
      %get3A_1735 = arith.index_cast %add3A_1734 : i32 to index
      %get3A_1736 = tpu.vector_load %arg4[%get3A_1735] {strides = array<i32>} : memref<32768xf32, #tpu.memory_space<vmem>>, vector<16xf32>,
      %add3A_1737 = arith.constant 160 : i32
      %add3A_1738 = arith.addi %mul3A_1697, %add3A_1737 : i32
      %get3A_1739 = arith.index_cast %add3A_1738 : i32 to index
      %get3A_1740 = tpu.vector_load %arg4[%get3A_1739] {strides = array<i32>} : memref<32768xf32, #tpu.memory_space<vmem>>, vector<16xf32>,
      %add3A_1741 = arith.constant 176 : i32
      %add3A_1742 = arith.addi %mul3A_1697, %add3A_1741 : i32
      %get3A_1743 = arith.index_cast %add3A_1742 : i32 to index
      %get3A_1744 = tpu.vector_load %arg4[%get3A_1743] {strides = array<i32>} : memref<32768xf32, #tpu.memory_space<vmem>>, vector<16xf32>,
      %add3A_1745 = arith.constant 192 : i32
      %add3A_1746 = arith.addi %mul3A_1697, %add3A_1745 : i32
      %get3A_1747 = arith.index_cast %add3A_1746 : i32 to index
      %get3A_1748 = tpu.vector_load %arg4[%get3A_1747] {strides = array<i32>} : memref<32768xf32, #tpu.memory_space<vmem>>, vector<16xf32>,
      %add3A_1749 = arith.constant 208 : i32
      %add3A_1750 = arith.addi %mul3A_1697, %add3A_1749 : i32
      %get3A_1751 = arith.index_cast %add3A_1750 : i32 to index
      %get3A_1752 = tpu.vector_load %arg4[%get3A_1751] {strides = array<i32>} : memref<32768xf32, #tpu.memory_space<vmem>>, vector<16xf32>,
      %add3A_1753 = arith.constant 224 : i32
      %add3A_1754 = arith.addi %mul3A_1697, %add3A_1753 : i32
      %get3A_1755 = arith.index_cast %add3A_1754 : i32 to index
      %get3A_1756 = tpu.vector_load %arg4[%get3A_1755] {strides = array<i32>} : memref<32768xf32, #tpu.memory_space<vmem>>, vector<16xf32>,
      %add3A_1757 = arith.constant 240 : i32
      %add3A_1758 = arith.addi %mul3A_1697, %add3A_1757 : i32
      %get3A_1759 = arith.index_cast %add3A_1758 : i32 to index
      %get3A_1760 = tpu.vector_load %arg4[%get3A_1759] {strides = array<i32>} : memref<32768xf32, #tpu.memory_space<vmem>>, vector<16xf32>,
      %add3A_1761 = arith.constant 256 : i32
      %add3A_1762 = arith.addi %mul3A_1697, %add3A_1761 : i32
      %get3A_1763 = arith.index_cast %add3A_1762 : i32 to index
      %get3A_1764 = tpu.vector_load %arg4[%get3A_1763] {strides = array<i32>} : memref<32768xf32, #tpu.memory_space<vmem>>, vector<16xf32>,
      %add3A_1765 = arith.constant 272 : i32
      %add3A_1766 = arith.addi %mul3A_1697, %add3A_1765 : i32
      %get3A_1767 = arith.index_cast %add3A_1766 : i32 to index
      %get3A_1768 = tpu.vector_load %arg4[%get3A_1767] {strides = array<i32>} : memref<32768xf32, #tpu.memory_space<vmem>>, vector<16xf32>,
      %add3A_1769 = arith.constant 288 : i32
      %add3A_1770 = arith.addi %mul3A_1697, %add3A_1769 : i32
      %get3A_1771 = arith.index_cast %add3A_1770 : i32 to index
      %get3A_1772 = tpu.vector_load %arg4[%get3A_1771] {strides = array<i32>} : memref<32768xf32, #tpu.memory_space<vmem>>, vector<16xf32>,
      %add3A_1773 = arith.constant 304 : i32
      %add3A_1774 = arith.addi %mul3A_1697, %add3A_1773 : i32
      %get3A_1775 = arith.index_cast %add3A_1774 : i32 to index
      %get3A_1776 = tpu.vector_load %arg4[%get3A_1775] {strides = array<i32>} : memref<32768xf32, #tpu.memory_space<vmem>>, vector<16xf32>,
      %add3A_1777 = arith.constant 320 : i32
      %add3A_1778 = arith.addi %mul3A_1697, %add3A_1777 : i32
      %get3A_1779 = arith.index_cast %add3A_1778 : i32 to index
      %get3A_1780 = tpu.vector_load %arg4[%get3A_1779] {strides = array<i32>} : memref<32768xf32, #tpu.memory_space<vmem>>, vector<16xf32>,
      %add3A_1781 = arith.constant 336 : i32
      %add3A_1782 = arith.addi %mul3A_1697, %add3A_1781 : i32
      %get3A_1783 = arith.index_cast %add3A_1782 : i32 to index
      %get3A_1784 = tpu.vector_load %arg4[%get3A_1783] {strides = array<i32>} : memref<32768xf32, #tpu.memory_space<vmem>>, vector<16xf32>,
      %add3A_1785 = arith.constant 352 : i32
      %add3A_1786 = arith.addi %mul3A_1697, %add3A_1785 : i32
      %get3A_1787 = arith.index_cast %add3A_1786 : i32 to index
      %get3A_1788 = tpu.vector_load %arg4[%get3A_1787] {strides = array<i32>} : memref<32768xf32, #tpu.memory_space<vmem>>, vector<16xf32>,
      %add3A_1789 = arith.constant 368 : i32
      %add3A_1790 = arith.addi %mul3A_1697, %add3A_1789 : i32
      %get3A_1791 = arith.index_cast %add3A_1790 : i32 to index
      %get3A_1792 = tpu.vector_load %arg4[%get3A_1791] {strides = array<i32>} : memref<32768xf32, #tpu.memory_space<vmem>>, vector<16xf32>,
      %add3A_1793 = arith.constant 384 : i32
      %add3A_1794 = arith.addi %mul3A_1697, %add3A_1793 : i32
      %get3A_1795 = arith.index_cast %add3A_1794 : i32 to index
      %get3A_1796 = tpu.vector_load %arg4[%get3A_1795] {strides = array<i32>} : memref<32768xf32, #tpu.memory_space<vmem>>, vector<16xf32>,
      %add3A_1797 = arith.constant 400 : i32
      %add3A_1798 = arith.addi %mul3A_1697, %add3A_1797 : i32
      %get3A_1799 = arith.index_cast %add3A_1798 : i32 to index
      %get3A_1800 = tpu.vector_load %arg4[%get3A_1799] {strides = array<i32>} : memref<32768xf32, #tpu.memory_space<vmem>>, vector<16xf32>,
      %add3A_1801 = arith.constant 416 : i32
      %add3A_1802 = arith.addi %mul3A_1697, %add3A_1801 : i32
      %get3A_1803 = arith.index_cast %add3A_1802 : i32 to index
      %get3A_1804 = tpu.vector_load %arg4[%get3A_1803] {strides = array<i32>} : memref<32768xf32, #tpu.memory_space<vmem>>, vector<16xf32>,
      %add3A_1805 = arith.constant 432 : i32
      %add3A_1806 = arith.addi %mul3A_1697, %add3A_1805 : i32
      %get3A_1807 = arith.index_cast %add3A_1806 : i32 to index
      %get3A_1808 = tpu.vector_load %arg4[%get3A_1807] {strides = array<i32>} : memref<32768xf32, #tpu.memory_space<vmem>>, vector<16xf32>,
      %add3A_1809 = arith.constant 448 : i32
      %add3A_1810 = arith.addi %mul3A_1697, %add3A_1809 : i32
      %get3A_1811 = arith.index_cast %add3A_1810 : i32 to index
      %get3A_1812 = tpu.vector_load %arg4[%get3A_1811] {strides = array<i32>} : memref<32768xf32, #tpu.memory_space<vmem>>, vector<16xf32>,
      %add3A_1813 = arith.constant 464 : i32
      %add3A_1814 = arith.addi %mul3A_1697, %add3A_1813 : i32
      %get3A_1815 = arith.index_cast %add3A_1814 : i32 to index
      %get3A_1816 = tpu.vector_load %arg4[%get3A_1815] {strides = array<i32>} : memref<32768xf32, #tpu.memory_space<vmem>>, vector<16xf32>,
      %add3A_1817 = arith.constant 480 : i32
      %add3A_1818 = arith.addi %mul3A_1697, %add3A_1817 : i32
      %get3A_1819 = arith.index_cast %add3A_1818 : i32 to index
      %get3A_1820 = tpu.vector_load %arg4[%get3A_1819] {strides = array<i32>} : memref<32768xf32, #tpu.memory_space<vmem>>, vector<16xf32>,
      %add3A_1821 = arith.constant 496 : i32
      %add3A_1822 = arith.addi %mul3A_1697, %add3A_1821 : i32
      %get3A_1823 = arith.index_cast %add3A_1822 : i32 to index
      %get3A_1824 = tpu.vector_load %arg4[%get3A_1823] {strides = array<i32>} : memref<32768xf32, #tpu.memory_space<vmem>>, vector<16xf32>,
      %max3A_1825 = arith.maximumf %get3A_1700, %get3A_1704 : vector<16xf32>
      %max3A_1826 = arith.maximumf %get3A_1708, %get3A_1712 : vector<16xf32>
      %max3A_1827 = arith.maximumf %get3A_1716, %get3A_1720 : vector<16xf32>
      %max3A_1828 = arith.maximumf %get3A_1724, %get3A_1728 : vector<16xf32>
      %max3A_1829 = arith.maximumf %get3A_1732, %get3A_1736 : vector<16xf32>
      %max3A_1830 = arith.maximumf %get3A_1740, %get3A_1744 : vector<16xf32>
      %max3A_1831 = arith.maximumf %get3A_1748, %get3A_1752 : vector<16xf32>
      %max3A_1832 = arith.maximumf %get3A_1756, %get3A_1760 : vector<16xf32>
      %max3A_1833 = arith.maximumf %get3A_1764, %get3A_1768 : vector<16xf32>
      %max3A_1834 = arith.maximumf %get3A_1772, %get3A_1776 : vector<16xf32>
      %max3A_1835 = arith.maximumf %get3A_1780, %get3A_1784 : vector<16xf32>
      %max3A_1836 = arith.maximumf %get3A_1788, %get3A_1792 : vector<16xf32>
      %max3A_1837 = arith.maximumf %get3A_1796, %get3A_1800 : vector<16xf32>
      %max3A_1838 = arith.maximumf %get3A_1804, %get3A_1808 : vector<16xf32>
      %max3A_1839 = arith.maximumf %get3A_1812, %get3A_1816 : vector<16xf32>
      %max3A_1840 = arith.maximumf %get3A_1820, %get3A_1824 : vector<16xf32>
      %max3A_1841 = arith.maximumf %max3A_1825, %max3A_1826 : vector<16xf32>
      %max3A_1842 = arith.maximumf %max3A_1827, %max3A_1828 : vector<16xf32>
      %max3A_1843 = arith.maximumf %max3A_1829, %max3A_1830 : vector<16xf32>
      %max3A_1844 = arith.maximumf %max3A_1831, %max3A_1832 : vector<16xf32>
      %max3A_1845 = arith.maximumf %max3A_1833, %max3A_1834 : vector<16xf32>
      %max3A_1846 = arith.maximumf %max3A_1835, %max3A_1836 : vector<16xf32>
      %max3A_1847 = arith.maximumf %max3A_1837, %max3A_1838 : vector<16xf32>
      %max3A_1848 = arith.maximumf %max3A_1839, %max3A_1840 : vector<16xf32>
      %max3A_1849 = arith.maximumf %max3A_1841, %max3A_1842 : vector<16xf32>
      %max3A_1850 = arith.maximumf %max3A_1843, %max3A_1844 : vector<16xf32>
      %max3A_1851 = arith.maximumf %max3A_1845, %max3A_1846 : vector<16xf32>
      %max3A_1852 = arith.maximumf %max3A_1847, %max3A_1848 : vector<16xf32>
      %max3A_1853 = arith.maximumf %max3A_1849, %max3A_1850 : vector<16xf32>
      %max3A_1854 = arith.maximumf %max3A_1851, %max3A_1852 : vector<16xf32>
      %max3A_1855 = arith.maximumf %max3A_1853, %max3A_1854 : vector<16xf32>
      %mul3A_1856 = arith.constant 16 : i32
      %mul3A_1857 = arith.muli %add3A_1695, %mul3A_1856 : i32
      %add3A_1858 = vector.broadcast %mul3A_1857 : i32 to vector<16xi32>
      %add3A_1859 = arith.addi %iota3A, %add3A_1858 : vector<16xi32>
      %gt3A_1860 = arith.cmpf ogt, %max3A_1855, %scan3A_1686 : vector<16xf32>
      %max3A_1861 = arith.maximumf %max3A_1855, %scan3A_1686 : vector<16xf32>
      %min3A_1862 = arith.minimumf %max3A_1855, %scan3A_1686 : vector<16xf32>
      %select_n3A_1863 = arith.select %gt3A_1860, %add3A_1859, %scan3A_1689 : vector<16xi1>, vector<16xi32>
      %select_n3A_1864 = arith.select %gt3A_1860, %scan3A_1689, %add3A_1859 : vector<16xi1>, vector<16xi32>
      %gt3A_1865 = arith.cmpf ogt, %min3A_1862, %scan3A_1687 : vector<16xf32>
      %max3A_1866 = arith.maximumf %min3A_1862, %scan3A_1687 : vector<16xf32>
      %min3A_1867 = arith.minimumf %min3A_1862, %scan3A_1687 : vector<16xf32>
      %select_n3A_1868 = arith.select %gt3A_1865, %select_n3A_1864, %scan3A_1690 : vector<16xi1>, vector<16xi32>
      %select_n3A_1869 = arith.select %gt3A_1865, %scan3A_1690, %select_n3A_1864 : vector<16xi1>, vector<16xi32>
      %gt3A_1870 = arith.cmpf ogt, %min3A_1867, %scan3A_1688 : vector<16xf32>
      %max3A_1871 = arith.maximumf %min3A_1867, %scan3A_1688 : vector<16xf32>
      %select_n3A_1872 = arith.select %gt3A_1870, %select_n3A_1869, %scan3A_1691 : vector<16xi1>, vector<16xi32>
      scf.yield %max3A_1861, %max3A_1866, %max3A_1871, %select_n3A_1863, %select_n3A_1868, %select_n3A_1872 : vector<16xf32>, vector<16xf32>, vector<16xf32>, vector<16xi32>, vector<16xi32>, vector<16xi32>
    }
    %scan3A_894 = arith.constant 64 : i32
    %masked_sort3A_895 = arith.constant dense<true> : vector<16xi1>
    %masked_sort3A_896, %masked_sort3A_897, %masked_sort3A_898 = tpu.sort %scan3A_893#0, %scan3A_893#3 masked %masked_sort3A_895 {descending = true} : (vector<16xf32>, vector<16xi32>, vector<16xi1>) -> (vector<16xi1>, vector<16xf32>, vector<16xi32>)
    %slice3A_899 = vector.extract_strided_slice %masked_sort3A_897 {offsets = [0], sizes = [1], strides = [1]} : vector<16xf32> to vector<1xf32>
    %squeeze3A_900 = vector.extract %slice3A_899[0] : f32 from vector<1xf32>
    %slice3A_901 = vector.extract_strided_slice %masked_sort3A_898 {offsets = [0], sizes = [1], strides = [1]} : vector<16xi32> to vector<1xi32>
    %squeeze3A_902 = vector.extract %slice3A_901[0] : i32 from vector<1xi32>
    %eq3A_903 = vector.broadcast %squeeze3A_902 : i32 to vector<16xi32>
    %eq3A_904 = arith.cmpi eq, %scan3A_893#3, %eq3A_903 : vector<16xi32>
    %eq3A_905 = vector.broadcast %squeeze3A_900 : f32 to vector<16xf32>
    %eq3A_906 = arith.cmpf oeq, %scan3A_893#0, %eq3A_905 : vector<16xf32>
    %and3A_907 = arith.andi %eq3A_904, %eq3A_906 : vector<16xi1>
    %select_n3A_908 = arith.select %and3A_907, %scan3A_893#1, %scan3A_893#0 : vector<16xi1>, vector<16xf32>
    %select_n3A_909 = arith.select %and3A_907, %scan3A_893#4, %scan3A_893#3 : vector<16xi1>, vector<16xi32>
    %select_n3A_910 = arith.select %and3A_907, %scan3A_893#2, %scan3A_893#1 : vector<16xi1>, vector<16xf32>
    %select_n3A_911 = arith.select %and3A_907, %scan3A_893#5, %scan3A_893#4 : vector<16xi1>, vector<16xi32>
    %jit3A_912 = arith.constant 0xFF800000 : f32
    %broadcast_in_dim3A_913 = vector.broadcast %jit3A_912 : f32 to vector<16xf32>
    %select_n3A_914 = arith.select %and3A_907, %broadcast_in_dim3A_913, %scan3A_893#2 : vector<16xi1>, vector<16xf32>
    %masked_sort3A_915 = arith.constant dense<true> : vector<16xi1>
    %masked_sort3A_916, %masked_sort3A_917, %masked_sort3A_918 = tpu.sort %select_n3A_908, %select_n3A_909 masked %masked_sort3A_915 {descending = true} : (vector<16xf32>, vector<16xi32>, vector<16xi1>) -> (vector<16xi1>, vector<16xf32>, vector<16xi32>)
    %slice3A_919 = vector.extract_strided_slice %masked_sort3A_917 {offsets = [0], sizes = [1], strides = [1]} : vector<16xf32> to vector<1xf32>
    %squeeze3A_920 = vector.extract %slice3A_919[0] : f32 from vector<1xf32>
    %slice3A_921 = vector.extract_strided_slice %masked_sort3A_918 {offsets = [0], sizes = [1], strides = [1]} : vector<16xi32> to vector<1xi32>
    %squeeze3A_922 = vector.extract %slice3A_921[0] : i32 from vector<1xi32>
    %eq3A_923 = vector.broadcast %squeeze3A_922 : i32 to vector<16xi32>
    %eq3A_924 = arith.cmpi eq, %select_n3A_909, %eq3A_923 : vector<16xi32>
    %eq3A_925 = vector.broadcast %squeeze3A_920 : f32 to vector<16xf32>
    %eq3A_926 = arith.cmpf oeq, %select_n3A_908, %eq3A_925 : vector<16xf32>
    %and3A_927 = arith.andi %eq3A_924, %eq3A_926 : vector<16xi1>
    %select_n3A_928 = arith.select %and3A_927, %select_n3A_910, %select_n3A_908 : vector<16xi1>, vector<16xf32>
    %select_n3A_929 = arith.select %and3A_927, %select_n3A_911, %select_n3A_909 : vector<16xi1>, vector<16xi32>
    %select_n3A_930 = arith.select %and3A_927, %select_n3A_914, %select_n3A_910 : vector<16xi1>, vector<16xf32>
    %select_n3A_931 = arith.select %and3A_927, %scan3A_893#5, %select_n3A_911 : vector<16xi1>, vector<16xi32>
    %jit3A_932 = arith.constant 0xFF800000 : f32
    %broadcast_in_dim3A_933 = vector.broadcast %jit3A_932 : f32 to vector<16xf32>
    %select_n3A_934 = arith.select %and3A_927, %broadcast_in_dim3A_933, %select_n3A_914 : vector<16xi1>, vector<16xf32>
    %masked_sort3A_935 = arith.constant dense<true> : vector<16xi1>
    %masked_sort3A_936, %masked_sort3A_937, %masked_sort3A_938 = tpu.sort %select_n3A_928, %select_n3A_929 masked %masked_sort3A_935 {descending = true} : (vector<16xf32>, vector<16xi32>, vector<16xi1>) -> (vector<16xi1>, vector<16xf32>, vector<16xi32>)
    %slice3A_939 = vector.extract_strided_slice %masked_sort3A_937 {offsets = [0], sizes = [1], strides = [1]} : vector<16xf32> to vector<1xf32>
    %squeeze3A_940 = vector.extract %slice3A_939[0] : f32 from vector<1xf32>
    %slice3A_941 = vector.extract_strided_slice %masked_sort3A_938 {offsets = [0], sizes = [1], strides = [1]} : vector<16xi32> to vector<1xi32>
    %squeeze3A_942 = vector.extract %slice3A_941[0] : i32 from vector<1xi32>
    %eq3A_943 = vector.broadcast %squeeze3A_942 : i32 to vector<16xi32>
    %eq3A_944 = arith.cmpi eq, %select_n3A_929, %eq3A_943 : vector<16xi32>
    %eq3A_945 = vector.broadcast %squeeze3A_940 : f32 to vector<16xf32>
    %eq3A_946 = arith.cmpf oeq, %select_n3A_928, %eq3A_945 : vector<16xf32>
    %and3A_947 = arith.andi %eq3A_944, %eq3A_946 : vector<16xi1>
    %select_n3A_948 = arith.select %and3A_947, %select_n3A_930, %select_n3A_928 : vector<16xi1>, vector<16xf32>
    %select_n3A_949 = arith.select %and3A_947, %select_n3A_931, %select_n3A_929 : vector<16xi1>, vector<16xi32>
    %select_n3A_950 = arith.select %and3A_947, %select_n3A_934, %select_n3A_930 : vector<16xi1>, vector<16xf32>
    %select_n3A_951 = arith.select %and3A_947, %scan3A_893#5, %select_n3A_931 : vector<16xi1>, vector<16xi32>
    %jit3A_952 = arith.constant 0xFF800000 : f32
    %broadcast_in_dim3A_953 = vector.broadcast %jit3A_952 : f32 to vector<16xf32>
    %select_n3A_954 = arith.select %and3A_947, %broadcast_in_dim3A_953, %select_n3A_934 : vector<16xi1>, vector<16xf32>
    %masked_sort3A_955 = arith.constant dense<true> : vector<16xi1>
    %masked_sort3A_956, %masked_sort3A_957, %masked_sort3A_958 = tpu.sort %select_n3A_948, %select_n3A_949 masked %masked_sort3A_955 {descending = true} : (vector<16xf32>, vector<16xi32>, vector<16xi1>) -> (vector<16xi1>, vector<16xf32>, vector<16xi32>)
    %slice3A_959 = vector.extract_strided_slice %masked_sort3A_957 {offsets = [0], sizes = [1], strides = [1]} : vector<16xf32> to vector<1xf32>
    %squeeze3A_960 = vector.extract %slice3A_959[0] : f32 from vector<1xf32>
    %slice3A_961 = vector.extract_strided_slice %masked_sort3A_958 {offsets = [0], sizes = [1], strides = [1]} : vector<16xi32> to vector<1xi32>
    %squeeze3A_962 = vector.extract %slice3A_961[0] : i32 from vector<1xi32>
    %eq3A_963 = vector.broadcast %squeeze3A_962 : i32 to vector<16xi32>
    %eq3A_964 = arith.cmpi eq, %select_n3A_949, %eq3A_963 : vector<16xi32>
    %eq3A_965 = vector.broadcast %squeeze3A_960 : f32 to vector<16xf32>
    %eq3A_966 = arith.cmpf oeq, %select_n3A_948, %eq3A_965 : vector<16xf32>
    %and3A_967 = arith.andi %eq3A_964, %eq3A_966 : vector<16xi1>
    %select_n3A_968 = arith.select %and3A_967, %select_n3A_950, %select_n3A_948 : vector<16xi1>, vector<16xf32>
    %select_n3A_969 = arith.select %and3A_967, %select_n3A_951, %select_n3A_949 : vector<16xi1>, vector<16xi32>
    %select_n3A_970 = arith.select %and3A_967, %select_n3A_954, %select_n3A_950 : vector<16xi1>, vector<16xf32>
    %select_n3A_971 = arith.select %and3A_967, %scan3A_893#5, %select_n3A_951 : vector<16xi1>, vector<16xi32>
    %jit3A_972 = arith.constant 0xFF800000 : f32
    %broadcast_in_dim3A_973 = vector.broadcast %jit3A_972 : f32 to vector<16xf32>
    %select_n3A_974 = arith.select %and3A_967, %broadcast_in_dim3A_973, %select_n3A_954 : vector<16xi1>, vector<16xf32>
    %broadcast_in_dim3A_975 = arith.constant 0xFF800000 : f32
    %broadcast_in_dim3A_976 = vector.broadcast %broadcast_in_dim3A_975 : f32 to vector<16xf32>
    %broadcast_in_dim3A_977 = arith.constant 0xFF800000 : f32
    %broadcast_in_dim3A_978 = vector.broadcast %broadcast_in_dim3A_977 : f32 to vector<16xf32>
    %broadcast_in_dim3A_979 = arith.constant 0xFF800000 : f32
    %broadcast_in_dim3A_980 = vector.broadcast %broadcast_in_dim3A_979 : f32 to vector<16xf32>
    %broadcast_in_dim3A_981 = arith.constant 0 : i32
    %broadcast_in_dim3A_982 = vector.broadcast %broadcast_in_dim3A_981 : i32 to vector<16xi32>
    %broadcast_in_dim3A_983 = arith.constant 0 : i32
    %broadcast_in_dim3A_984 = vector.broadcast %broadcast_in_dim3A_983 : i32 to vector<16xi32>
    %broadcast_in_dim3A_985 = arith.constant 0 : i32
    %broadcast_in_dim3A_986 = vector.broadcast %broadcast_in_dim3A_985 : i32 to vector<16xi32>
    %and3A_987 = arith.constant 15 : i32
    %and3A_988 = arith.andi %squeeze3A_902, %and3A_987 : i32
    %shift_right_arithmetic3A_989 = arith.constant 4 : i32
    %shift_right_arithmetic3A_990 = arith.shrsi %squeeze3A_902, %shift_right_arithmetic3A_989 : i32
    %mul3A_991 = arith.constant 512 : i32
    %mul3A_992 = arith.muli %shift_right_arithmetic3A_990, %mul3A_991 : i32
    %add3A_993 = arith.addi %and3A_988, %mul3A_992 : i32
    %add3A_994 = vector.broadcast %add3A_993 : i32 to vector<16xi32>
    %add3A_995 = arith.addi %add3A_994, %mul3A_3 : vector<16xi32>
    %add3A_996 = arith.constant 0 : i32
    %add3A_997 = vector.broadcast %add3A_996 : i32 to vector<16xi32>
    %add3A_998 = arith.addi %add3A_995, %add3A_997 : vector<16xi32>
    %gather3A_999 = tpu.vector_load_idx %arg4[%add3A_998] : memref<32768xf32, #tpu.memory_space<vmem>>[vector<16xi32>], vector<16xf32>,
    %gt3A_1000 = arith.cmpf ogt, %gather3A_999, %broadcast_in_dim3A_976 : vector<16xf32>
    %max3A_1001 = arith.maximumf %gather3A_999, %broadcast_in_dim3A_976 : vector<16xf32>
    %min3A_1002 = arith.minimumf %gather3A_999, %broadcast_in_dim3A_976 : vector<16xf32>
    %select_n3A_1003 = arith.select %gt3A_1000, %add3A_998, %broadcast_in_dim3A_982 : vector<16xi1>, vector<16xi32>
    %select_n3A_1004 = arith.select %gt3A_1000, %broadcast_in_dim3A_982, %add3A_998 : vector<16xi1>, vector<16xi32>
    %gt3A_1005 = arith.cmpf ogt, %min3A_1002, %broadcast_in_dim3A_978 : vector<16xf32>
    %max3A_1006 = arith.maximumf %min3A_1002, %broadcast_in_dim3A_978 : vector<16xf32>
    %min3A_1007 = arith.minimumf %min3A_1002, %broadcast_in_dim3A_978 : vector<16xf32>
    %select_n3A_1008 = arith.select %gt3A_1005, %select_n3A_1004, %broadcast_in_dim3A_984 : vector<16xi1>, vector<16xi32>
    %select_n3A_1009 = arith.select %gt3A_1005, %broadcast_in_dim3A_984, %select_n3A_1004 : vector<16xi1>, vector<16xi32>
    %gt3A_1010 = arith.cmpf ogt, %min3A_1007, %broadcast_in_dim3A_980 : vector<16xf32>
    %max3A_1011 = arith.maximumf %min3A_1007, %broadcast_in_dim3A_980 : vector<16xf32>
    %select_n3A_1012 = arith.select %gt3A_1010, %select_n3A_1009, %broadcast_in_dim3A_986 : vector<16xi1>, vector<16xi32>
    %add3A_1013 = arith.constant 256 : i32
    %add3A_1014 = vector.broadcast %add3A_1013 : i32 to vector<16xi32>
    %add3A_1015 = arith.addi %add3A_995, %add3A_1014 : vector<16xi32>
    %gather3A_1016 = tpu.vector_load_idx %arg4[%add3A_1015] : memref<32768xf32, #tpu.memory_space<vmem>>[vector<16xi32>], vector<16xf32>,
    %gt3A_1017 = arith.cmpf ogt, %gather3A_1016, %max3A_1001 : vector<16xf32>
    %max3A_1018 = arith.maximumf %gather3A_1016, %max3A_1001 : vector<16xf32>
    %min3A_1019 = arith.minimumf %gather3A_1016, %max3A_1001 : vector<16xf32>
    %select_n3A_1020 = arith.select %gt3A_1017, %add3A_1015, %select_n3A_1003 : vector<16xi1>, vector<16xi32>
    %select_n3A_1021 = arith.select %gt3A_1017, %select_n3A_1003, %add3A_1015 : vector<16xi1>, vector<16xi32>
    %gt3A_1022 = arith.cmpf ogt, %min3A_1019, %max3A_1006 : vector<16xf32>
    %max3A_1023 = arith.maximumf %min3A_1019, %max3A_1006 : vector<16xf32>
    %min3A_1024 = arith.minimumf %min3A_1019, %max3A_1006 : vector<16xf32>
    %select_n3A_1025 = arith.select %gt3A_1022, %select_n3A_1021, %select_n3A_1008 : vector<16xi1>, vector<16xi32>
    %select_n3A_1026 = arith.select %gt3A_1022, %select_n3A_1008, %select_n3A_1021 : vector<16xi1>, vector<16xi32>
    %gt3A_1027 = arith.cmpf ogt, %min3A_1024, %max3A_1011 : vector<16xf32>
    %max3A_1028 = arith.maximumf %min3A_1024, %max3A_1011 : vector<16xf32>
    %select_n3A_1029 = arith.select %gt3A_1027, %select_n3A_1026, %select_n3A_1012 : vector<16xi1>, vector<16xi32>
    %and3A_1030 = arith.constant 15 : i32
    %and3A_1031 = arith.andi %squeeze3A_922, %and3A_1030 : i32
    %shift_right_arithmetic3A_1032 = arith.constant 4 : i32
    %shift_right_arithmetic3A_1033 = arith.shrsi %squeeze3A_922, %shift_right_arithmetic3A_1032 : i32
    %mul3A_1034 = arith.constant 512 : i32
    %mul3A_1035 = arith.muli %shift_right_arithmetic3A_1033, %mul3A_1034 : i32
    %add3A_1036 = arith.addi %and3A_1031, %mul3A_1035 : i32
    %add3A_1037 = vector.broadcast %add3A_1036 : i32 to vector<16xi32>
    %add3A_1038 = arith.addi %add3A_1037, %mul3A_3 : vector<16xi32>
    %add3A_1039 = arith.constant 0 : i32
    %add3A_1040 = vector.broadcast %add3A_1039 : i32 to vector<16xi32>
    %add3A_1041 = arith.addi %add3A_1038, %add3A_1040 : vector<16xi32>
    %gather3A_1042 = tpu.vector_load_idx %arg4[%add3A_1041] : memref<32768xf32, #tpu.memory_space<vmem>>[vector<16xi32>], vector<16xf32>,
    %gt3A_1043 = arith.cmpf ogt, %gather3A_1042, %max3A_1018 : vector<16xf32>
    %max3A_1044 = arith.maximumf %gather3A_1042, %max3A_1018 : vector<16xf32>
    %min3A_1045 = arith.minimumf %gather3A_1042, %max3A_1018 : vector<16xf32>
    %select_n3A_1046 = arith.select %gt3A_1043, %add3A_1041, %select_n3A_1020 : vector<16xi1>, vector<16xi32>
    %select_n3A_1047 = arith.select %gt3A_1043, %select_n3A_1020, %add3A_1041 : vector<16xi1>, vector<16xi32>
    %gt3A_1048 = arith.cmpf ogt, %min3A_1045, %max3A_1023 : vector<16xf32>
    %max3A_1049 = arith.maximumf %min3A_1045, %max3A_1023 : vector<16xf32>
    %min3A_1050 = arith.minimumf %min3A_1045, %max3A_1023 : vector<16xf32>
    %select_n3A_1051 = arith.select %gt3A_1048, %select_n3A_1047, %select_n3A_1025 : vector<16xi1>, vector<16xi32>
    %select_n3A_1052 = arith.select %gt3A_1048, %select_n3A_1025, %select_n3A_1047 : vector<16xi1>, vector<16xi32>
    %gt3A_1053 = arith.cmpf ogt, %min3A_1050, %max3A_1028 : vector<16xf32>
    %max3A_1054 = arith.maximumf %min3A_1050, %max3A_1028 : vector<16xf32>
    %select_n3A_1055 = arith.select %gt3A_1053, %select_n3A_1052, %select_n3A_1029 : vector<16xi1>, vector<16xi32>
    %add3A_1056 = arith.constant 256 : i32
    %add3A_1057 = vector.broadcast %add3A_1056 : i32 to vector<16xi32>
    %add3A_1058 = arith.addi %add3A_1038, %add3A_1057 : vector<16xi32>
    %gather3A_1059 = tpu.vector_load_idx %arg4[%add3A_1058] : memref<32768xf32, #tpu.memory_space<vmem>>[vector<16xi32>], vector<16xf32>,
    %gt3A_1060 = arith.cmpf ogt, %gather3A_1059, %max3A_1044 : vector<16xf32>
    %max3A_1061 = arith.maximumf %gather3A_1059, %max3A_1044 : vector<16xf32>
    %min3A_1062 = arith.minimumf %gather3A_1059, %max3A_1044 : vector<16xf32>
    %select_n3A_1063 = arith.select %gt3A_1060, %add3A_1058, %select_n3A_1046 : vector<16xi1>, vector<16xi32>
    %select_n3A_1064 = arith.select %gt3A_1060, %select_n3A_1046, %add3A_1058 : vector<16xi1>, vector<16xi32>
    %gt3A_1065 = arith.cmpf ogt, %min3A_1062, %max3A_1049 : vector<16xf32>
    %max3A_1066 = arith.maximumf %min3A_1062, %max3A_1049 : vector<16xf32>
    %min3A_1067 = arith.minimumf %min3A_1062, %max3A_1049 : vector<16xf32>
    %select_n3A_1068 = arith.select %gt3A_1065, %select_n3A_1064, %select_n3A_1051 : vector<16xi1>, vector<16xi32>
    %select_n3A_1069 = arith.select %gt3A_1065, %select_n3A_1051, %select_n3A_1064 : vector<16xi1>, vector<16xi32>
    %gt3A_1070 = arith.cmpf ogt, %min3A_1067, %max3A_1054 : vector<16xf32>
    %max3A_1071 = arith.maximumf %min3A_1067, %max3A_1054 : vector<16xf32>
    %select_n3A_1072 = arith.select %gt3A_1070, %select_n3A_1069, %select_n3A_1055 : vector<16xi1>, vector<16xi32>
    %and3A_1073 = arith.constant 15 : i32
    %and3A_1074 = arith.andi %squeeze3A_942, %and3A_1073 : i32
    %shift_right_arithmetic3A_1075 = arith.constant 4 : i32
    %shift_right_arithmetic3A_1076 = arith.shrsi %squeeze3A_942, %shift_right_arithmetic3A_1075 : i32
    %mul3A_1077 = arith.constant 512 : i32
    %mul3A_1078 = arith.muli %shift_right_arithmetic3A_1076, %mul3A_1077 : i32
    %add3A_1079 = arith.addi %and3A_1074, %mul3A_1078 : i32
    %add3A_1080 = vector.broadcast %add3A_1079 : i32 to vector<16xi32>
    %add3A_1081 = arith.addi %add3A_1080, %mul3A_3 : vector<16xi32>
    %add3A_1082 = arith.constant 0 : i32
    %add3A_1083 = vector.broadcast %add3A_1082 : i32 to vector<16xi32>
    %add3A_1084 = arith.addi %add3A_1081, %add3A_1083 : vector<16xi32>
    %gather3A_1085 = tpu.vector_load_idx %arg4[%add3A_1084] : memref<32768xf32, #tpu.memory_space<vmem>>[vector<16xi32>], vector<16xf32>,
    %gt3A_1086 = arith.cmpf ogt, %gather3A_1085, %max3A_1061 : vector<16xf32>
    %max3A_1087 = arith.maximumf %gather3A_1085, %max3A_1061 : vector<16xf32>
    %min3A_1088 = arith.minimumf %gather3A_1085, %max3A_1061 : vector<16xf32>
    %select_n3A_1089 = arith.select %gt3A_1086, %add3A_1084, %select_n3A_1063 : vector<16xi1>, vector<16xi32>
    %select_n3A_1090 = arith.select %gt3A_1086, %select_n3A_1063, %add3A_1084 : vector<16xi1>, vector<16xi32>
    %gt3A_1091 = arith.cmpf ogt, %min3A_1088, %max3A_1066 : vector<16xf32>
    %max3A_1092 = arith.maximumf %min3A_1088, %max3A_1066 : vector<16xf32>
    %min3A_1093 = arith.minimumf %min3A_1088, %max3A_1066 : vector<16xf32>
    %select_n3A_1094 = arith.select %gt3A_1091, %select_n3A_1090, %select_n3A_1068 : vector<16xi1>, vector<16xi32>
    %select_n3A_1095 = arith.select %gt3A_1091, %select_n3A_1068, %select_n3A_1090 : vector<16xi1>, vector<16xi32>
    %gt3A_1096 = arith.cmpf ogt, %min3A_1093, %max3A_1071 : vector<16xf32>
    %max3A_1097 = arith.maximumf %min3A_1093, %max3A_1071 : vector<16xf32>
    %select_n3A_1098 = arith.select %gt3A_1096, %select_n3A_1095, %select_n3A_1072 : vector<16xi1>, vector<16xi32>
    %add3A_1099 = arith.constant 256 : i32
    %add3A_1100 = vector.broadcast %add3A_1099 : i32 to vector<16xi32>
    %add3A_1101 = arith.addi %add3A_1081, %add3A_1100 : vector<16xi32>
    %gather3A_1102 = tpu.vector_load_idx %arg4[%add3A_1101] : memref<32768xf32, #tpu.memory_space<vmem>>[vector<16xi32>], vector<16xf32>,
    %gt3A_1103 = arith.cmpf ogt, %gather3A_1102, %max3A_1087 : vector<16xf32>
    %max3A_1104 = arith.maximumf %gather3A_1102, %max3A_1087 : vector<16xf32>
    %min3A_1105 = arith.minimumf %gather3A_1102, %max3A_1087 : vector<16xf32>
    %select_n3A_1106 = arith.select %gt3A_1103, %add3A_1101, %select_n3A_1089 : vector<16xi1>, vector<16xi32>
    %select_n3A_1107 = arith.select %gt3A_1103, %select_n3A_1089, %add3A_1101 : vector<16xi1>, vector<16xi32>
    %gt3A_1108 = arith.cmpf ogt, %min3A_1105, %max3A_1092 : vector<16xf32>
    %max3A_1109 = arith.maximumf %min3A_1105, %max3A_1092 : vector<16xf32>
    %min3A_1110 = arith.minimumf %min3A_1105, %max3A_1092 : vector<16xf32>
    %select_n3A_1111 = arith.select %gt3A_1108, %select_n3A_1107, %select_n3A_1094 : vector<16xi1>, vector<16xi32>
    %select_n3A_1112 = arith.select %gt3A_1108, %select_n3A_1094, %select_n3A_1107 : vector<16xi1>, vector<16xi32>
    %gt3A_1113 = arith.cmpf ogt, %min3A_1110, %max3A_1097 : vector<16xf32>
    %max3A_1114 = arith.maximumf %min3A_1110, %max3A_1097 : vector<16xf32>
    %select_n3A_1115 = arith.select %gt3A_1113, %select_n3A_1112, %select_n3A_1098 : vector<16xi1>, vector<16xi32>
    %and3A_1116 = arith.constant 15 : i32
    %and3A_1117 = arith.andi %squeeze3A_962, %and3A_1116 : i32
    %shift_right_arithmetic3A_1118 = arith.constant 4 : i32
    %shift_right_arithmetic3A_1119 = arith.shrsi %squeeze3A_962, %shift_right_arithmetic3A_1118 : i32
    %mul3A_1120 = arith.constant 512 : i32
    %mul3A_1121 = arith.muli %shift_right_arithmetic3A_1119, %mul3A_1120 : i32
    %add3A_1122 = arith.addi %and3A_1117, %mul3A_1121 : i32
    %add3A_1123 = vector.broadcast %add3A_1122 : i32 to vector<16xi32>
    %add3A_1124 = arith.addi %add3A_1123, %mul3A_3 : vector<16xi32>
    %add3A_1125 = arith.constant 0 : i32
    %add3A_1126 = vector.broadcast %add3A_1125 : i32 to vector<16xi32>
    %add3A_1127 = arith.addi %add3A_1124, %add3A_1126 : vector<16xi32>
    %gather3A_1128 = tpu.vector_load_idx %arg4[%add3A_1127] : memref<32768xf32, #tpu.memory_space<vmem>>[vector<16xi32>], vector<16xf32>,
    %gt3A_1129 = arith.cmpf ogt, %gather3A_1128, %max3A_1104 : vector<16xf32>
    %max3A_1130 = arith.maximumf %gather3A_1128, %max3A_1104 : vector<16xf32>
    %min3A_1131 = arith.minimumf %gather3A_1128, %max3A_1104 : vector<16xf32>
    %select_n3A_1132 = arith.select %gt3A_1129, %add3A_1127, %select_n3A_1106 : vector<16xi1>, vector<16xi32>
    %select_n3A_1133 = arith.select %gt3A_1129, %select_n3A_1106, %add3A_1127 : vector<16xi1>, vector<16xi32>
    %gt3A_1134 = arith.cmpf ogt, %min3A_1131, %max3A_1109 : vector<16xf32>
    %max3A_1135 = arith.maximumf %min3A_1131, %max3A_1109 : vector<16xf32>
    %min3A_1136 = arith.minimumf %min3A_1131, %max3A_1109 : vector<16xf32>
    %select_n3A_1137 = arith.select %gt3A_1134, %select_n3A_1133, %select_n3A_1111 : vector<16xi1>, vector<16xi32>
    %select_n3A_1138 = arith.select %gt3A_1134, %select_n3A_1111, %select_n3A_1133 : vector<16xi1>, vector<16xi32>
    %gt3A_1139 = arith.cmpf ogt, %min3A_1136, %max3A_1114 : vector<16xf32>
    %max3A_1140 = arith.maximumf %min3A_1136, %max3A_1114 : vector<16xf32>
    %select_n3A_1141 = arith.select %gt3A_1139, %select_n3A_1138, %select_n3A_1115 : vector<16xi1>, vector<16xi32>
    %add3A_1142 = arith.constant 256 : i32
    %add3A_1143 = vector.broadcast %add3A_1142 : i32 to vector<16xi32>
    %add3A_1144 = arith.addi %add3A_1124, %add3A_1143 : vector<16xi32>
    %gather3A_1145 = tpu.vector_load_idx %arg4[%add3A_1144] : memref<32768xf32, #tpu.memory_space<vmem>>[vector<16xi32>], vector<16xf32>,
    %gt3A_1146 = arith.cmpf ogt, %gather3A_1145, %max3A_1130 : vector<16xf32>
    %max3A_1147 = arith.maximumf %gather3A_1145, %max3A_1130 : vector<16xf32>
    %min3A_1148 = arith.minimumf %gather3A_1145, %max3A_1130 : vector<16xf32>
    %select_n3A_1149 = arith.select %gt3A_1146, %add3A_1144, %select_n3A_1132 : vector<16xi1>, vector<16xi32>
    %select_n3A_1150 = arith.select %gt3A_1146, %select_n3A_1132, %add3A_1144 : vector<16xi1>, vector<16xi32>
    %gt3A_1151 = arith.cmpf ogt, %min3A_1148, %max3A_1135 : vector<16xf32>
    %max3A_1152 = arith.maximumf %min3A_1148, %max3A_1135 : vector<16xf32>
    %min3A_1153 = arith.minimumf %min3A_1148, %max3A_1135 : vector<16xf32>
    %select_n3A_1154 = arith.select %gt3A_1151, %select_n3A_1150, %select_n3A_1137 : vector<16xi1>, vector<16xi32>
    %select_n3A_1155 = arith.select %gt3A_1151, %select_n3A_1137, %select_n3A_1150 : vector<16xi1>, vector<16xi32>
    %gt3A_1156 = arith.cmpf ogt, %min3A_1153, %max3A_1140 : vector<16xf32>
    %max3A_1157 = arith.maximumf %min3A_1153, %max3A_1140 : vector<16xf32>
    %select_n3A_1158 = arith.select %gt3A_1156, %select_n3A_1155, %select_n3A_1141 : vector<16xi1>, vector<16xi32>
    %broadcast_in_dim3A_1159 = arith.constant 0 : i32
    %broadcast_in_dim3A_1160 = vector.broadcast %broadcast_in_dim3A_1159 : i32 to vector<16xi32>
    %masked_sort3A_1161 = arith.constant dense<true> : vector<16xi1>
    %masked_sort3A_1162, %masked_sort3A_1163, %masked_sort3A_1164 = tpu.sort %max3A_1147, %select_n3A_1149 masked %masked_sort3A_1161 {descending = true} : (vector<16xf32>, vector<16xi32>, vector<16xi1>) -> (vector<16xi1>, vector<16xf32>, vector<16xi32>)
    %slice3A_1165 = vector.extract_strided_slice %masked_sort3A_1163 {offsets = [0], sizes = [1], strides = [1]} : vector<16xf32> to vector<1xf32>
    %squeeze3A_1166 = vector.extract %slice3A_1165[0] : f32 from vector<1xf32>
    %eq3A_1167 = vector.broadcast %squeeze3A_1166 : f32 to vector<16xf32>
    %eq3A_1168 = arith.cmpf oeq, %max3A_1147, %eq3A_1167 : vector<16xf32>
    %jit3A_1169 = arith.constant 2147483647 : i32
    %broadcast_in_dim3A_1170 = vector.broadcast %jit3A_1169 : i32 to vector<16xi32>
    %select_n3A_1171 = arith.select %eq3A_1168, %select_n3A_1149, %broadcast_in_dim3A_1170 : vector<16xi1>, vector<16xi32>
    %masked_sort3A_1172 = arith.constant dense<true> : vector<16xi1>
    %masked_sort3A_1173 = arith.constant -2147483648 : i32
    %masked_sort3A_1174 = vector.broadcast %masked_sort3A_1173 : i32 to vector<16xi32>
    %masked_sort3A_1175 = arith.xori %select_n3A_1171, %masked_sort3A_1174 : vector<16xi32>
    %masked_sort3A_1176, %masked_sort3A_1177, %masked_sort3A_1178 = tpu.sort %masked_sort3A_1175, %select_n3A_1171 masked %masked_sort3A_1172 : (vector<16xi32>, vector<16xi32>, vector<16xi1>) -> (vector<16xi1>, vector<16xi32>, vector<16xi32>)
    %masked_sort3A_1179 = arith.xori %masked_sort3A_1177, %masked_sort3A_1174 : vector<16xi32>
    %slice3A_1180 = vector.extract_strided_slice %masked_sort3A_1179 {offsets = [0], sizes = [1], strides = [1]} : vector<16xi32> to vector<1xi32>
    %squeeze3A_1181 = vector.extract %slice3A_1180[0] : i32 from vector<1xi32>
    %eq3A_1182 = arith.constant 0 : i32
    %eq3A_1183 = vector.broadcast %eq3A_1182 : i32 to vector<16xi32>
    %eq3A_1184 = arith.cmpi eq, %iota3A, %eq3A_1183 : vector<16xi32>
    %broadcast_in_dim3A_1185 = vector.broadcast %squeeze3A_1181 : i32 to vector<16xi32>
    %select_n3A_1186 = arith.select %eq3A_1184, %broadcast_in_dim3A_1185, %broadcast_in_dim3A_1160 : vector<16xi1>, vector<16xi32>
    %eq3A_1187 = vector.broadcast %squeeze3A_1181 : i32 to vector<16xi32>
    %eq3A_1188 = arith.cmpi eq, %select_n3A_1149, %eq3A_1187 : vector<16xi32>
    %eq3A_1189 = vector.broadcast %squeeze3A_1166 : f32 to vector<16xf32>
    %eq3A_1190 = arith.cmpf oeq, %max3A_1147, %eq3A_1189 : vector<16xf32>
    %and3A_1191 = arith.andi %eq3A_1188, %eq3A_1190 : vector<16xi1>
    %select_n3A_1192 = arith.select %and3A_1191, %max3A_1152, %max3A_1147 : vector<16xi1>, vector<16xf32>
    %select_n3A_1193 = arith.select %and3A_1191, %select_n3A_1154, %select_n3A_1149 : vector<16xi1>, vector<16xi32>
    %select_n3A_1194 = arith.select %and3A_1191, %max3A_1157, %max3A_1152 : vector<16xi1>, vector<16xf32>
    %select_n3A_1195 = arith.select %and3A_1191, %select_n3A_1158, %select_n3A_1154 : vector<16xi1>, vector<16xi32>
    %jit3A_1196 = arith.constant 0xFF800000 : f32
    %broadcast_in_dim3A_1197 = vector.broadcast %jit3A_1196 : f32 to vector<16xf32>
    %select_n3A_1198 = arith.select %and3A_1191, %broadcast_in_dim3A_1197, %max3A_1157 : vector<16xi1>, vector<16xf32>
    %masked_sort3A_1199 = arith.constant dense<true> : vector<16xi1>
    %masked_sort3A_1200, %masked_sort3A_1201, %masked_sort3A_1202 = tpu.sort %select_n3A_1192, %select_n3A_1193 masked %masked_sort3A_1199 {descending = true} : (vector<16xf32>, vector<16xi32>, vector<16xi1>) -> (vector<16xi1>, vector<16xf32>, vector<16xi32>)
    %slice3A_1203 = vector.extract_strided_slice %masked_sort3A_1201 {offsets = [0], sizes = [1], strides = [1]} : vector<16xf32> to vector<1xf32>
    %squeeze3A_1204 = vector.extract %slice3A_1203[0] : f32 from vector<1xf32>
    %eq3A_1205 = vector.broadcast %squeeze3A_1204 : f32 to vector<16xf32>
    %eq3A_1206 = arith.cmpf oeq, %select_n3A_1192, %eq3A_1205 : vector<16xf32>
    %jit3A_1207 = arith.constant 2147483647 : i32
    %broadcast_in_dim3A_1208 = vector.broadcast %jit3A_1207 : i32 to vector<16xi32>
    %select_n3A_1209 = arith.select %eq3A_1206, %select_n3A_1193, %broadcast_in_dim3A_1208 : vector<16xi1>, vector<16xi32>
    %masked_sort3A_1210 = arith.constant dense<true> : vector<16xi1>
    %masked_sort3A_1211 = arith.constant -2147483648 : i32
    %masked_sort3A_1212 = vector.broadcast %masked_sort3A_1211 : i32 to vector<16xi32>
    %masked_sort3A_1213 = arith.xori %select_n3A_1209, %masked_sort3A_1212 : vector<16xi32>
    %masked_sort3A_1214, %masked_sort3A_1215, %masked_sort3A_1216 = tpu.sort %masked_sort3A_1213, %select_n3A_1209 masked %masked_sort3A_1210 : (vector<16xi32>, vector<16xi32>, vector<16xi1>) -> (vector<16xi1>, vector<16xi32>, vector<16xi32>)
    %masked_sort3A_1217 = arith.xori %masked_sort3A_1215, %masked_sort3A_1212 : vector<16xi32>
    %slice3A_1218 = vector.extract_strided_slice %masked_sort3A_1217 {offsets = [0], sizes = [1], strides = [1]} : vector<16xi32> to vector<1xi32>
    %squeeze3A_1219 = vector.extract %slice3A_1218[0] : i32 from vector<1xi32>
    %eq3A_1220 = arith.constant 1 : i32
    %eq3A_1221 = vector.broadcast %eq3A_1220 : i32 to vector<16xi32>
    %eq3A_1222 = arith.cmpi eq, %iota3A, %eq3A_1221 : vector<16xi32>
    %broadcast_in_dim3A_1223 = vector.broadcast %squeeze3A_1219 : i32 to vector<16xi32>
    %select_n3A_1224 = arith.select %eq3A_1222, %broadcast_in_dim3A_1223, %select_n3A_1186 : vector<16xi1>, vector<16xi32>
    %eq3A_1225 = vector.broadcast %squeeze3A_1219 : i32 to vector<16xi32>
    %eq3A_1226 = arith.cmpi eq, %select_n3A_1193, %eq3A_1225 : vector<16xi32>
    %eq3A_1227 = vector.broadcast %squeeze3A_1204 : f32 to vector<16xf32>
    %eq3A_1228 = arith.cmpf oeq, %select_n3A_1192, %eq3A_1227 : vector<16xf32>
    %and3A_1229 = arith.andi %eq3A_1226, %eq3A_1228 : vector<16xi1>
    %select_n3A_1230 = arith.select %and3A_1229, %select_n3A_1194, %select_n3A_1192 : vector<16xi1>, vector<16xf32>
    %select_n3A_1231 = arith.select %and3A_1229, %select_n3A_1195, %select_n3A_1193 : vector<16xi1>, vector<16xi32>
    %select_n3A_1232 = arith.select %and3A_1229, %select_n3A_1198, %select_n3A_1194 : vector<16xi1>, vector<16xf32>
    %select_n3A_1233 = arith.select %and3A_1229, %select_n3A_1158, %select_n3A_1195 : vector<16xi1>, vector<16xi32>
    %jit3A_1234 = arith.constant 0xFF800000 : f32
    %broadcast_in_dim3A_1235 = vector.broadcast %jit3A_1234 : f32 to vector<16xf32>
    %select_n3A_1236 = arith.select %and3A_1229, %broadcast_in_dim3A_1235, %select_n3A_1198 : vector<16xi1>, vector<16xf32>
    %masked_sort3A_1237 = arith.constant dense<true> : vector<16xi1>
    %masked_sort3A_1238, %masked_sort3A_1239, %masked_sort3A_1240 = tpu.sort %select_n3A_1230, %select_n3A_1231 masked %masked_sort3A_1237 {descending = true} : (vector<16xf32>, vector<16xi32>, vector<16xi1>) -> (vector<16xi1>, vector<16xf32>, vector<16xi32>)
    %slice3A_1241 = vector.extract_strided_slice %masked_sort3A_1239 {offsets = [0], sizes = [1], strides = [1]} : vector<16xf32> to vector<1xf32>
    %squeeze3A_1242 = vector.extract %slice3A_1241[0] : f32 from vector<1xf32>
    %eq3A_1243 = vector.broadcast %squeeze3A_1242 : f32 to vector<16xf32>
    %eq3A_1244 = arith.cmpf oeq, %select_n3A_1230, %eq3A_1243 : vector<16xf32>
    %jit3A_1245 = arith.constant 2147483647 : i32
    %broadcast_in_dim3A_1246 = vector.broadcast %jit3A_1245 : i32 to vector<16xi32>
    %select_n3A_1247 = arith.select %eq3A_1244, %select_n3A_1231, %broadcast_in_dim3A_1246 : vector<16xi1>, vector<16xi32>
    %masked_sort3A_1248 = arith.constant dense<true> : vector<16xi1>
    %masked_sort3A_1249 = arith.constant -2147483648 : i32
    %masked_sort3A_1250 = vector.broadcast %masked_sort3A_1249 : i32 to vector<16xi32>
    %masked_sort3A_1251 = arith.xori %select_n3A_1247, %masked_sort3A_1250 : vector<16xi32>
    %masked_sort3A_1252, %masked_sort3A_1253, %masked_sort3A_1254 = tpu.sort %masked_sort3A_1251, %select_n3A_1247 masked %masked_sort3A_1248 : (vector<16xi32>, vector<16xi32>, vector<16xi1>) -> (vector<16xi1>, vector<16xi32>, vector<16xi32>)
    %masked_sort3A_1255 = arith.xori %masked_sort3A_1253, %masked_sort3A_1250 : vector<16xi32>
    %slice3A_1256 = vector.extract_strided_slice %masked_sort3A_1255 {offsets = [0], sizes = [1], strides = [1]} : vector<16xi32> to vector<1xi32>
    %squeeze3A_1257 = vector.extract %slice3A_1256[0] : i32 from vector<1xi32>
    %eq3A_1258 = arith.constant 2 : i32
    %eq3A_1259 = vector.broadcast %eq3A_1258 : i32 to vector<16xi32>
    %eq3A_1260 = arith.cmpi eq, %iota3A, %eq3A_1259 : vector<16xi32>
    %broadcast_in_dim3A_1261 = vector.broadcast %squeeze3A_1257 : i32 to vector<16xi32>
    %select_n3A_1262 = arith.select %eq3A_1260, %broadcast_in_dim3A_1261, %select_n3A_1224 : vector<16xi1>, vector<16xi32>
    %eq3A_1263 = vector.broadcast %squeeze3A_1257 : i32 to vector<16xi32>
    %eq3A_1264 = arith.cmpi eq, %select_n3A_1231, %eq3A_1263 : vector<16xi32>
    %eq3A_1265 = vector.broadcast %squeeze3A_1242 : f32 to vector<16xf32>
    %eq3A_1266 = arith.cmpf oeq, %select_n3A_1230, %eq3A_1265 : vector<16xf32>
    %and3A_1267 = arith.andi %eq3A_1264, %eq3A_1266 : vector<16xi1>
    %select_n3A_1268 = arith.select %and3A_1267, %select_n3A_1232, %select_n3A_1230 : vector<16xi1>, vector<16xf32>
    %select_n3A_1269 = arith.select %and3A_1267, %select_n3A_1233, %select_n3A_1231 : vector<16xi1>, vector<16xi32>
    %select_n3A_1270 = arith.select %and3A_1267, %select_n3A_1236, %select_n3A_1232 : vector<16xi1>, vector<16xf32>
    %select_n3A_1271 = arith.select %and3A_1267, %select_n3A_1158, %select_n3A_1233 : vector<16xi1>, vector<16xi32>
    %jit3A_1272 = arith.constant 0xFF800000 : f32
    %broadcast_in_dim3A_1273 = vector.broadcast %jit3A_1272 : f32 to vector<16xf32>
    %select_n3A_1274 = arith.select %and3A_1267, %broadcast_in_dim3A_1273, %select_n3A_1236 : vector<16xi1>, vector<16xf32>
    %swap3A_1275 = arith.constant 32 : index
    %swap3A_1276 = tpu.vector_load %arg6[%swap3A_1275] {strides = array<i32>} : memref<64xi32, #tpu.memory_space<vmem>>, vector<16xi32>,
    tpu.vector_store %arg6[%swap3A_1275], %select_n3A_1262 {strides = array<i32>} : memref<64xi32, #tpu.memory_space<vmem>>, vector<16xi32>,
    %dma_wait3A_1277 = arith.constant 0 : i32
    %dma_wait3A_1278 = tpu.memref_slice %arg2[%add3A_864, %dma_wait3A_1277] : memref<128x32768xf32, #tpu.memory_space<hbm>> -> memref<1x32768xf32, #tpu.memory_space<hbm>>
    %dma_wait3A_1279 = tpu.memref_squeeze %dma_wait3A_1278 : memref<1x32768xf32, #tpu.memory_space<hbm>> -> memref<32768xf32, #tpu.memory_space<hbm>>
    %dma_wait3A_1280 = arith.constant 0 : i32
    %dma_wait3A_1281 = tpu.memref_slice %arg2[%add3A_864, %dma_wait3A_1280] : memref<128x32768xf32, #tpu.memory_space<hbm>> -> memref<1x32768xf32, #tpu.memory_space<hbm>>
    %dma_wait3A_1282 = tpu.memref_squeeze %dma_wait3A_1281 : memref<1x32768xf32, #tpu.memory_space<hbm>> -> memref<32768xf32, #tpu.memory_space<hbm>>
    tpu.wait_dma2 semaphore(%arg8 : memref<!tpu.dma_semaphore, #tpu.memory_space<semaphore_mem>>) src(%dma_wait3A_1282 : memref<32768xf32, #tpu.memory_space<hbm>>) dst(%arg5 : memref<32768xf32, #tpu.memory_space<vmem>>)
    %broadcast_in_dim3A_1283 = arith.constant 0xFF800000 : f32
    %broadcast_in_dim3A_1284 = vector.broadcast %broadcast_in_dim3A_1283 : f32 to vector<16xf32>
    %broadcast_in_dim3A_1285 = arith.constant 0xFF800000 : f32
    %broadcast_in_dim3A_1286 = vector.broadcast %broadcast_in_dim3A_1285 : f32 to vector<16xf32>
    %broadcast_in_dim3A_1287 = arith.constant 0xFF800000 : f32
    %broadcast_in_dim3A_1288 = vector.broadcast %broadcast_in_dim3A_1287 : f32 to vector<16xf32>
    %broadcast_in_dim3A_1289 = arith.constant 0 : i32
    %broadcast_in_dim3A_1290 = vector.broadcast %broadcast_in_dim3A_1289 : i32 to vector<16xi32>
    %broadcast_in_dim3A_1291 = arith.constant 0 : i32
    %broadcast_in_dim3A_1292 = vector.broadcast %broadcast_in_dim3A_1291 : i32 to vector<16xi32>
    %broadcast_in_dim3A_1293 = arith.constant 0 : i32
    %broadcast_in_dim3A_1294 = vector.broadcast %broadcast_in_dim3A_1293 : i32 to vector<16xi32>
    %scan3A_1295 = arith.constant 0 : i32
    %scan3A_1296 = arith.constant 64 : i32
    %scan3A_1297 = arith.addi %scan3A_1295, %scan3A_1296 : i32
    %scan3A_1298 = arith.constant 1 : i32
    %scan3A_1299:6 = scf.for %scan3A_1685 = %scan3A_1295 to %scan3A_1297 step %scan3A_1298 iter_args(%scan3A_1686 = %broadcast_in_dim3A_1284, %scan3A_1687 = %broadcast_in_dim3A_1286, %scan3A_1688 = %broadcast_in_dim3A_1288, %scan3A_1689 = %broadcast_in_dim3A_1290, %scan3A_1690 = %broadcast_in_dim3A_1292, %scan3A_1691 = %broadcast_in_dim3A_1294) -> (vector<16xf32>, vector<16xf32>, vector<16xf32>, vector<16xi32>, vector<16xi32>, vector<16xi32>)  : i32 {
      %mul3A_1692 = arith.constant 1 : i32
      %mul3A_1693 = arith.muli %scan3A_1685, %mul3A_1692 : i32
      %add3A_1694 = arith.constant 0 : i32
      %add3A_1695 = arith.addi %add3A_1694, %mul3A_1693 : i32
      %mul3A_1696 = arith.constant 512 : i32
      %mul3A_1697 = arith.muli %add3A_1695, %mul3A_1696 : i32
      %add3A_1698 = arith.constant 0 : i32
      %add3A_1699 = arith.addi %mul3A_1697, %add3A_1698 : i32
      %get3A = arith.index_cast %add3A_1699 : i32 to index
      %get3A_1700 = tpu.vector_load %arg5[%get3A] {strides = array<i32>} : memref<32768xf32, #tpu.memory_space<vmem>>, vector<16xf32>,
      %add3A_1701 = arith.constant 16 : i32
      %add3A_1702 = arith.addi %mul3A_1697, %add3A_1701 : i32
      %get3A_1703 = arith.index_cast %add3A_1702 : i32 to index
      %get3A_1704 = tpu.vector_load %arg5[%get3A_1703] {strides = array<i32>} : memref<32768xf32, #tpu.memory_space<vmem>>, vector<16xf32>,
      %add3A_1705 = arith.constant 32 : i32
      %add3A_1706 = arith.addi %mul3A_1697, %add3A_1705 : i32
      %get3A_1707 = arith.index_cast %add3A_1706 : i32 to index
      %get3A_1708 = tpu.vector_load %arg5[%get3A_1707] {strides = array<i32>} : memref<32768xf32, #tpu.memory_space<vmem>>, vector<16xf32>,
      %add3A_1709 = arith.constant 48 : i32
      %add3A_1710 = arith.addi %mul3A_1697, %add3A_1709 : i32
      %get3A_1711 = arith.index_cast %add3A_1710 : i32 to index
      %get3A_1712 = tpu.vector_load %arg5[%get3A_1711] {strides = array<i32>} : memref<32768xf32, #tpu.memory_space<vmem>>, vector<16xf32>,
      %add3A_1713 = arith.constant 64 : i32
      %add3A_1714 = arith.addi %mul3A_1697, %add3A_1713 : i32
      %get3A_1715 = arith.index_cast %add3A_1714 : i32 to index
      %get3A_1716 = tpu.vector_load %arg5[%get3A_1715] {strides = array<i32>} : memref<32768xf32, #tpu.memory_space<vmem>>, vector<16xf32>,
      %add3A_1717 = arith.constant 80 : i32
      %add3A_1718 = arith.addi %mul3A_1697, %add3A_1717 : i32
      %get3A_1719 = arith.index_cast %add3A_1718 : i32 to index
      %get3A_1720 = tpu.vector_load %arg5[%get3A_1719] {strides = array<i32>} : memref<32768xf32, #tpu.memory_space<vmem>>, vector<16xf32>,
      %add3A_1721 = arith.constant 96 : i32
      %add3A_1722 = arith.addi %mul3A_1697, %add3A_1721 : i32
      %get3A_1723 = arith.index_cast %add3A_1722 : i32 to index
      %get3A_1724 = tpu.vector_load %arg5[%get3A_1723] {strides = array<i32>} : memref<32768xf32, #tpu.memory_space<vmem>>, vector<16xf32>,
      %add3A_1725 = arith.constant 112 : i32
      %add3A_1726 = arith.addi %mul3A_1697, %add3A_1725 : i32
      %get3A_1727 = arith.index_cast %add3A_1726 : i32 to index
      %get3A_1728 = tpu.vector_load %arg5[%get3A_1727] {strides = array<i32>} : memref<32768xf32, #tpu.memory_space<vmem>>, vector<16xf32>,
      %add3A_1729 = arith.constant 128 : i32
      %add3A_1730 = arith.addi %mul3A_1697, %add3A_1729 : i32
      %get3A_1731 = arith.index_cast %add3A_1730 : i32 to index
      %get3A_1732 = tpu.vector_load %arg5[%get3A_1731] {strides = array<i32>} : memref<32768xf32, #tpu.memory_space<vmem>>, vector<16xf32>,
      %add3A_1733 = arith.constant 144 : i32
      %add3A_1734 = arith.addi %mul3A_1697, %add3A_1733 : i32
      %get3A_1735 = arith.index_cast %add3A_1734 : i32 to index
      %get3A_1736 = tpu.vector_load %arg5[%get3A_1735] {strides = array<i32>} : memref<32768xf32, #tpu.memory_space<vmem>>, vector<16xf32>,
      %add3A_1737 = arith.constant 160 : i32
      %add3A_1738 = arith.addi %mul3A_1697, %add3A_1737 : i32
      %get3A_1739 = arith.index_cast %add3A_1738 : i32 to index
      %get3A_1740 = tpu.vector_load %arg5[%get3A_1739] {strides = array<i32>} : memref<32768xf32, #tpu.memory_space<vmem>>, vector<16xf32>,
      %add3A_1741 = arith.constant 176 : i32
      %add3A_1742 = arith.addi %mul3A_1697, %add3A_1741 : i32
      %get3A_1743 = arith.index_cast %add3A_1742 : i32 to index
      %get3A_1744 = tpu.vector_load %arg5[%get3A_1743] {strides = array<i32>} : memref<32768xf32, #tpu.memory_space<vmem>>, vector<16xf32>,
      %add3A_1745 = arith.constant 192 : i32
      %add3A_1746 = arith.addi %mul3A_1697, %add3A_1745 : i32
      %get3A_1747 = arith.index_cast %add3A_1746 : i32 to index
      %get3A_1748 = tpu.vector_load %arg5[%get3A_1747] {strides = array<i32>} : memref<32768xf32, #tpu.memory_space<vmem>>, vector<16xf32>,
      %add3A_1749 = arith.constant 208 : i32
      %add3A_1750 = arith.addi %mul3A_1697, %add3A_1749 : i32
      %get3A_1751 = arith.index_cast %add3A_1750 : i32 to index
      %get3A_1752 = tpu.vector_load %arg5[%get3A_1751] {strides = array<i32>} : memref<32768xf32, #tpu.memory_space<vmem>>, vector<16xf32>,
      %add3A_1753 = arith.constant 224 : i32
      %add3A_1754 = arith.addi %mul3A_1697, %add3A_1753 : i32
      %get3A_1755 = arith.index_cast %add3A_1754 : i32 to index
      %get3A_1756 = tpu.vector_load %arg5[%get3A_1755] {strides = array<i32>} : memref<32768xf32, #tpu.memory_space<vmem>>, vector<16xf32>,
      %add3A_1757 = arith.constant 240 : i32
      %add3A_1758 = arith.addi %mul3A_1697, %add3A_1757 : i32
      %get3A_1759 = arith.index_cast %add3A_1758 : i32 to index
      %get3A_1760 = tpu.vector_load %arg5[%get3A_1759] {strides = array<i32>} : memref<32768xf32, #tpu.memory_space<vmem>>, vector<16xf32>,
      %add3A_1761 = arith.constant 256 : i32
      %add3A_1762 = arith.addi %mul3A_1697, %add3A_1761 : i32
      %get3A_1763 = arith.index_cast %add3A_1762 : i32 to index
      %get3A_1764 = tpu.vector_load %arg5[%get3A_1763] {strides = array<i32>} : memref<32768xf32, #tpu.memory_space<vmem>>, vector<16xf32>,
      %add3A_1765 = arith.constant 272 : i32
      %add3A_1766 = arith.addi %mul3A_1697, %add3A_1765 : i32
      %get3A_1767 = arith.index_cast %add3A_1766 : i32 to index
      %get3A_1768 = tpu.vector_load %arg5[%get3A_1767] {strides = array<i32>} : memref<32768xf32, #tpu.memory_space<vmem>>, vector<16xf32>,
      %add3A_1769 = arith.constant 288 : i32
      %add3A_1770 = arith.addi %mul3A_1697, %add3A_1769 : i32
      %get3A_1771 = arith.index_cast %add3A_1770 : i32 to index
      %get3A_1772 = tpu.vector_load %arg5[%get3A_1771] {strides = array<i32>} : memref<32768xf32, #tpu.memory_space<vmem>>, vector<16xf32>,
      %add3A_1773 = arith.constant 304 : i32
      %add3A_1774 = arith.addi %mul3A_1697, %add3A_1773 : i32
      %get3A_1775 = arith.index_cast %add3A_1774 : i32 to index
      %get3A_1776 = tpu.vector_load %arg5[%get3A_1775] {strides = array<i32>} : memref<32768xf32, #tpu.memory_space<vmem>>, vector<16xf32>,
      %add3A_1777 = arith.constant 320 : i32
      %add3A_1778 = arith.addi %mul3A_1697, %add3A_1777 : i32
      %get3A_1779 = arith.index_cast %add3A_1778 : i32 to index
      %get3A_1780 = tpu.vector_load %arg5[%get3A_1779] {strides = array<i32>} : memref<32768xf32, #tpu.memory_space<vmem>>, vector<16xf32>,
      %add3A_1781 = arith.constant 336 : i32
      %add3A_1782 = arith.addi %mul3A_1697, %add3A_1781 : i32
      %get3A_1783 = arith.index_cast %add3A_1782 : i32 to index
      %get3A_1784 = tpu.vector_load %arg5[%get3A_1783] {strides = array<i32>} : memref<32768xf32, #tpu.memory_space<vmem>>, vector<16xf32>,
      %add3A_1785 = arith.constant 352 : i32
      %add3A_1786 = arith.addi %mul3A_1697, %add3A_1785 : i32
      %get3A_1787 = arith.index_cast %add3A_1786 : i32 to index
      %get3A_1788 = tpu.vector_load %arg5[%get3A_1787] {strides = array<i32>} : memref<32768xf32, #tpu.memory_space<vmem>>, vector<16xf32>,
      %add3A_1789 = arith.constant 368 : i32
      %add3A_1790 = arith.addi %mul3A_1697, %add3A_1789 : i32
      %get3A_1791 = arith.index_cast %add3A_1790 : i32 to index
      %get3A_1792 = tpu.vector_load %arg5[%get3A_1791] {strides = array<i32>} : memref<32768xf32, #tpu.memory_space<vmem>>, vector<16xf32>,
      %add3A_1793 = arith.constant 384 : i32
      %add3A_1794 = arith.addi %mul3A_1697, %add3A_1793 : i32
      %get3A_1795 = arith.index_cast %add3A_1794 : i32 to index
      %get3A_1796 = tpu.vector_load %arg5[%get3A_1795] {strides = array<i32>} : memref<32768xf32, #tpu.memory_space<vmem>>, vector<16xf32>,
      %add3A_1797 = arith.constant 400 : i32
      %add3A_1798 = arith.addi %mul3A_1697, %add3A_1797 : i32
      %get3A_1799 = arith.index_cast %add3A_1798 : i32 to index
      %get3A_1800 = tpu.vector_load %arg5[%get3A_1799] {strides = array<i32>} : memref<32768xf32, #tpu.memory_space<vmem>>, vector<16xf32>,
      %add3A_1801 = arith.constant 416 : i32
      %add3A_1802 = arith.addi %mul3A_1697, %add3A_1801 : i32
      %get3A_1803 = arith.index_cast %add3A_1802 : i32 to index
      %get3A_1804 = tpu.vector_load %arg5[%get3A_1803] {strides = array<i32>} : memref<32768xf32, #tpu.memory_space<vmem>>, vector<16xf32>,
      %add3A_1805 = arith.constant 432 : i32
      %add3A_1806 = arith.addi %mul3A_1697, %add3A_1805 : i32
      %get3A_1807 = arith.index_cast %add3A_1806 : i32 to index
      %get3A_1808 = tpu.vector_load %arg5[%get3A_1807] {strides = array<i32>} : memref<32768xf32, #tpu.memory_space<vmem>>, vector<16xf32>,
      %add3A_1809 = arith.constant 448 : i32
      %add3A_1810 = arith.addi %mul3A_1697, %add3A_1809 : i32
      %get3A_1811 = arith.index_cast %add3A_1810 : i32 to index
      %get3A_1812 = tpu.vector_load %arg5[%get3A_1811] {strides = array<i32>} : memref<32768xf32, #tpu.memory_space<vmem>>, vector<16xf32>,
      %add3A_1813 = arith.constant 464 : i32
      %add3A_1814 = arith.addi %mul3A_1697, %add3A_1813 : i32
      %get3A_1815 = arith.index_cast %add3A_1814 : i32 to index
      %get3A_1816 = tpu.vector_load %arg5[%get3A_1815] {strides = array<i32>} : memref<32768xf32, #tpu.memory_space<vmem>>, vector<16xf32>,
      %add3A_1817 = arith.constant 480 : i32
      %add3A_1818 = arith.addi %mul3A_1697, %add3A_1817 : i32
      %get3A_1819 = arith.index_cast %add3A_1818 : i32 to index
      %get3A_1820 = tpu.vector_load %arg5[%get3A_1819] {strides = array<i32>} : memref<32768xf32, #tpu.memory_space<vmem>>, vector<16xf32>,
      %add3A_1821 = arith.constant 496 : i32
      %add3A_1822 = arith.addi %mul3A_1697, %add3A_1821 : i32
      %get3A_1823 = arith.index_cast %add3A_1822 : i32 to index
      %get3A_1824 = tpu.vector_load %arg5[%get3A_1823] {strides = array<i32>} : memref<32768xf32, #tpu.memory_space<vmem>>, vector<16xf32>,
      %max3A_1825 = arith.maximumf %get3A_1700, %get3A_1704 : vector<16xf32>
      %max3A_1826 = arith.maximumf %get3A_1708, %get3A_1712 : vector<16xf32>
      %max3A_1827 = arith.maximumf %get3A_1716, %get3A_1720 : vector<16xf32>
      %max3A_1828 = arith.maximumf %get3A_1724, %get3A_1728 : vector<16xf32>
      %max3A_1829 = arith.maximumf %get3A_1732, %get3A_1736 : vector<16xf32>
      %max3A_1830 = arith.maximumf %get3A_1740, %get3A_1744 : vector<16xf32>
      %max3A_1831 = arith.maximumf %get3A_1748, %get3A_1752 : vector<16xf32>
      %max3A_1832 = arith.maximumf %get3A_1756, %get3A_1760 : vector<16xf32>
      %max3A_1833 = arith.maximumf %get3A_1764, %get3A_1768 : vector<16xf32>
      %max3A_1834 = arith.maximumf %get3A_1772, %get3A_1776 : vector<16xf32>
      %max3A_1835 = arith.maximumf %get3A_1780, %get3A_1784 : vector<16xf32>
      %max3A_1836 = arith.maximumf %get3A_1788, %get3A_1792 : vector<16xf32>
      %max3A_1837 = arith.maximumf %get3A_1796, %get3A_1800 : vector<16xf32>
      %max3A_1838 = arith.maximumf %get3A_1804, %get3A_1808 : vector<16xf32>
      %max3A_1839 = arith.maximumf %get3A_1812, %get3A_1816 : vector<16xf32>
      %max3A_1840 = arith.maximumf %get3A_1820, %get3A_1824 : vector<16xf32>
      %max3A_1841 = arith.maximumf %max3A_1825, %max3A_1826 : vector<16xf32>
      %max3A_1842 = arith.maximumf %max3A_1827, %max3A_1828 : vector<16xf32>
      %max3A_1843 = arith.maximumf %max3A_1829, %max3A_1830 : vector<16xf32>
      %max3A_1844 = arith.maximumf %max3A_1831, %max3A_1832 : vector<16xf32>
      %max3A_1845 = arith.maximumf %max3A_1833, %max3A_1834 : vector<16xf32>
      %max3A_1846 = arith.maximumf %max3A_1835, %max3A_1836 : vector<16xf32>
      %max3A_1847 = arith.maximumf %max3A_1837, %max3A_1838 : vector<16xf32>
      %max3A_1848 = arith.maximumf %max3A_1839, %max3A_1840 : vector<16xf32>
      %max3A_1849 = arith.maximumf %max3A_1841, %max3A_1842 : vector<16xf32>
      %max3A_1850 = arith.maximumf %max3A_1843, %max3A_1844 : vector<16xf32>
      %max3A_1851 = arith.maximumf %max3A_1845, %max3A_1846 : vector<16xf32>
      %max3A_1852 = arith.maximumf %max3A_1847, %max3A_1848 : vector<16xf32>
      %max3A_1853 = arith.maximumf %max3A_1849, %max3A_1850 : vector<16xf32>
      %max3A_1854 = arith.maximumf %max3A_1851, %max3A_1852 : vector<16xf32>
      %max3A_1855 = arith.maximumf %max3A_1853, %max3A_1854 : vector<16xf32>
      %mul3A_1856 = arith.constant 16 : i32
      %mul3A_1857 = arith.muli %add3A_1695, %mul3A_1856 : i32
      %add3A_1858 = vector.broadcast %mul3A_1857 : i32 to vector<16xi32>
      %add3A_1859 = arith.addi %iota3A, %add3A_1858 : vector<16xi32>
      %gt3A_1860 = arith.cmpf ogt, %max3A_1855, %scan3A_1686 : vector<16xf32>
      %max3A_1861 = arith.maximumf %max3A_1855, %scan3A_1686 : vector<16xf32>
      %min3A_1862 = arith.minimumf %max3A_1855, %scan3A_1686 : vector<16xf32>
      %select_n3A_1863 = arith.select %gt3A_1860, %add3A_1859, %scan3A_1689 : vector<16xi1>, vector<16xi32>
      %select_n3A_1864 = arith.select %gt3A_1860, %scan3A_1689, %add3A_1859 : vector<16xi1>, vector<16xi32>
      %gt3A_1865 = arith.cmpf ogt, %min3A_1862, %scan3A_1687 : vector<16xf32>
      %max3A_1866 = arith.maximumf %min3A_1862, %scan3A_1687 : vector<16xf32>
      %min3A_1867 = arith.minimumf %min3A_1862, %scan3A_1687 : vector<16xf32>
      %select_n3A_1868 = arith.select %gt3A_1865, %select_n3A_1864, %scan3A_1690 : vector<16xi1>, vector<16xi32>
      %select_n3A_1869 = arith.select %gt3A_1865, %scan3A_1690, %select_n3A_1864 : vector<16xi1>, vector<16xi32>
      %gt3A_1870 = arith.cmpf ogt, %min3A_1867, %scan3A_1688 : vector<16xf32>
      %max3A_1871 = arith.maximumf %min3A_1867, %scan3A_1688 : vector<16xf32>
      %select_n3A_1872 = arith.select %gt3A_1870, %select_n3A_1869, %scan3A_1691 : vector<16xi1>, vector<16xi32>
      scf.yield %max3A_1861, %max3A_1866, %max3A_1871, %select_n3A_1863, %select_n3A_1868, %select_n3A_1872 : vector<16xf32>, vector<16xf32>, vector<16xf32>, vector<16xi32>, vector<16xi32>, vector<16xi32>
    }
    %scan3A_1300 = arith.constant 64 : i32
    %masked_sort3A_1301 = arith.constant dense<true> : vector<16xi1>
    %masked_sort3A_1302, %masked_sort3A_1303, %masked_sort3A_1304 = tpu.sort %scan3A_1299#0, %scan3A_1299#3 masked %masked_sort3A_1301 {descending = true} : (vector<16xf32>, vector<16xi32>, vector<16xi1>) -> (vector<16xi1>, vector<16xf32>, vector<16xi32>)
    %slice3A_1305 = vector.extract_strided_slice %masked_sort3A_1303 {offsets = [0], sizes = [1], strides = [1]} : vector<16xf32> to vector<1xf32>
    %squeeze3A_1306 = vector.extract %slice3A_1305[0] : f32 from vector<1xf32>
    %slice3A_1307 = vector.extract_strided_slice %masked_sort3A_1304 {offsets = [0], sizes = [1], strides = [1]} : vector<16xi32> to vector<1xi32>
    %squeeze3A_1308 = vector.extract %slice3A_1307[0] : i32 from vector<1xi32>
    %eq3A_1309 = vector.broadcast %squeeze3A_1308 : i32 to vector<16xi32>
    %eq3A_1310 = arith.cmpi eq, %scan3A_1299#3, %eq3A_1309 : vector<16xi32>
    %eq3A_1311 = vector.broadcast %squeeze3A_1306 : f32 to vector<16xf32>
    %eq3A_1312 = arith.cmpf oeq, %scan3A_1299#0, %eq3A_1311 : vector<16xf32>
    %and3A_1313 = arith.andi %eq3A_1310, %eq3A_1312 : vector<16xi1>
    %select_n3A_1314 = arith.select %and3A_1313, %scan3A_1299#1, %scan3A_1299#0 : vector<16xi1>, vector<16xf32>
    %select_n3A_1315 = arith.select %and3A_1313, %scan3A_1299#4, %scan3A_1299#3 : vector<16xi1>, vector<16xi32>
    %select_n3A_1316 = arith.select %and3A_1313, %scan3A_1299#2, %scan3A_1299#1 : vector<16xi1>, vector<16xf32>
    %select_n3A_1317 = arith.select %and3A_1313, %scan3A_1299#5, %scan3A_1299#4 : vector<16xi1>, vector<16xi32>
    %jit3A_1318 = arith.constant 0xFF800000 : f32
    %broadcast_in_dim3A_1319 = vector.broadcast %jit3A_1318 : f32 to vector<16xf32>
    %select_n3A_1320 = arith.select %and3A_1313, %broadcast_in_dim3A_1319, %scan3A_1299#2 : vector<16xi1>, vector<16xf32>
    %masked_sort3A_1321 = arith.constant dense<true> : vector<16xi1>
    %masked_sort3A_1322, %masked_sort3A_1323, %masked_sort3A_1324 = tpu.sort %select_n3A_1314, %select_n3A_1315 masked %masked_sort3A_1321 {descending = true} : (vector<16xf32>, vector<16xi32>, vector<16xi1>) -> (vector<16xi1>, vector<16xf32>, vector<16xi32>)
    %slice3A_1325 = vector.extract_strided_slice %masked_sort3A_1323 {offsets = [0], sizes = [1], strides = [1]} : vector<16xf32> to vector<1xf32>
    %squeeze3A_1326 = vector.extract %slice3A_1325[0] : f32 from vector<1xf32>
    %slice3A_1327 = vector.extract_strided_slice %masked_sort3A_1324 {offsets = [0], sizes = [1], strides = [1]} : vector<16xi32> to vector<1xi32>
    %squeeze3A_1328 = vector.extract %slice3A_1327[0] : i32 from vector<1xi32>
    %eq3A_1329 = vector.broadcast %squeeze3A_1328 : i32 to vector<16xi32>
    %eq3A_1330 = arith.cmpi eq, %select_n3A_1315, %eq3A_1329 : vector<16xi32>
    %eq3A_1331 = vector.broadcast %squeeze3A_1326 : f32 to vector<16xf32>
    %eq3A_1332 = arith.cmpf oeq, %select_n3A_1314, %eq3A_1331 : vector<16xf32>
    %and3A_1333 = arith.andi %eq3A_1330, %eq3A_1332 : vector<16xi1>
    %select_n3A_1334 = arith.select %and3A_1333, %select_n3A_1316, %select_n3A_1314 : vector<16xi1>, vector<16xf32>
    %select_n3A_1335 = arith.select %and3A_1333, %select_n3A_1317, %select_n3A_1315 : vector<16xi1>, vector<16xi32>
    %select_n3A_1336 = arith.select %and3A_1333, %select_n3A_1320, %select_n3A_1316 : vector<16xi1>, vector<16xf32>
    %select_n3A_1337 = arith.select %and3A_1333, %scan3A_1299#5, %select_n3A_1317 : vector<16xi1>, vector<16xi32>
    %jit3A_1338 = arith.constant 0xFF800000 : f32
    %broadcast_in_dim3A_1339 = vector.broadcast %jit3A_1338 : f32 to vector<16xf32>
    %select_n3A_1340 = arith.select %and3A_1333, %broadcast_in_dim3A_1339, %select_n3A_1320 : vector<16xi1>, vector<16xf32>
    %masked_sort3A_1341 = arith.constant dense<true> : vector<16xi1>
    %masked_sort3A_1342, %masked_sort3A_1343, %masked_sort3A_1344 = tpu.sort %select_n3A_1334, %select_n3A_1335 masked %masked_sort3A_1341 {descending = true} : (vector<16xf32>, vector<16xi32>, vector<16xi1>) -> (vector<16xi1>, vector<16xf32>, vector<16xi32>)
    %slice3A_1345 = vector.extract_strided_slice %masked_sort3A_1343 {offsets = [0], sizes = [1], strides = [1]} : vector<16xf32> to vector<1xf32>
    %squeeze3A_1346 = vector.extract %slice3A_1345[0] : f32 from vector<1xf32>
    %slice3A_1347 = vector.extract_strided_slice %masked_sort3A_1344 {offsets = [0], sizes = [1], strides = [1]} : vector<16xi32> to vector<1xi32>
    %squeeze3A_1348 = vector.extract %slice3A_1347[0] : i32 from vector<1xi32>
    %eq3A_1349 = vector.broadcast %squeeze3A_1348 : i32 to vector<16xi32>
    %eq3A_1350 = arith.cmpi eq, %select_n3A_1335, %eq3A_1349 : vector<16xi32>
    %eq3A_1351 = vector.broadcast %squeeze3A_1346 : f32 to vector<16xf32>
    %eq3A_1352 = arith.cmpf oeq, %select_n3A_1334, %eq3A_1351 : vector<16xf32>
    %and3A_1353 = arith.andi %eq3A_1350, %eq3A_1352 : vector<16xi1>
    %select_n3A_1354 = arith.select %and3A_1353, %select_n3A_1336, %select_n3A_1334 : vector<16xi1>, vector<16xf32>
    %select_n3A_1355 = arith.select %and3A_1353, %select_n3A_1337, %select_n3A_1335 : vector<16xi1>, vector<16xi32>
    %select_n3A_1356 = arith.select %and3A_1353, %select_n3A_1340, %select_n3A_1336 : vector<16xi1>, vector<16xf32>
    %select_n3A_1357 = arith.select %and3A_1353, %scan3A_1299#5, %select_n3A_1337 : vector<16xi1>, vector<16xi32>
    %jit3A_1358 = arith.constant 0xFF800000 : f32
    %broadcast_in_dim3A_1359 = vector.broadcast %jit3A_1358 : f32 to vector<16xf32>
    %select_n3A_1360 = arith.select %and3A_1353, %broadcast_in_dim3A_1359, %select_n3A_1340 : vector<16xi1>, vector<16xf32>
    %masked_sort3A_1361 = arith.constant dense<true> : vector<16xi1>
    %masked_sort3A_1362, %masked_sort3A_1363, %masked_sort3A_1364 = tpu.sort %select_n3A_1354, %select_n3A_1355 masked %masked_sort3A_1361 {descending = true} : (vector<16xf32>, vector<16xi32>, vector<16xi1>) -> (vector<16xi1>, vector<16xf32>, vector<16xi32>)
    %slice3A_1365 = vector.extract_strided_slice %masked_sort3A_1363 {offsets = [0], sizes = [1], strides = [1]} : vector<16xf32> to vector<1xf32>
    %squeeze3A_1366 = vector.extract %slice3A_1365[0] : f32 from vector<1xf32>
    %slice3A_1367 = vector.extract_strided_slice %masked_sort3A_1364 {offsets = [0], sizes = [1], strides = [1]} : vector<16xi32> to vector<1xi32>
    %squeeze3A_1368 = vector.extract %slice3A_1367[0] : i32 from vector<1xi32>
    %eq3A_1369 = vector.broadcast %squeeze3A_1368 : i32 to vector<16xi32>
    %eq3A_1370 = arith.cmpi eq, %select_n3A_1355, %eq3A_1369 : vector<16xi32>
    %eq3A_1371 = vector.broadcast %squeeze3A_1366 : f32 to vector<16xf32>
    %eq3A_1372 = arith.cmpf oeq, %select_n3A_1354, %eq3A_1371 : vector<16xf32>
    %and3A_1373 = arith.andi %eq3A_1370, %eq3A_1372 : vector<16xi1>
    %select_n3A_1374 = arith.select %and3A_1373, %select_n3A_1356, %select_n3A_1354 : vector<16xi1>, vector<16xf32>
    %select_n3A_1375 = arith.select %and3A_1373, %select_n3A_1357, %select_n3A_1355 : vector<16xi1>, vector<16xi32>
    %select_n3A_1376 = arith.select %and3A_1373, %select_n3A_1360, %select_n3A_1356 : vector<16xi1>, vector<16xf32>
    %select_n3A_1377 = arith.select %and3A_1373, %scan3A_1299#5, %select_n3A_1357 : vector<16xi1>, vector<16xi32>
    %jit3A_1378 = arith.constant 0xFF800000 : f32
    %broadcast_in_dim3A_1379 = vector.broadcast %jit3A_1378 : f32 to vector<16xf32>
    %select_n3A_1380 = arith.select %and3A_1373, %broadcast_in_dim3A_1379, %select_n3A_1360 : vector<16xi1>, vector<16xf32>
    %broadcast_in_dim3A_1381 = arith.constant 0xFF800000 : f32
    %broadcast_in_dim3A_1382 = vector.broadcast %broadcast_in_dim3A_1381 : f32 to vector<16xf32>
    %broadcast_in_dim3A_1383 = arith.constant 0xFF800000 : f32
    %broadcast_in_dim3A_1384 = vector.broadcast %broadcast_in_dim3A_1383 : f32 to vector<16xf32>
    %broadcast_in_dim3A_1385 = arith.constant 0xFF800000 : f32
    %broadcast_in_dim3A_1386 = vector.broadcast %broadcast_in_dim3A_1385 : f32 to vector<16xf32>
    %broadcast_in_dim3A_1387 = arith.constant 0 : i32
    %broadcast_in_dim3A_1388 = vector.broadcast %broadcast_in_dim3A_1387 : i32 to vector<16xi32>
    %broadcast_in_dim3A_1389 = arith.constant 0 : i32
    %broadcast_in_dim3A_1390 = vector.broadcast %broadcast_in_dim3A_1389 : i32 to vector<16xi32>
    %broadcast_in_dim3A_1391 = arith.constant 0 : i32
    %broadcast_in_dim3A_1392 = vector.broadcast %broadcast_in_dim3A_1391 : i32 to vector<16xi32>
    %and3A_1393 = arith.constant 15 : i32
    %and3A_1394 = arith.andi %squeeze3A_1308, %and3A_1393 : i32
    %shift_right_arithmetic3A_1395 = arith.constant 4 : i32
    %shift_right_arithmetic3A_1396 = arith.shrsi %squeeze3A_1308, %shift_right_arithmetic3A_1395 : i32
    %mul3A_1397 = arith.constant 512 : i32
    %mul3A_1398 = arith.muli %shift_right_arithmetic3A_1396, %mul3A_1397 : i32
    %add3A_1399 = arith.addi %and3A_1394, %mul3A_1398 : i32
    %add3A_1400 = vector.broadcast %add3A_1399 : i32 to vector<16xi32>
    %add3A_1401 = arith.addi %add3A_1400, %mul3A_3 : vector<16xi32>
    %add3A_1402 = arith.constant 0 : i32
    %add3A_1403 = vector.broadcast %add3A_1402 : i32 to vector<16xi32>
    %add3A_1404 = arith.addi %add3A_1401, %add3A_1403 : vector<16xi32>
    %gather3A_1405 = tpu.vector_load_idx %arg5[%add3A_1404] : memref<32768xf32, #tpu.memory_space<vmem>>[vector<16xi32>], vector<16xf32>,
    %gt3A_1406 = arith.cmpf ogt, %gather3A_1405, %broadcast_in_dim3A_1382 : vector<16xf32>
    %max3A_1407 = arith.maximumf %gather3A_1405, %broadcast_in_dim3A_1382 : vector<16xf32>
    %min3A_1408 = arith.minimumf %gather3A_1405, %broadcast_in_dim3A_1382 : vector<16xf32>
    %select_n3A_1409 = arith.select %gt3A_1406, %add3A_1404, %broadcast_in_dim3A_1388 : vector<16xi1>, vector<16xi32>
    %select_n3A_1410 = arith.select %gt3A_1406, %broadcast_in_dim3A_1388, %add3A_1404 : vector<16xi1>, vector<16xi32>
    %gt3A_1411 = arith.cmpf ogt, %min3A_1408, %broadcast_in_dim3A_1384 : vector<16xf32>
    %max3A_1412 = arith.maximumf %min3A_1408, %broadcast_in_dim3A_1384 : vector<16xf32>
    %min3A_1413 = arith.minimumf %min3A_1408, %broadcast_in_dim3A_1384 : vector<16xf32>
    %select_n3A_1414 = arith.select %gt3A_1411, %select_n3A_1410, %broadcast_in_dim3A_1390 : vector<16xi1>, vector<16xi32>
    %select_n3A_1415 = arith.select %gt3A_1411, %broadcast_in_dim3A_1390, %select_n3A_1410 : vector<16xi1>, vector<16xi32>
    %gt3A_1416 = arith.cmpf ogt, %min3A_1413, %broadcast_in_dim3A_1386 : vector<16xf32>
    %max3A_1417 = arith.maximumf %min3A_1413, %broadcast_in_dim3A_1386 : vector<16xf32>
    %select_n3A_1418 = arith.select %gt3A_1416, %select_n3A_1415, %broadcast_in_dim3A_1392 : vector<16xi1>, vector<16xi32>
    %add3A_1419 = arith.constant 256 : i32
    %add3A_1420 = vector.broadcast %add3A_1419 : i32 to vector<16xi32>
    %add3A_1421 = arith.addi %add3A_1401, %add3A_1420 : vector<16xi32>
    %gather3A_1422 = tpu.vector_load_idx %arg5[%add3A_1421] : memref<32768xf32, #tpu.memory_space<vmem>>[vector<16xi32>], vector<16xf32>,
    %gt3A_1423 = arith.cmpf ogt, %gather3A_1422, %max3A_1407 : vector<16xf32>
    %max3A_1424 = arith.maximumf %gather3A_1422, %max3A_1407 : vector<16xf32>
    %min3A_1425 = arith.minimumf %gather3A_1422, %max3A_1407 : vector<16xf32>
    %select_n3A_1426 = arith.select %gt3A_1423, %add3A_1421, %select_n3A_1409 : vector<16xi1>, vector<16xi32>
    %select_n3A_1427 = arith.select %gt3A_1423, %select_n3A_1409, %add3A_1421 : vector<16xi1>, vector<16xi32>
    %gt3A_1428 = arith.cmpf ogt, %min3A_1425, %max3A_1412 : vector<16xf32>
    %max3A_1429 = arith.maximumf %min3A_1425, %max3A_1412 : vector<16xf32>
    %min3A_1430 = arith.minimumf %min3A_1425, %max3A_1412 : vector<16xf32>
    %select_n3A_1431 = arith.select %gt3A_1428, %select_n3A_1427, %select_n3A_1414 : vector<16xi1>, vector<16xi32>
    %select_n3A_1432 = arith.select %gt3A_1428, %select_n3A_1414, %select_n3A_1427 : vector<16xi1>, vector<16xi32>
    %gt3A_1433 = arith.cmpf ogt, %min3A_1430, %max3A_1417 : vector<16xf32>
    %max3A_1434 = arith.maximumf %min3A_1430, %max3A_1417 : vector<16xf32>
    %select_n3A_1435 = arith.select %gt3A_1433, %select_n3A_1432, %select_n3A_1418 : vector<16xi1>, vector<16xi32>
    %and3A_1436 = arith.constant 15 : i32
    %and3A_1437 = arith.andi %squeeze3A_1328, %and3A_1436 : i32
    %shift_right_arithmetic3A_1438 = arith.constant 4 : i32
    %shift_right_arithmetic3A_1439 = arith.shrsi %squeeze3A_1328, %shift_right_arithmetic3A_1438 : i32
    %mul3A_1440 = arith.constant 512 : i32
    %mul3A_1441 = arith.muli %shift_right_arithmetic3A_1439, %mul3A_1440 : i32
    %add3A_1442 = arith.addi %and3A_1437, %mul3A_1441 : i32
    %add3A_1443 = vector.broadcast %add3A_1442 : i32 to vector<16xi32>
    %add3A_1444 = arith.addi %add3A_1443, %mul3A_3 : vector<16xi32>
    %add3A_1445 = arith.constant 0 : i32
    %add3A_1446 = vector.broadcast %add3A_1445 : i32 to vector<16xi32>
    %add3A_1447 = arith.addi %add3A_1444, %add3A_1446 : vector<16xi32>
    %gather3A_1448 = tpu.vector_load_idx %arg5[%add3A_1447] : memref<32768xf32, #tpu.memory_space<vmem>>[vector<16xi32>], vector<16xf32>,
    %gt3A_1449 = arith.cmpf ogt, %gather3A_1448, %max3A_1424 : vector<16xf32>
    %max3A_1450 = arith.maximumf %gather3A_1448, %max3A_1424 : vector<16xf32>
    %min3A_1451 = arith.minimumf %gather3A_1448, %max3A_1424 : vector<16xf32>
    %select_n3A_1452 = arith.select %gt3A_1449, %add3A_1447, %select_n3A_1426 : vector<16xi1>, vector<16xi32>
    %select_n3A_1453 = arith.select %gt3A_1449, %select_n3A_1426, %add3A_1447 : vector<16xi1>, vector<16xi32>
    %gt3A_1454 = arith.cmpf ogt, %min3A_1451, %max3A_1429 : vector<16xf32>
    %max3A_1455 = arith.maximumf %min3A_1451, %max3A_1429 : vector<16xf32>
    %min3A_1456 = arith.minimumf %min3A_1451, %max3A_1429 : vector<16xf32>
    %select_n3A_1457 = arith.select %gt3A_1454, %select_n3A_1453, %select_n3A_1431 : vector<16xi1>, vector<16xi32>
    %select_n3A_1458 = arith.select %gt3A_1454, %select_n3A_1431, %select_n3A_1453 : vector<16xi1>, vector<16xi32>
    %gt3A_1459 = arith.cmpf ogt, %min3A_1456, %max3A_1434 : vector<16xf32>
    %max3A_1460 = arith.maximumf %min3A_1456, %max3A_1434 : vector<16xf32>
    %select_n3A_1461 = arith.select %gt3A_1459, %select_n3A_1458, %select_n3A_1435 : vector<16xi1>, vector<16xi32>
    %add3A_1462 = arith.constant 256 : i32
    %add3A_1463 = vector.broadcast %add3A_1462 : i32 to vector<16xi32>
    %add3A_1464 = arith.addi %add3A_1444, %add3A_1463 : vector<16xi32>
    %gather3A_1465 = tpu.vector_load_idx %arg5[%add3A_1464] : memref<32768xf32, #tpu.memory_space<vmem>>[vector<16xi32>], vector<16xf32>,
    %gt3A_1466 = arith.cmpf ogt, %gather3A_1465, %max3A_1450 : vector<16xf32>
    %max3A_1467 = arith.maximumf %gather3A_1465, %max3A_1450 : vector<16xf32>
    %min3A_1468 = arith.minimumf %gather3A_1465, %max3A_1450 : vector<16xf32>
    %select_n3A_1469 = arith.select %gt3A_1466, %add3A_1464, %select_n3A_1452 : vector<16xi1>, vector<16xi32>
    %select_n3A_1470 = arith.select %gt3A_1466, %select_n3A_1452, %add3A_1464 : vector<16xi1>, vector<16xi32>
    %gt3A_1471 = arith.cmpf ogt, %min3A_1468, %max3A_1455 : vector<16xf32>
    %max3A_1472 = arith.maximumf %min3A_1468, %max3A_1455 : vector<16xf32>
    %min3A_1473 = arith.minimumf %min3A_1468, %max3A_1455 : vector<16xf32>
    %select_n3A_1474 = arith.select %gt3A_1471, %select_n3A_1470, %select_n3A_1457 : vector<16xi1>, vector<16xi32>
    %select_n3A_1475 = arith.select %gt3A_1471, %select_n3A_1457, %select_n3A_1470 : vector<16xi1>, vector<16xi32>
    %gt3A_1476 = arith.cmpf ogt, %min3A_1473, %max3A_1460 : vector<16xf32>
    %max3A_1477 = arith.maximumf %min3A_1473, %max3A_1460 : vector<16xf32>
    %select_n3A_1478 = arith.select %gt3A_1476, %select_n3A_1475, %select_n3A_1461 : vector<16xi1>, vector<16xi32>
    %and3A_1479 = arith.constant 15 : i32
    %and3A_1480 = arith.andi %squeeze3A_1348, %and3A_1479 : i32
    %shift_right_arithmetic3A_1481 = arith.constant 4 : i32
    %shift_right_arithmetic3A_1482 = arith.shrsi %squeeze3A_1348, %shift_right_arithmetic3A_1481 : i32
    %mul3A_1483 = arith.constant 512 : i32
    %mul3A_1484 = arith.muli %shift_right_arithmetic3A_1482, %mul3A_1483 : i32
    %add3A_1485 = arith.addi %and3A_1480, %mul3A_1484 : i32
    %add3A_1486 = vector.broadcast %add3A_1485 : i32 to vector<16xi32>
    %add3A_1487 = arith.addi %add3A_1486, %mul3A_3 : vector<16xi32>
    %add3A_1488 = arith.constant 0 : i32
    %add3A_1489 = vector.broadcast %add3A_1488 : i32 to vector<16xi32>
    %add3A_1490 = arith.addi %add3A_1487, %add3A_1489 : vector<16xi32>
    %gather3A_1491 = tpu.vector_load_idx %arg5[%add3A_1490] : memref<32768xf32, #tpu.memory_space<vmem>>[vector<16xi32>], vector<16xf32>,
    %gt3A_1492 = arith.cmpf ogt, %gather3A_1491, %max3A_1467 : vector<16xf32>
    %max3A_1493 = arith.maximumf %gather3A_1491, %max3A_1467 : vector<16xf32>
    %min3A_1494 = arith.minimumf %gather3A_1491, %max3A_1467 : vector<16xf32>
    %select_n3A_1495 = arith.select %gt3A_1492, %add3A_1490, %select_n3A_1469 : vector<16xi1>, vector<16xi32>
    %select_n3A_1496 = arith.select %gt3A_1492, %select_n3A_1469, %add3A_1490 : vector<16xi1>, vector<16xi32>
    %gt3A_1497 = arith.cmpf ogt, %min3A_1494, %max3A_1472 : vector<16xf32>
    %max3A_1498 = arith.maximumf %min3A_1494, %max3A_1472 : vector<16xf32>
    %min3A_1499 = arith.minimumf %min3A_1494, %max3A_1472 : vector<16xf32>
    %select_n3A_1500 = arith.select %gt3A_1497, %select_n3A_1496, %select_n3A_1474 : vector<16xi1>, vector<16xi32>
    %select_n3A_1501 = arith.select %gt3A_1497, %select_n3A_1474, %select_n3A_1496 : vector<16xi1>, vector<16xi32>
    %gt3A_1502 = arith.cmpf ogt, %min3A_1499, %max3A_1477 : vector<16xf32>
    %max3A_1503 = arith.maximumf %min3A_1499, %max3A_1477 : vector<16xf32>
    %select_n3A_1504 = arith.select %gt3A_1502, %select_n3A_1501, %select_n3A_1478 : vector<16xi1>, vector<16xi32>
    %add3A_1505 = arith.constant 256 : i32
    %add3A_1506 = vector.broadcast %add3A_1505 : i32 to vector<16xi32>
    %add3A_1507 = arith.addi %add3A_1487, %add3A_1506 : vector<16xi32>
    %gather3A_1508 = tpu.vector_load_idx %arg5[%add3A_1507] : memref<32768xf32, #tpu.memory_space<vmem>>[vector<16xi32>], vector<16xf32>,
    %gt3A_1509 = arith.cmpf ogt, %gather3A_1508, %max3A_1493 : vector<16xf32>
    %max3A_1510 = arith.maximumf %gather3A_1508, %max3A_1493 : vector<16xf32>
    %min3A_1511 = arith.minimumf %gather3A_1508, %max3A_1493 : vector<16xf32>
    %select_n3A_1512 = arith.select %gt3A_1509, %add3A_1507, %select_n3A_1495 : vector<16xi1>, vector<16xi32>
    %select_n3A_1513 = arith.select %gt3A_1509, %select_n3A_1495, %add3A_1507 : vector<16xi1>, vector<16xi32>
    %gt3A_1514 = arith.cmpf ogt, %min3A_1511, %max3A_1498 : vector<16xf32>
    %max3A_1515 = arith.maximumf %min3A_1511, %max3A_1498 : vector<16xf32>
    %min3A_1516 = arith.minimumf %min3A_1511, %max3A_1498 : vector<16xf32>
    %select_n3A_1517 = arith.select %gt3A_1514, %select_n3A_1513, %select_n3A_1500 : vector<16xi1>, vector<16xi32>
    %select_n3A_1518 = arith.select %gt3A_1514, %select_n3A_1500, %select_n3A_1513 : vector<16xi1>, vector<16xi32>
    %gt3A_1519 = arith.cmpf ogt, %min3A_1516, %max3A_1503 : vector<16xf32>
    %max3A_1520 = arith.maximumf %min3A_1516, %max3A_1503 : vector<16xf32>
    %select_n3A_1521 = arith.select %gt3A_1519, %select_n3A_1518, %select_n3A_1504 : vector<16xi1>, vector<16xi32>
    %and3A_1522 = arith.constant 15 : i32
    %and3A_1523 = arith.andi %squeeze3A_1368, %and3A_1522 : i32
    %shift_right_arithmetic3A_1524 = arith.constant 4 : i32
    %shift_right_arithmetic3A_1525 = arith.shrsi %squeeze3A_1368, %shift_right_arithmetic3A_1524 : i32
    %mul3A_1526 = arith.constant 512 : i32
    %mul3A_1527 = arith.muli %shift_right_arithmetic3A_1525, %mul3A_1526 : i32
    %add3A_1528 = arith.addi %and3A_1523, %mul3A_1527 : i32
    %add3A_1529 = vector.broadcast %add3A_1528 : i32 to vector<16xi32>
    %add3A_1530 = arith.addi %add3A_1529, %mul3A_3 : vector<16xi32>
    %add3A_1531 = arith.constant 0 : i32
    %add3A_1532 = vector.broadcast %add3A_1531 : i32 to vector<16xi32>
    %add3A_1533 = arith.addi %add3A_1530, %add3A_1532 : vector<16xi32>
    %gather3A_1534 = tpu.vector_load_idx %arg5[%add3A_1533] : memref<32768xf32, #tpu.memory_space<vmem>>[vector<16xi32>], vector<16xf32>,
    %gt3A_1535 = arith.cmpf ogt, %gather3A_1534, %max3A_1510 : vector<16xf32>
    %max3A_1536 = arith.maximumf %gather3A_1534, %max3A_1510 : vector<16xf32>
    %min3A_1537 = arith.minimumf %gather3A_1534, %max3A_1510 : vector<16xf32>
    %select_n3A_1538 = arith.select %gt3A_1535, %add3A_1533, %select_n3A_1512 : vector<16xi1>, vector<16xi32>
    %select_n3A_1539 = arith.select %gt3A_1535, %select_n3A_1512, %add3A_1533 : vector<16xi1>, vector<16xi32>
    %gt3A_1540 = arith.cmpf ogt, %min3A_1537, %max3A_1515 : vector<16xf32>
    %max3A_1541 = arith.maximumf %min3A_1537, %max3A_1515 : vector<16xf32>
    %min3A_1542 = arith.minimumf %min3A_1537, %max3A_1515 : vector<16xf32>
    %select_n3A_1543 = arith.select %gt3A_1540, %select_n3A_1539, %select_n3A_1517 : vector<16xi1>, vector<16xi32>
    %select_n3A_1544 = arith.select %gt3A_1540, %select_n3A_1517, %select_n3A_1539 : vector<16xi1>, vector<16xi32>
    %gt3A_1545 = arith.cmpf ogt, %min3A_1542, %max3A_1520 : vector<16xf32>
    %max3A_1546 = arith.maximumf %min3A_1542, %max3A_1520 : vector<16xf32>
    %select_n3A_1547 = arith.select %gt3A_1545, %select_n3A_1544, %select_n3A_1521 : vector<16xi1>, vector<16xi32>
    %add3A_1548 = arith.constant 256 : i32
    %add3A_1549 = vector.broadcast %add3A_1548 : i32 to vector<16xi32>
    %add3A_1550 = arith.addi %add3A_1530, %add3A_1549 : vector<16xi32>
    %gather3A_1551 = tpu.vector_load_idx %arg5[%add3A_1550] : memref<32768xf32, #tpu.memory_space<vmem>>[vector<16xi32>], vector<16xf32>,
    %gt3A_1552 = arith.cmpf ogt, %gather3A_1551, %max3A_1536 : vector<16xf32>
    %max3A_1553 = arith.maximumf %gather3A_1551, %max3A_1536 : vector<16xf32>
    %min3A_1554 = arith.minimumf %gather3A_1551, %max3A_1536 : vector<16xf32>
    %select_n3A_1555 = arith.select %gt3A_1552, %add3A_1550, %select_n3A_1538 : vector<16xi1>, vector<16xi32>
    %select_n3A_1556 = arith.select %gt3A_1552, %select_n3A_1538, %add3A_1550 : vector<16xi1>, vector<16xi32>
    %gt3A_1557 = arith.cmpf ogt, %min3A_1554, %max3A_1541 : vector<16xf32>
    %max3A_1558 = arith.maximumf %min3A_1554, %max3A_1541 : vector<16xf32>
    %min3A_1559 = arith.minimumf %min3A_1554, %max3A_1541 : vector<16xf32>
    %select_n3A_1560 = arith.select %gt3A_1557, %select_n3A_1556, %select_n3A_1543 : vector<16xi1>, vector<16xi32>
    %select_n3A_1561 = arith.select %gt3A_1557, %select_n3A_1543, %select_n3A_1556 : vector<16xi1>, vector<16xi32>
    %gt3A_1562 = arith.cmpf ogt, %min3A_1559, %max3A_1546 : vector<16xf32>
    %max3A_1563 = arith.maximumf %min3A_1559, %max3A_1546 : vector<16xf32>
    %select_n3A_1564 = arith.select %gt3A_1562, %select_n3A_1561, %select_n3A_1547 : vector<16xi1>, vector<16xi32>
    %broadcast_in_dim3A_1565 = arith.constant 0 : i32
    %broadcast_in_dim3A_1566 = vector.broadcast %broadcast_in_dim3A_1565 : i32 to vector<16xi32>
    %masked_sort3A_1567 = arith.constant dense<true> : vector<16xi1>
    %masked_sort3A_1568, %masked_sort3A_1569, %masked_sort3A_1570 = tpu.sort %max3A_1553, %select_n3A_1555 masked %masked_sort3A_1567 {descending = true} : (vector<16xf32>, vector<16xi32>, vector<16xi1>) -> (vector<16xi1>, vector<16xf32>, vector<16xi32>)
    %slice3A_1571 = vector.extract_strided_slice %masked_sort3A_1569 {offsets = [0], sizes = [1], strides = [1]} : vector<16xf32> to vector<1xf32>
    %squeeze3A_1572 = vector.extract %slice3A_1571[0] : f32 from vector<1xf32>
    %eq3A_1573 = vector.broadcast %squeeze3A_1572 : f32 to vector<16xf32>
    %eq3A_1574 = arith.cmpf oeq, %max3A_1553, %eq3A_1573 : vector<16xf32>
    %jit3A_1575 = arith.constant 2147483647 : i32
    %broadcast_in_dim3A_1576 = vector.broadcast %jit3A_1575 : i32 to vector<16xi32>
    %select_n3A_1577 = arith.select %eq3A_1574, %select_n3A_1555, %broadcast_in_dim3A_1576 : vector<16xi1>, vector<16xi32>
    %masked_sort3A_1578 = arith.constant dense<true> : vector<16xi1>
    %masked_sort3A_1579 = arith.constant -2147483648 : i32
    %masked_sort3A_1580 = vector.broadcast %masked_sort3A_1579 : i32 to vector<16xi32>
    %masked_sort3A_1581 = arith.xori %select_n3A_1577, %masked_sort3A_1580 : vector<16xi32>
    %masked_sort3A_1582, %masked_sort3A_1583, %masked_sort3A_1584 = tpu.sort %masked_sort3A_1581, %select_n3A_1577 masked %masked_sort3A_1578 : (vector<16xi32>, vector<16xi32>, vector<16xi1>) -> (vector<16xi1>, vector<16xi32>, vector<16xi32>)
    %masked_sort3A_1585 = arith.xori %masked_sort3A_1583, %masked_sort3A_1580 : vector<16xi32>
    %slice3A_1586 = vector.extract_strided_slice %masked_sort3A_1585 {offsets = [0], sizes = [1], strides = [1]} : vector<16xi32> to vector<1xi32>
    %squeeze3A_1587 = vector.extract %slice3A_1586[0] : i32 from vector<1xi32>
    %eq3A_1588 = arith.constant 0 : i32
    %eq3A_1589 = vector.broadcast %eq3A_1588 : i32 to vector<16xi32>
    %eq3A_1590 = arith.cmpi eq, %iota3A, %eq3A_1589 : vector<16xi32>
    %broadcast_in_dim3A_1591 = vector.broadcast %squeeze3A_1587 : i32 to vector<16xi32>
    %select_n3A_1592 = arith.select %eq3A_1590, %broadcast_in_dim3A_1591, %broadcast_in_dim3A_1566 : vector<16xi1>, vector<16xi32>
    %eq3A_1593 = vector.broadcast %squeeze3A_1587 : i32 to vector<16xi32>
    %eq3A_1594 = arith.cmpi eq, %select_n3A_1555, %eq3A_1593 : vector<16xi32>
    %eq3A_1595 = vector.broadcast %squeeze3A_1572 : f32 to vector<16xf32>
    %eq3A_1596 = arith.cmpf oeq, %max3A_1553, %eq3A_1595 : vector<16xf32>
    %and3A_1597 = arith.andi %eq3A_1594, %eq3A_1596 : vector<16xi1>
    %select_n3A_1598 = arith.select %and3A_1597, %max3A_1558, %max3A_1553 : vector<16xi1>, vector<16xf32>
    %select_n3A_1599 = arith.select %and3A_1597, %select_n3A_1560, %select_n3A_1555 : vector<16xi1>, vector<16xi32>
    %select_n3A_1600 = arith.select %and3A_1597, %max3A_1563, %max3A_1558 : vector<16xi1>, vector<16xf32>
    %select_n3A_1601 = arith.select %and3A_1597, %select_n3A_1564, %select_n3A_1560 : vector<16xi1>, vector<16xi32>
    %jit3A_1602 = arith.constant 0xFF800000 : f32
    %broadcast_in_dim3A_1603 = vector.broadcast %jit3A_1602 : f32 to vector<16xf32>
    %select_n3A_1604 = arith.select %and3A_1597, %broadcast_in_dim3A_1603, %max3A_1563 : vector<16xi1>, vector<16xf32>
    %masked_sort3A_1605 = arith.constant dense<true> : vector<16xi1>
    %masked_sort3A_1606, %masked_sort3A_1607, %masked_sort3A_1608 = tpu.sort %select_n3A_1598, %select_n3A_1599 masked %masked_sort3A_1605 {descending = true} : (vector<16xf32>, vector<16xi32>, vector<16xi1>) -> (vector<16xi1>, vector<16xf32>, vector<16xi32>)
    %slice3A_1609 = vector.extract_strided_slice %masked_sort3A_1607 {offsets = [0], sizes = [1], strides = [1]} : vector<16xf32> to vector<1xf32>
    %squeeze3A_1610 = vector.extract %slice3A_1609[0] : f32 from vector<1xf32>
    %eq3A_1611 = vector.broadcast %squeeze3A_1610 : f32 to vector<16xf32>
    %eq3A_1612 = arith.cmpf oeq, %select_n3A_1598, %eq3A_1611 : vector<16xf32>
    %jit3A_1613 = arith.constant 2147483647 : i32
    %broadcast_in_dim3A_1614 = vector.broadcast %jit3A_1613 : i32 to vector<16xi32>
    %select_n3A_1615 = arith.select %eq3A_1612, %select_n3A_1599, %broadcast_in_dim3A_1614 : vector<16xi1>, vector<16xi32>
    %masked_sort3A_1616 = arith.constant dense<true> : vector<16xi1>
    %masked_sort3A_1617 = arith.constant -2147483648 : i32
    %masked_sort3A_1618 = vector.broadcast %masked_sort3A_1617 : i32 to vector<16xi32>
    %masked_sort3A_1619 = arith.xori %select_n3A_1615, %masked_sort3A_1618 : vector<16xi32>
    %masked_sort3A_1620, %masked_sort3A_1621, %masked_sort3A_1622 = tpu.sort %masked_sort3A_1619, %select_n3A_1615 masked %masked_sort3A_1616 : (vector<16xi32>, vector<16xi32>, vector<16xi1>) -> (vector<16xi1>, vector<16xi32>, vector<16xi32>)
    %masked_sort3A_1623 = arith.xori %masked_sort3A_1621, %masked_sort3A_1618 : vector<16xi32>
    %slice3A_1624 = vector.extract_strided_slice %masked_sort3A_1623 {offsets = [0], sizes = [1], strides = [1]} : vector<16xi32> to vector<1xi32>
    %squeeze3A_1625 = vector.extract %slice3A_1624[0] : i32 from vector<1xi32>
    %eq3A_1626 = arith.constant 1 : i32
    %eq3A_1627 = vector.broadcast %eq3A_1626 : i32 to vector<16xi32>
    %eq3A_1628 = arith.cmpi eq, %iota3A, %eq3A_1627 : vector<16xi32>
    %broadcast_in_dim3A_1629 = vector.broadcast %squeeze3A_1625 : i32 to vector<16xi32>
    %select_n3A_1630 = arith.select %eq3A_1628, %broadcast_in_dim3A_1629, %select_n3A_1592 : vector<16xi1>, vector<16xi32>
    %eq3A_1631 = vector.broadcast %squeeze3A_1625 : i32 to vector<16xi32>
    %eq3A_1632 = arith.cmpi eq, %select_n3A_1599, %eq3A_1631 : vector<16xi32>
    %eq3A_1633 = vector.broadcast %squeeze3A_1610 : f32 to vector<16xf32>
    %eq3A_1634 = arith.cmpf oeq, %select_n3A_1598, %eq3A_1633 : vector<16xf32>
    %and3A_1635 = arith.andi %eq3A_1632, %eq3A_1634 : vector<16xi1>
    %select_n3A_1636 = arith.select %and3A_1635, %select_n3A_1600, %select_n3A_1598 : vector<16xi1>, vector<16xf32>
    %select_n3A_1637 = arith.select %and3A_1635, %select_n3A_1601, %select_n3A_1599 : vector<16xi1>, vector<16xi32>
    %select_n3A_1638 = arith.select %and3A_1635, %select_n3A_1604, %select_n3A_1600 : vector<16xi1>, vector<16xf32>
    %select_n3A_1639 = arith.select %and3A_1635, %select_n3A_1564, %select_n3A_1601 : vector<16xi1>, vector<16xi32>
    %jit3A_1640 = arith.constant 0xFF800000 : f32
    %broadcast_in_dim3A_1641 = vector.broadcast %jit3A_1640 : f32 to vector<16xf32>
    %select_n3A_1642 = arith.select %and3A_1635, %broadcast_in_dim3A_1641, %select_n3A_1604 : vector<16xi1>, vector<16xf32>
    %masked_sort3A_1643 = arith.constant dense<true> : vector<16xi1>
    %masked_sort3A_1644, %masked_sort3A_1645, %masked_sort3A_1646 = tpu.sort %select_n3A_1636, %select_n3A_1637 masked %masked_sort3A_1643 {descending = true} : (vector<16xf32>, vector<16xi32>, vector<16xi1>) -> (vector<16xi1>, vector<16xf32>, vector<16xi32>)
    %slice3A_1647 = vector.extract_strided_slice %masked_sort3A_1645 {offsets = [0], sizes = [1], strides = [1]} : vector<16xf32> to vector<1xf32>
    %squeeze3A_1648 = vector.extract %slice3A_1647[0] : f32 from vector<1xf32>
    %eq3A_1649 = vector.broadcast %squeeze3A_1648 : f32 to vector<16xf32>
    %eq3A_1650 = arith.cmpf oeq, %select_n3A_1636, %eq3A_1649 : vector<16xf32>
    %jit3A_1651 = arith.constant 2147483647 : i32
    %broadcast_in_dim3A_1652 = vector.broadcast %jit3A_1651 : i32 to vector<16xi32>
    %select_n3A_1653 = arith.select %eq3A_1650, %select_n3A_1637, %broadcast_in_dim3A_1652 : vector<16xi1>, vector<16xi32>
    %masked_sort3A_1654 = arith.constant dense<true> : vector<16xi1>
    %masked_sort3A_1655 = arith.constant -2147483648 : i32
    %masked_sort3A_1656 = vector.broadcast %masked_sort3A_1655 : i32 to vector<16xi32>
    %masked_sort3A_1657 = arith.xori %select_n3A_1653, %masked_sort3A_1656 : vector<16xi32>
    %masked_sort3A_1658, %masked_sort3A_1659, %masked_sort3A_1660 = tpu.sort %masked_sort3A_1657, %select_n3A_1653 masked %masked_sort3A_1654 : (vector<16xi32>, vector<16xi32>, vector<16xi1>) -> (vector<16xi1>, vector<16xi32>, vector<16xi32>)
    %masked_sort3A_1661 = arith.xori %masked_sort3A_1659, %masked_sort3A_1656 : vector<16xi32>
    %slice3A_1662 = vector.extract_strided_slice %masked_sort3A_1661 {offsets = [0], sizes = [1], strides = [1]} : vector<16xi32> to vector<1xi32>
    %squeeze3A_1663 = vector.extract %slice3A_1662[0] : i32 from vector<1xi32>
    %eq3A_1664 = arith.constant 2 : i32
    %eq3A_1665 = vector.broadcast %eq3A_1664 : i32 to vector<16xi32>
    %eq3A_1666 = arith.cmpi eq, %iota3A, %eq3A_1665 : vector<16xi32>
    %broadcast_in_dim3A_1667 = vector.broadcast %squeeze3A_1663 : i32 to vector<16xi32>
    %select_n3A_1668 = arith.select %eq3A_1666, %broadcast_in_dim3A_1667, %select_n3A_1630 : vector<16xi1>, vector<16xi32>
    %eq3A_1669 = vector.broadcast %squeeze3A_1663 : i32 to vector<16xi32>
    %eq3A_1670 = arith.cmpi eq, %select_n3A_1637, %eq3A_1669 : vector<16xi32>
    %eq3A_1671 = vector.broadcast %squeeze3A_1648 : f32 to vector<16xf32>
    %eq3A_1672 = arith.cmpf oeq, %select_n3A_1636, %eq3A_1671 : vector<16xf32>
    %and3A_1673 = arith.andi %eq3A_1670, %eq3A_1672 : vector<16xi1>
    %select_n3A_1674 = arith.select %and3A_1673, %select_n3A_1638, %select_n3A_1636 : vector<16xi1>, vector<16xf32>
    %select_n3A_1675 = arith.select %and3A_1673, %select_n3A_1639, %select_n3A_1637 : vector<16xi1>, vector<16xi32>
    %select_n3A_1676 = arith.select %and3A_1673, %select_n3A_1642, %select_n3A_1638 : vector<16xi1>, vector<16xf32>
    %select_n3A_1677 = arith.select %and3A_1673, %select_n3A_1564, %select_n3A_1639 : vector<16xi1>, vector<16xi32>
    %jit3A_1678 = arith.constant 0xFF800000 : f32
    %broadcast_in_dim3A_1679 = vector.broadcast %jit3A_1678 : f32 to vector<16xf32>
    %select_n3A_1680 = arith.select %and3A_1673, %broadcast_in_dim3A_1679, %select_n3A_1642 : vector<16xi1>, vector<16xf32>
    %swap3A_1681 = arith.constant 48 : index
    %swap3A_1682 = tpu.vector_load %arg6[%swap3A_1681] {strides = array<i32>} : memref<64xi32, #tpu.memory_space<vmem>>, vector<16xi32>,
    tpu.vector_store %arg6[%swap3A_1681], %select_n3A_1668 {strides = array<i32>} : memref<64xi32, #tpu.memory_space<vmem>>, vector<16xi32>,
    %mul3A_1683 = arith.constant 16 : i32
    %mul3A_1684 = arith.muli %mul3A_5, %mul3A_1683 : i32
    "tpu.region"() ({
      %run_scoped3A = tpu.sem_alloc : memref<!tpu.dma_semaphore, #tpu.memory_space<semaphore_mem>>
      %dma_start3A_1685 = tpu.memref_slice %arg3[%mul3A_1684] : memref<2048xi32, #tpu.memory_space<hbm>> -> memref<64xi32, #tpu.memory_space<hbm>>
      %dma_start3A_1686 = tpu.memref_slice %arg3[%mul3A_1684] : memref<2048xi32, #tpu.memory_space<hbm>> -> memref<64xi32, #tpu.memory_space<hbm>>
      tpu.enqueue_dma source(%arg6 : memref<64xi32, #tpu.memory_space<vmem>>) target(%dma_start3A_1686 : memref<64xi32, #tpu.memory_space<hbm>>) target_semaphore(%run_scoped3A : memref<!tpu.dma_semaphore, #tpu.memory_space<semaphore_mem>>)
      %dma_wait3A_1687 = tpu.memref_slice %arg3[%mul3A_1684] : memref<2048xi32, #tpu.memory_space<hbm>> -> memref<64xi32, #tpu.memory_space<hbm>>
      %dma_wait3A_1688 = tpu.memref_slice %arg3[%mul3A_1684] : memref<2048xi32, #tpu.memory_space<hbm>> -> memref<64xi32, #tpu.memory_space<hbm>>
      tpu.wait_dma2 semaphore(%run_scoped3A : memref<!tpu.dma_semaphore, #tpu.memory_space<semaphore_mem>>) src(%arg6 : memref<64xi32, #tpu.memory_space<vmem>>) dst(%dma_wait3A_1688 : memref<64xi32, #tpu.memory_space<hbm>>)
      tpu.yield
    }) : () -> ()
    return
  }
}

</mosaic_0001>

<sc_bundles>
// kernel: kernel.3.cloned.1.call-start
scs
__scs_entry_jumppad:
0x0: {  	(pc) =	sbr.rel $0x88, $3  }
0x1: {  	(tag) =	ssettag $0x0;
	lr =	simm.s32 $0x1  }
0x2: {  	[smem:$0x3FA0] =	sst lr;
	_ =	strace $0xD0000000  }
0x3: {  	_ = 	snop  }
0x4: {  	_ = 	snop  }
0x5: {  	_ = 	snop  }
0x6: {  	_ = 	snop  }
0x7: {  	_ = 	snop  }
__scs_overlays_trampoline_lowered:
0x8: {  	[smem:$0x3FAF] =	sst s0  }
0x9: {  	[smem:$0x3FB0] =	sst s1  }
0xa: {  	[smem:$0x3FB1] =	sst s2  }
0xb: {  	[smem:$0x3FB2] =	sst s3  }
0xc: {  	[smem:$0x3FB3] =	sst s4  }
0xd: {  	[smem:$0x3FB4] =	sst s5  }
0xe: {  	[smem:$0x3FB5] =	sst s6  }
0xf: {  	[smem:$0x3FB6] =	sst s7  }
0x10: {  	[smem:$0x3FB7] =	sst s8  }
0x11: {  	[smem:$0x3FB8] =	sst s9;
	s0 =	simm.s32 @!p0 $0x0  }
0x12: {  	s1 =	sld [smem:$0x3F9E];
	s0 =	simm.s32 @p0 $0x1  }
0x13: {  	[smem:$0x3FB9] =	sst s0;
	s0 =	simm.s32 @!p1 $0x0  }
0x14: {  	s2 =	sld [smem:$0x3F9D];
	s0 =	simm.s32 @p1 $0x1  }
0x15: {  	[smem:$0x3FBA] =	sst s0;
	s0 =	simm.s32 @!p2 $0x0  }
0x16: {  	s3 =	sld [smem:$0x3FDB];
	s0 =	simm.s32 @p2 $0x1  }
0x17: {  	s4 =	simm.s32 $0x1BF5;
	[smem:$0x3FBC] =	sst s0  }
0x18: {  	s0 =	sld [smem:$0x3F9F];
	_ =	swait.ge [sflag:s4], $0x0  }
0x19: {  	s7 =	sld [smem:$0x3FA0]  }
0x1a: {  	s8 =	sadd.s32 $0xFFFFE003, lr  }
0x1b: {  	s9 =	sadd.s32 $0xFFFFFEF7, lr;
	s5 =	simm.s32 $0xFFFFFFFF;
	p2 =	slt.u32 s8, $0xFFFFF086  }
0x1c: {  	p1 =	slt.u32 s9, $0xF7A;
	s5 =	simm.s32 @!p2 $0x0  }
0x1d: {  	s5 =	simm.s32 @p1 $0x1;
	p0 =	seq.s32 s7, s2  }
0x1e: {  	s7 =	smul.u32 @!p0 $0xF7A, s2;
	p2 =	seq.s32 @!p0 s5, $0x0  }
0x1f: {  	s9 =	smul.u32 $0xF7A, s1;
	s8 =	simm.s32 @!p0 $0x1BF5;
	p2 =	por !p2, p0  }
0x20: {  	[sflag:s8] =	ssyncset.s32 @!p0 $0xFFFFF086;
	s6 =	sadd.s32 @!p0 s3, s7;
	s7 =	simm.s32 @!p0 $0x108  }
0x21: {  	s3 =	sadd.s32 s3, s9;
	s6 =	sadd.s32 @!p0 $0x88, s6;
	s7 =	simm.s32 @p2 $0x1082  }
0x22: {  	[simem:s7], [sflag:s8] =	dma.local @!p0 [hbm:s6], $0xF7A  }
0x23: {  	s9 =	sor.u32 $0xD0000000, s2;
	s6 =	simm.s32 $0x108;
	_ =	swait.ge @!p0 [sflag:s8], $0x0  }
0x24: {  	s3 =	sadd.s32 $0x88, s3;
	s6 =	simm.s32 @!p1 $0x1082;
	[sflag:s4] =	ssyncset.s32 $0xFFFFF086  }
0x25: {  	[simem:s6], [sflag:s4] =	dma.local [hbm:s3], $0xF7A  }
0x26: {  	[smem:$0x3FA0] =	sst s1;
	(tag) =	ssettag s2;
	_ =	strace s9  }
0x27: {  	s1 =	sld [smem:$0x3FB0]  }
0x28: {  	s2 =	sld [smem:$0x3FB1]  }
0x29: {  	s4 =	sld [smem:$0x3FB3]  }
0x2a: {  	p0 =	seq.s32 s5, $0x0;
	s5 =	sld [smem:$0x3FB4]  }
0x2b: {  	s6 =	sld [smem:$0x3FB5]  }
0x2c: {  	s7 =	sld [smem:$0x3FB6]  }
0x2d: {  	s3 =	simm.s32 $0x108;
	s8 =	sld [smem:$0x3FB7]  }
0x2e: {  	s3 =	simm.s32 @!p0 $0x1082;
	s9 =	sld [smem:$0x3FB8]  }
0x2f: {  	lr =	sadd.s32 s0, s3;
	s0 =	sld [smem:$0x3FAF]  }
0x30: {  	s3 =	sld [smem:$0x3FB2]  }
0x31: {  	[smem:$0x3FBB] =	sst s10  }
0x32: {  	s10 =	sld [smem:$0x3FB9];
	_ =	sdelay $0x3  }
0x33: {  	p0 =	seq.s32 s10, $0x1;
	s10 =	sld [smem:$0x3FBB];
	_ =	sdelay $0x3  }
0x34: {  	[smem:$0x3FBB] =	sst s10  }
0x35: {  	s10 =	sld [smem:$0x3FBA];
	_ =	sdelay $0x3  }
0x36: {  	p1 =	seq.s32 s10, $0x1;
	s10 =	sld [smem:$0x3FBB];
	_ =	sdelay $0x3  }
0x37: {  	[smem:$0x3FBB] =	sst s10  }
0x38: {  	s10 =	sld [smem:$0x3FBC]  }
0x39: {  	_ = 	snop;
	(pc) =	sbr.ind lr, $3  }
0x3a: {  	_ = 	snop  }
0x3b: {  	_ = 	snop  }
0x3c: {  	p2 =	seq.s32 s10, $0x1;
	s10 =	sld [smem:$0x3FBB]  }
0x3d: {  	_ =	shalt  }
0x3e: {  	_ =	shalt  }
0x3f: {  	_ =	shalt  }
0x40: {  	_ =	shalt  }
0x41: {  	_ =	shalt  }
0x42: {  	_ =	shalt  }
0x43: {  	_ =	shalt  }
0x44: {  	_ =	shalt  }
0x45: {  	_ =	shalt  }
0x46: {  	_ =	shalt  }
0x47: {  	_ =	shalt  }
0x48: {  	_ =	shalt  }
0x49: {  	_ =	shalt  }
0x4a: {  	_ =	shalt  }
0x4b: {  	_ =	shalt  }
0x4c: {  	_ =	shalt  }
0x4d: {  	_ =	shalt  }
0x4e: {  	_ =	shalt  }
0x4f: {  	_ =	shalt  }
0x50: {  	_ =	shalt  }
0x51: {  	_ =	shalt  }
0x52: {  	_ =	shalt  }
0x53: {  	_ =	shalt  }
0x54: {  	_ =	shalt  }
0x55: {  	_ =	shalt  }
0x56: {  	_ =	shalt  }
0x57: {  	_ =	shalt  }
0x58: {  	_ =	shalt  }
0x59: {  	_ =	shalt  }
0x5a: {  	_ =	shalt  }
0x5b: {  	_ =	shalt  }
0x5c: {  	_ =	shalt  }
0x5d: {  	_ =	shalt  }
0x5e: {  	_ =	shalt  }
0x5f: {  	_ =	shalt  }
0x60: {  	_ =	shalt  }
0x61: {  	_ =	shalt  }
0x62: {  	_ =	shalt  }
0x63: {  	_ =	shalt  }
0x64: {  	_ =	shalt  }
0x65: {  	_ =	shalt  }
0x66: {  	_ =	shalt  }
0x67: {  	_ =	shalt  }
0x68: {  	_ =	shalt  }
0x69: {  	_ =	shalt  }
0x6a: {  	_ =	shalt  }
0x6b: {  	_ =	shalt  }
0x6c: {  	_ =	shalt  }
0x6d: {  	_ =	shalt  }
0x6e: {  	_ =	shalt  }
0x6f: {  	_ =	shalt  }
0x70: {  	_ =	shalt  }
0x71: {  	_ =	shalt  }
0x72: {  	_ =	shalt  }
0x73: {  	_ =	shalt  }
0x74: {  	_ =	shalt  }
0x75: {  	_ =	shalt  }
0x76: {  	_ =	shalt  }
0x77: {  	_ =	shalt  }
0x78: {  	_ =	shalt  }
0x79: {  	_ =	shalt  }
0x7a: {  	_ =	shalt  }
0x7b: {  	_ =	shalt  }
0x7c: {  	_ =	shalt  }
0x7d: {  	_ =	shalt  }
0x7e: {  	_ =	shalt  }
0x7f: {  	_ =	shalt  }
0x80: {  	_ =	shalt  }
0x81: {  	_ =	shalt  }
0x82: {  	_ =	shalt  }
0x83: {  	_ =	shalt  }
0x84: {  	_ =	shalt  }
0x85: {  	_ =	shalt  }
0x86: {  	_ =	shalt  }
0x87: {  	_ =	shalt  }
.Lfunc_end0:
.L_simem_size_0:
called_computation_lowered:
.L_overlay_start_0:
0x88: {  	s2 =	sld [smem:$0x3FD9]  }
0x89: {  	s3 =	sld [smem:$0x3FFE];
	_ =	sdelay $0x1  }
0x8a: {  	s1 =	srdreg.scid  }
0x8b: {  	s0 =	sand.u32 $0x1, s1  }
0x8c: {  	s17 =	sshll.u32 s0, $0xA;
	s2 =	sadd.s32 s3, s2  }
0x8d: {  	s2 =	sadd.s32 s2, s17  }
0x8e: {  	[smem:$0x3FC7] =	sst s2  }
0x8f: {  	_ = 	snop  }
0x90: {  	s2 =	sld [smem:$0x3FC9];
	(tm) =	ssettm $0x1  }
0x91: {  	s18 =	sld [smem:$0x3FFB];
	_ =	sdelay $0x3  }
0x92: {  	_ =	strace s18  }
0x93: {  	s3 =	sld [smem:$0x3FFC];
	_ =	sdelay $0x3  }
0x94: {  	_ =	strace s3  }
0x95: {  	s3 =	sld [smem:$0x3FFD];
	_ =	sdelay $0x3  }
0x96: {  	_ =	strace s3  }
0x97: {  	_ =	strace $0x8FFFFFFF  }
0x98: {  	s19 =	sld [smem:$0x3FDB];
	_ =	sdelay $0x1  }
0x99: {  	s4 =	simm.s32 $_scs_section_size  }
0x9a: {  	s5 =	simm.s32 $_size__tile_overlayer_lowered;
	s6 =	simm.s32 $_tile_overlayer_lowered  }
0x9b: {  	s22 =	simm.s32 $0x1BFF;
	s21 =	sshll.u32 s6, $0x1;
	s3 =	sadd.s32 s4, s19  }
0x9c: {  	s7 =	simm.s32 $0x0;
	s20 =	sshll.u32 s5, $0x1;
	s5 =	sadd.s32 s21, s3  }
0x9d: {  	[timem:s7], [sflag:s22] =	dma.local [hbm:s5], s20  }
0x9e: {  	_ =	swait.ge [sflag:s22], s20  }
0x9f: {  	s4 =	ssub.s32 $0x0, s20;
	[sflag:s22] =	ssyncset.done $0x0  }
0xa0: {  	[sflag:s22] =	ssyncadd.s32 s4;
	_ =	sdelay $0x1  }
0xa1: {  	s23 =	simm.s32 $0x1B8B  }
0xa2: {  	_ =	swait.ge [sflag:s23], $0x1  }
0xa3: {  	[sflag:s23] =	ssyncset.done $0x0  }
0xa4: {  	s25 =	simm.s32 $0x1B8E;
	s24 =	sld [smem:$0x3FFE];
	[sflag:s23] =	ssyncadd.s32 $0xFFFFFFFF  }
0xa5: {  	s26 =	simm.s32 $execute0_lowered;
	[smem:$0x3FD2] =	sst s25  }
0xa6: {  	s5 =	sshll.u32 s26, $0x1;
	_ =	strace $0x80000046;
	[dreg:$0x1] =	wrdreg $0xFFFFFFFF  }
0xa7: {  	s28 =	simm.s32 $_size_execute0_lowered;
	s3 =	sadd.s32 s3, s5;
	[dreg:$0x0] =	wrdreg $0x0  }
0xa8: {  	s5 =	sshll.u32 s28, $0x1;
	[dreg:$0x2] =	wrdreg s3  }
0xa9: {  	[dreg:$0x3] =	wrdreg s5  }
0xaa: {  	[dreg:$0x4] =	wrdreg $0xC0  }
0xab: {  	_ =	task [dreg:s7], $0x5FFFF  }
0xac: {  	[dreg:$0x1] =	wrdreg $0xFFFFFFFF  }
0xad: {  	[dreg:$0x0] =	wrdreg $0x60  }
0xae: {  	[dreg:$0x2] =	wrdreg s2  }
0xaf: {  	[dreg:$0x3] =	wrdreg s24  }
0xb0: {  	[dreg:$0x4] =	wrdreg $0x9  }
0xb1: {  	_ =	task.clear_ibuf [dreg:s7], $0x5FFFF;
	_ =	strace $0x90000046  }
0xb2: {  	s29 =	simm.s32 $0x9;
	_ =	strace $0x80000048  }
0xb3: {  	_ =	swait.ge [sflag:s29], $0x1  }
0xb4: {  	[sflag:s29] =	ssyncadd.s32 $0xFFFFFFFF  }
0xb5: {  	_ =	strace $0x90000048  }
0xb6: {  	_ =	sfence  }
0xb7: {  	s30 =	sld [smem:$0x0];
	_ =	sdelay $0x2  }
0xb8: {  	s31 =	sshll.u32 s1, $0xD;
	s1 =	sshrl.u32 s1, $0x2  }
0xb9: {  	s3 =	sand.u32 $0x4000, s31;
	s1 =	sadd.s32 s1, s30  }
0xba: {  	s0 =	sor.u32 s3, s0;
	s1 =	sshll.u32 s1, $0x11  }
0xbb: {  	s0 =	sor.u32 s1, s0  }
0xbc: {  	s0 =	sadd.s32 $0x8F2B, s0  }
0xbd: {  	[sflag:s0] =	ssyncadd.remote.s32 $0x1  }
0xbe: {  	_ =	sfence.sel $0xFFFF  }
0xbf: {  	[dreg:$0x0] =	wrdreg $0xFFFFFFFF;
	(pc) =	sbr.abs _section_cstart, $3  }
0xc0: {  	[dreg:$0x1] =	wrdreg $0xFFFFFFFF  }
0xc1: {  	_ =	task.clear_ibuf [dreg:s7], $0x2FFFF;
	_ =	strace $0x9FFFFFFF  }
0xc2: {  	(tm) =	ssettm $0x7FFFFFFF  }
0xc3: {  	_ =	shalt  }
tec
execute0_lowered:
.L_overlay_start_1:
0x0: {  	(tag) =	ssettag $0x1  }
0x1: {  	s4 =	rddreg [dreg:$0x0]  }
0x2: {  	s3 =	rddreg [dreg:$0x1]  }
0x3: {  	s0 =	rddreg [dreg:$0x2];
	s2 =	simm.s32 $0x0;
	s5 =	srdreg.scid  }
0x4: {  	s1 =	stileid.u32;
	s11 =	simm.s32 $0x400;
	s12 =	simm.s32 $0x4000  }
0x5: {  	s13 =	simm.s32 $0x8000;
	s14 =	simm.s32 $0x1;
	s15 =	simm.s32 $0x3  }
0x6: {  	s16 =	simm.s32 $0x2;
	s17 =	simm.s32 $0x10000;
	s18 =	simm.s32 $0x4  }
0x7: {  	[smem:$0x7FF] =	sst s2;
	s5 =	sand.u32 $0x1, s5;
	s6 =	sshll.u32 s1, $0x1  }
0x8: {  	s19 =	simm.s32 $0x0;
	_ =	strace $0x80000047;
	s6 =	sor.u32 s5, s6  }
0x9: {  	s8 =	sshll.u32 s5, $0x9;
	s5 =	ssub.s32 $0x2, s5;
	s7 =	sshll.u32 s6, $0x3  }
0xa: {  	s6 =	sshll.u32 s6, $0x11;
	s31 =	sshrl.u32 s5, $0x1;
	s9 =	sadd.s32 s7, s3  }
0xb: {  	s30 =	sand.u32 $0x3C0000, s6;
	s6 =	sor.u32 s8, s6;
	s10 =	ssub.s32 s5, s31  }
0xc: {  	v0 =	vlaneseq.u32;
	s3 =	sor.u32 s8, s30;
	s6 =	sshrl.u32 s6, $0x3;
	s8 =	sadd.s32 $0x400, s9  }
0xd: {  	v1 =	vmul.u32 $0x10, v0;
	s9 =	smax.u32 s10, $0x1;
	s3 =	sshrl.u32 s3, $0x3;
	s6 =	sor.u32 $0x4000, s6  }
0xe: {  	s10 =	simm.s32 $0x80;
	s3 =	sadd.s32 s4, s3;
	s4 =	sadd.s32 s4, s6  }
0xf: {  	vm0 =	vcmask $0x300;
	vm1 =	vcmask $0x704;
	v2 =	vor.u32 $0x100, v1;
	s5 =	sadd.s32 $0x10, s3;
	s6 =	sadd.s32 $0x20, s3;
	s7 =	sadd.s32 $0x30, s3  }
.LBB2_1:
0x10: {  	[tilespmem:s2], [sflag:$0x1] =	stream.strided.gather [hbm4b:s3+s10], $0x4000, s11, s10, $0x38;
	[tilespmem:$0x10080] =	vst v63  }
0x11: {  	_ = 	snop  }
0x12: {  	[tilespmem:s12], [sflag:$0x3] =	stream.strided.gather [hbm4b:s4+s10], $0x4000, s11, s10, $0x38;
	[tilespmem:$0x10080] =	vst v63  }
0x13: {  	_ = 	snop  }
0x14: {  	[tilespmem:s13], [sflag:$0x2] =	stream.strided.gather [hbm4b:s5+s10], $0x8000, s11, s10, $0x38;
	[tilespmem:$0x10080] =	vst v63  }
0x15: {  	_ =	swait.ge [sflag:s14], $0x4000  }
0x16: {  	[sflag:s14] =	ssyncset.done $0x0  }
0x17: {  	s21 =	simm.s32 $0x100;
	[sflag:s14] =	ssyncadd.s32 $0xFFFFC000  }
0x18: {  	v5 =	vld [tilespmem:s21+$0x40]  }
0x19: {  	v6 =	vld [tilespmem:s21+$0xFFFFFF00]  }
0x1a: {  	v7 =	vld [tilespmem:s21+$0xFFFFFF10]  }
0x1b: {  	v3 =	vld [tilespmem:s21+$0xFFFFFF20]  }
0x1c: {  	v8 =	vld [tilespmem:s21+$0xFFFFFF30]  }
0x1d: {  	v4 =	vld [tilespmem:s21+$0xFFFFFF40]  }
0x1e: {  	v9 =	vld [tilespmem:s21+$0xFFFFFF50]  }
0x1f: {  	v10 =	vld [tilespmem:s21+$0xFFFFFF60]  }
0x20: {  	v11 =	vld [tilespmem:s21+$0xFFFFFF70]  }
0x21: {  	v12 =	vld [tilespmem:s21+$0xFFFFFFF0]  }
0x22: {  	v13 =	vld [tilespmem:s21+$0xFFFFFFE0]  }
0x23: {  	v15 =	vld [tilespmem:s21+$0xFFFFFF80]  }
0x24: {  	v16 =	vld [tilespmem:s21+$0xFFFFFFA0]  }
0x25: {  	v17 =	vld [tilespmem:s21+$0xFFFFFFB0]  }
0x26: {  	v18 =	vld [tilespmem:s21+$0xFFFFFFC0]  }
0x27: {  	v19 =	vld [tilespmem:s21+$0xFFFFFFD0]  }
0x28: {  	v20 =	vld [tilespmem:s21+$0x70]  }
0x29: {  	v21 =	vld [tilespmem:s21+$0xFFFFFF90]  }
0x2a: {  	v22 =	vld [tilespmem:s21+$0x60]  }
0x2b: {  	v24 =	vld [tilespmem:s21+$0x0]  }
0x2c: {  	v23 =	vld [tilespmem:s21+$0x20]  }
0x2d: {  	v25 =	vld [tilespmem:s21+$0x30]  }
0x2e: {  	v26 =	vld [tilespmem:s21+$0x50]  }
0x2f: {  	v14 =	vmax.f32 v13, v12;
	v10 =	vmax.f32 v10, v11;
	v11 =	vld [tilespmem:s21+$0x10]  }
0x30: {  	v12 =	vmax.f32 v16, v17;
	v9 =	vmax.f32 v4, v9;
	v16 =	vmax.f32 v18, v19;
	v13 =	vld [tilespmem:s21+$0xF0]  }
0x31: {  	v4 =	vimm.f32 $-Inf;
	v18 =	vmax.f32 v3, v8;
	v15 =	vmax.f32 v15, v21;
	v19 =	vld [tilespmem:s21+$0xE0]  }
0x32: {  	v3 =	vimm.s32 $0x0;
	v6 =	vmax.f32 v6, v7;
	v8 =	vld [tilespmem:s21+$0x80];
	v7 =	vmax.f32 v22, v20  }
0x33: {  	v21 =	vld [tilespmem:s21+$0xD0];
	v5 =	vmax.f32 v5, v26;
	v17 =	vmax.f32 v15, v12;
	v6 =	vmax.f32 v6, v18  }
0x34: {  	v9 =	vmax.f32 v9, v10;
	v10 =	vmax.f32 v23, v25;
	v23 =	vld [tilespmem:s21+$0xC0];
	v5 =	vmax.f32 v5, v7  }
0x35: {  	v22 =	vld [tilespmem:s21+$0xB0];
	v7 =	vimm.f32 $-Inf;
	v18 =	vmax.f32 v6, v9;
	v11 =	vmax.f32 v24, v11  }
0x36: {  	v25 =	vld [tilespmem:s21+$0x90];
	v20 =	vmax.f32 v19, v13;
	v6 =	vmax.f32 v11, v10;
	v10 =	vimm.s32 $0x0  }
0x37: {  	s20 =	simm.s32 $0x10;
	s22 =	simm.s32 $0x300;
	v24 =	vld [tilespmem:s21+$0xA0];
	s21 =	simm.s32 $0x0;
	v11 =	vimm.f32 $-Inf;
	v19 =	vmax.f32 v6, v5;
	v6 =	vimm.s32 $0x0  }
.LBB2_2:
0x38: {  	v5 =	vld [tilespmem:s22+$0x40];
	p0 =	sne.s32 s20, $0x1F0;
	s23 =	smov.u32 s20;
	s20 =	sadd.s32 $0x10, s20  }
0x39: {  	v9 =	vld [tilespmem:s22+$0x80];
	v12 =	vmax.f32 v23, v21  }
0x3a: {  	v13 =	vld [tilespmem:s22+$0xFFFFFF00]  }
0x3b: {  	v15 =	vld [tilespmem:s22+$0xFFFFFF10]  }
0x3c: {  	v22 =	vmax.f32 v24, v22;
	v21 =	vld [tilespmem:s22+$0xFFFFFF20];
	v25 =	vmax.f32 v8, v25  }
0x3d: {  	v23 =	vld [tilespmem:s22+$0xFFFFFF30];
	v22 =	vmax.f32 v25, v22  }
0x3e: {  	v24 =	vld [tilespmem:s22+$0xFFFFFF40];
	v8 =	vmov v9  }
0x3f: {  	v9 =	vld [tilespmem:s22+$0xFFFFFF50]  }
0x40: {  	v14 =	vmax.f32 v16, v14;
	v12 =	vmax.f32 v12, v20;
	v25 =	vld [tilespmem:s22+$0xFFFFFF60]  }
0x41: {  	v14 =	vmax.f32 v17, v14;
	v12 =	vmax.f32 v22, v12;
	v16 =	vld [tilespmem:s22+$0xFFFFFF70]  }
0x42: {  	v14 =	vmax.f32 v18, v14;
	v12 =	vmax.f32 v19, v12;
	v17 =	vld [tilespmem:s22+$0xFFFFFFF0]  }
0x43: {  	v12 =	vmax.f32 v14, v12;
	v14 =	vor.u32 s21, v0;
	s21 =	smov.u32 s23;
	v18 =	vld [tilespmem:s22+$0xFFFFFFE0]  }
0x44: {  	vm2 =	vgt.f32 v12, v4;
	v20 =	vmin.f32 v12, v4;
	v4 =	vmax.f32 v12, v4;
	v19 =	vld [tilespmem:s22+$0xFFFFFF80]  }
0x45: {  	v22 =	vsel vm2, v3, v14;
	vm3 =	vgt.f32 v20, v7;
	v26 =	vmin.f32 v20, v7;
	v12 =	vld [tilespmem:s22+$0xFFFFFFA0]  }
0x46: {  	v28 =	vsel vm3, v10, v22;
	v10 =	vsel vm3, v22, v10;
	vm3 =	vgt.f32 v26, v11;
	v27 =	vld [tilespmem:s22+$0xFFFFFFB0]  }
0x47: {  	v3 =	vsel vm2, v14, v3;
	v11 =	vmax.f32 v26, v11;
	v6 =	vsel vm3, v28, v6;
	v22 =	vld [tilespmem:s22+$0xFFFFFFC0]  }
0x48: {  	v7 =	vmax.f32 v20, v7;
	v26 =	vld [tilespmem:s22+$0xFFFFFFD0];
	v14 =	vmax.f32 v18, v17  }
0x49: {  	v17 =	vld [tilespmem:s22+$0x70]  }
0x4a: {  	v18 =	vld [tilespmem:s22+$0xFFFFFF90]  }
0x4b: {  	v25 =	vmax.f32 v25, v16;
	v20 =	vld [tilespmem:s22+$0x60];
	v12 =	vmax.f32 v12, v27  }
0x4c: {  	v27 =	vld [tilespmem:s22+$0x0]  }
0x4d: {  	v9 =	vmax.f32 v24, v9;
	v28 =	vld [tilespmem:s22+$0x20];
	v16 =	vmax.f32 v22, v26  }
0x4e: {  	v22 =	vld [tilespmem:s22+$0x30]  }
0x4f: {  	v21 =	vmax.f32 v21, v23;
	v24 =	vld [tilespmem:s22+$0x50];
	v18 =	vmax.f32 v19, v18  }
0x50: {  	v13 =	vmax.f32 v13, v15;
	v19 =	vld [tilespmem:s22+$0x10];
	v15 =	vmax.f32 v20, v17;
	v17 =	vmax.f32 v18, v12  }
0x51: {  	v13 =	vmax.f32 v13, v21;
	v9 =	vmax.f32 v9, v25;
	v12 =	vld [tilespmem:s22+$0xF0]  }
0x52: {  	v18 =	vmax.f32 v13, v9;
	v20 =	vld [tilespmem:s22+$0xE0]  }
.Ltmp0:
0x53: {  	v21 =	vld [tilespmem:s22+$0xD0];
	v9 =	vmax.f32 v28, v22;
	(pc) =	sbr.rel @p0 .LBB2_2-.Ltmp0, $4  }
0x54: {  	v23 =	vld [tilespmem:s22+$0xC0];
	v5 =	vmax.f32 v5, v24  }
0x55: {  	v22 =	vld [tilespmem:s22+$0xB0];
	v13 =	vmax.f32 v27, v19;
	v5 =	vmax.f32 v5, v15  }
0x56: {  	v24 =	vld [tilespmem:s22+$0xA0];
	v9 =	vmax.f32 v13, v9  }
0x57: {  	v25 =	vld [tilespmem:s22+$0x90];
	v20 =	vmax.f32 v20, v12;
	v19 =	vmax.f32 v9, v5;
	s22 =	sadd.s32 $0x200, s22  }
0x58: {  	_ =	swait.ge [sflag:s15], $0x4000  }
0x59: {  	[sflag:s15] =	ssyncset.done $0x0  }
0x5a: {  	s20 =	simm.s32 $0x0;
	[sflag:s15] =	ssyncadd.s32 $0xFFFFC000  }
0x5b: {  	v27 =	vld [tilespmem:s20+$0x41F0]  }
0x5c: {  	v28 =	vld [tilespmem:s20+$0x41E0]  }
0x5d: {  	v5 =	vld [tilespmem:s20+$0x41C0]  }
0x5e: {  	v9 =	vld [tilespmem:s20+$0x41B0]  }
0x5f: {  	v12 =	vld [tilespmem:s20+$0x41A0]  }
0x60: {  	v29 =	vld [tilespmem:s20+$0x4190]  }
0x61: {  	v30 =	vld [tilespmem:s20+$0x4180]  }
0x62: {  	v31 =	vld [tilespmem:s20+$0x4170]  }
0x63: {  	v13 =	vld [tilespmem:s20+$0x41D0]  }
0x64: {  	v32 =	vld [tilespmem:s20+$0x4160]  }
0x65: {  	v33 =	vld [tilespmem:s20+$0x4150]  }
0x66: {  	v34 =	vld [tilespmem:s20+$0x4140]  }
0x67: {  	v35 =	vld [tilespmem:s20+$0x4130]  }
0x68: {  	v36 =	vld [tilespmem:s20+$0x4120]  }
0x69: {  	v37 =	vld [tilespmem:s20+$0x4110]  }
0x6a: {  	v38 =	vld [tilespmem:s20+$0x4100]  }
0x6b: {  	v15 =	vld [tilespmem:s20+$0x40A0]  }
0x6c: {  	v39 =	vld [tilespmem:s20+$0x4090]  }
0x6d: {  	v21 =	vmax.f32 v23, v21;
	v22 =	vmax.f32 v24, v22;
	v24 =	vld [tilespmem:s20+$0x40F0];
	v8 =	vmax.f32 v8, v25  }
0x6e: {  	v14 =	vmax.f32 v16, v14;
	v16 =	vmax.f32 v21, v20;
	v20 =	vld [tilespmem:s20+$0x40E0];
	v8 =	vmax.f32 v8, v22  }
0x6f: {  	v14 =	vmax.f32 v17, v14;
	v40 =	vld [tilespmem:s20+$0x4080];
	v8 =	vmax.f32 v8, v16  }
0x70: {  	v14 =	vmax.f32 v18, v14;
	v26 =	vld [tilespmem:s20+$0x4060];
	v8 =	vmax.f32 v19, v8  }
0x71: {  	v25 =	vld [tilespmem:s20+$0x40C0];
	v8 =	vmax.f32 v14, v8  }
0x72: {  	v17 =	vor.u32 s21, v0;
	v22 =	vld [tilespmem:s20+$0x40D0];
	v29 =	vmax.f32 v30, v29;
	vm2 =	vgt.f32 v8, v4  }
0x73: {  	v16 =	vld [tilespmem:s20+$0x4050];
	v18 =	vmin.f32 v8, v4;
	v8 =	vmax.f32 v8, v4;
	v14 =	vsel vm2, v3, v17  }
0x74: {  	v19 =	vld [tilespmem:s20+$0x4070];
	vm3 =	vgt.f32 v18, v7;
	v23 =	vmin.f32 v18, v7;
	v7 =	vmax.f32 v18, v7  }
0x75: {  	v18 =	vmax.f32 v36, v35;
	v4 =	vsel vm3, v14, v10;
	v21 =	vsel vm3, v10, v14;
	v14 =	vld [tilespmem:s20+$0x4010]  }
0x76: {  	v10 =	vsel vm2, v17, v3;
	vm2 =	vgt.f32 v23, v11;
	v3 =	vmax.f32 v23, v11;
	v23 =	vld [tilespmem:s20+$0x4030]  }
0x77: {  	v11 =	vmax.f32 v28, v27;
	v28 =	vmax.f32 v34, v33;
	v27 =	vld [tilespmem:s20+$0x4040];
	v17 =	vmax.f32 v20, v24  }
0x78: {  	v20 =	vmax.f32 v25, v22;
	v22 =	vmax.f32 v32, v31;
	v25 =	vld [tilespmem:s20+$0x40B0];
	v24 =	vmax.f32 v40, v39  }
0x79: {  	s22 =	simm.s32 $0x200;
	s24 =	simm.s32 $0x800;
	s21 =	simm.s32 $0x200;
	v6 =	vsel vm2, v21, v6;
	v21 =	vmax.f32 v38, v37;
	v22 =	vmax.f32 v28, v22;
	v28 =	vld [tilespmem:s20+$0x4020]  }
.LBB2_4:
0x7a: {  	s23 =	smov.u32 s24  }
0x7b: {  	v30 =	vld [tilespmem:s20+$0x4000];
	s20 =	sshra.s32 s24, $0x2;
	s22 =	sadd.s32 $0x10, s22;
	s23 =	sadd.s32 $0x800, s24  }
0x7c: {  	p0 =	sne.s32 s24, $0xF800;
	v19 =	vmax.f32 v26, v19;
	v9 =	vmax.f32 v12, v9;
	v31 =	vld [tilespmem:s20+$0x41F0]  }
0x7d: {  	v12 =	vmax.f32 v5, v13;
	v13 =	vmax.f32 v29, v9;
	v26 =	vld [tilespmem:s20+$0x41E0]  }
0x7e: {  	v18 =	vmax.f32 v21, v18;
	v11 =	vmax.f32 v12, v11;
	v16 =	vmax.f32 v27, v16;
	v5 =	vld [tilespmem:s20+$0x41C0]  }
0x7f: {  	v13 =	vmax.f32 v13, v11;
	v15 =	vmax.f32 v15, v25;
	v21 =	vmax.f32 v28, v23;
	v9 =	vld [tilespmem:s20+$0x41B0]  }
0x80: {  	v11 =	vmax.f32 v30, v14;
	v14 =	vmax.f32 v24, v15;
	v15 =	vmax.f32 v20, v17;
	v12 =	vld [tilespmem:s20+$0x41A0]  }
0x81: {  	v17 =	vmax.f32 v11, v21;
	v14 =	vmax.f32 v14, v15;
	v15 =	vmax.f32 v18, v22;
	v29 =	vld [tilespmem:s20+$0x4190]  }
0x82: {  	v16 =	vmax.f32 v16, v19;
	v15 =	vmax.f32 v15, v13;
	v30 =	vld [tilespmem:s20+$0x4180];
	v11 =	vmax.f32 v26, v31  }
0x83: {  	v16 =	vmax.f32 v17, v16;
	v22 =	vld [tilespmem:s20+$0x4170]  }
0x84: {  	v14 =	vmax.f32 v16, v14;
	v13 =	vld [tilespmem:s20+$0x41D0]  }
0x85: {  	v14 =	vmax.f32 v14, v15;
	v15 =	vor.u32 s21, v0;
	s21 =	smov.u32 s22;
	v24 =	vld [tilespmem:s20+$0x4160]  }
0x86: {  	vm2 =	vgt.f32 v14, v8;
	v17 =	vmin.f32 v14, v8;
	v8 =	vmax.f32 v14, v8;
	v16 =	vld [tilespmem:s20+$0x4150]  }
0x87: {  	v18 =	vsel vm2, v10, v15;
	vm3 =	vgt.f32 v17, v7;
	v19 =	vmin.f32 v17, v7;
	v14 =	vld [tilespmem:s20+$0x4140]  }
0x88: {  	v21 =	vsel vm3, v4, v18;
	v4 =	vsel vm3, v18, v4;
	vm3 =	vgt.f32 v19, v3;
	v20 =	vld [tilespmem:s20+$0x4130]  }
0x89: {  	v10 =	vsel vm2, v15, v10;
	v3 =	vmax.f32 v19, v3;
	v6 =	vsel vm3, v21, v6;
	v18 =	vld [tilespmem:s20+$0x4120]  }
0x8a: {  	v7 =	vmax.f32 v17, v7;
	v19 =	vld [tilespmem:s20+$0x4110]  }
0x8b: {  	v17 =	vld [tilespmem:s20+$0x4100]  }
0x8c: {  	v15 =	vld [tilespmem:s20+$0x40A0];
	v28 =	vmax.f32 v14, v16  }
0x8d: {  	v31 =	vld [tilespmem:s20+$0x4090]  }
0x8e: {  	v14 =	vld [tilespmem:s20+$0x40F0];
	v18 =	vmax.f32 v18, v20  }
0x8f: {  	v20 =	vld [tilespmem:s20+$0x40E0]  }
0x90: {  	v23 =	vld [tilespmem:s20+$0x40D0];
	v21 =	vmax.f32 v17, v19  }
0x91: {  	v25 =	vld [tilespmem:s20+$0x40C0]  }
0x92: {  	v19 =	vld [tilespmem:s20+$0x4070]  }
0x93: {  	v16 =	vld [tilespmem:s20+$0x4050]  }
0x94: {  	v32 =	vld [tilespmem:s20+$0x4080];
	v17 =	vmax.f32 v20, v14  }
0x95: {  	v14 =	vld [tilespmem:s20+$0x4010]  }
.Ltmp1:
0x96: {  	v26 =	vld [tilespmem:s20+$0x4060];
	v20 =	vmax.f32 v25, v23;
	(pc) =	sbr.rel @p0 .LBB2_4-.Ltmp1, $4  }
0x97: {  	v23 =	vld [tilespmem:s20+$0x4030]  }
0x98: {  	v22 =	vmax.f32 v24, v22;
	v27 =	vld [tilespmem:s20+$0x4040]  }
0x99: {  	v22 =	vmax.f32 v28, v22;
	v25 =	vld [tilespmem:s20+$0x40B0];
	v24 =	vmax.f32 v32, v31  }
0x9a: {  	s24 =	smov.u32 s23;
	v29 =	vmax.f32 v30, v29;
	v28 =	vld [tilespmem:s20+$0x4020]  }
0x9b: {  	v30 =	vld [tilespmem:s20+$0x4000];
	_ =	sdelay $0x1  }
0x9c: {  	v19 =	vmax.f32 v26, v19;
	v9 =	vmax.f32 v12, v9;
	v5 =	vmax.f32 v5, v13  }
0x9d: {  	v13 =	vmax.f32 v21, v18;
	v9 =	vmax.f32 v29, v9;
	v5 =	vmax.f32 v5, v11  }
0x9e: {  	v12 =	vmax.f32 v27, v16;
	v5 =	vmax.f32 v9, v5;
	v15 =	vmax.f32 v15, v25  }
0x9f: {  	v11 =	vmax.f32 v28, v23;
	v9 =	vmax.f32 v30, v14;
	v14 =	vmax.f32 v24, v15  }
0xa0: {  	v15 =	vmax.f32 v20, v17;
	v9 =	vmax.f32 v9, v11;
	v11 =	vmax.f32 v12, v19  }
0xa1: {  	v13 =	vmax.f32 v13, v22;
	v12 =	vmax.f32 v14, v15;
	v9 =	vmax.f32 v9, v11  }
0xa2: {  	v5 =	vmax.f32 v13, v5;
	v9 =	vmax.f32 v9, v12  }
0xa3: {  	v5 =	vmax.f32 v9, v5  }
0xa4: {  	v9 =	vor.u32 s21, v0;
	vm2 =	vgt.f32 v5, v8  }
0xa5: {  	v11 =	vmax.f32 v5, v8;
	v12 =	vsel vm2, v9, v10  }
0xa6: {  	(xrf1) =	vsort.dscd.msk.f32 $0xffff, v11, v12;
	_ =	sdelay $0xd  }
0xa7: {  	v13, v14, _ =	vpop (xrf1)  }
0xa8: {  	v15 =	vbroadcast v14, $0x0;
	v13 =	vbroadcast v13, $0x0  }
0xa9: {  	v5 =	vmin.f32 v5, v8;
	v8 =	vsel vm2, v10, v9  }
0xaa: {  	vm2 =	vgt.f32 v5, v7;
	vm3 =	veq.s32 v12, v15;
	vm4 =	veq.f32 v11, v13  }
0xab: {  	v10 =	vmax.f32 v5, v7;
	v9 =	vsel vm2, v8, v4;
	vm3 =	vmand vm3, vm4  }
0xac: {  	v11 =	vsel vm3, v10, v11;
	v12 =	vsel vm3, v9, v12  }
0xad: {  	(xrf1) =	vsort.dscd.msk.f32 $0xffff, v11, v12;
	_ =	sdelay $0xd  }
0xae: {  	v13, v15, _ =	vpop (xrf1)  }
0xaf: {  	v5 =	vmin.f32 v5, v7;
	v7 =	vbroadcast v15, $0x0;
	v13 =	vbroadcast v13, $0x0  }
0xb0: {  	v4 =	vsel vm2, v4, v8;
	vm2 =	vgt.f32 v5, v3;
	v3 =	vmax.f32 v5, v3  }
0xb1: {  	v4 =	vsel vm2, v4, v6;
	vm2 =	veq.s32 v12, v7;
	vm13 =	veq.f32 v11, v13  }
0xb2: {  	v5 =	vsel vm3, v3, v10;
	v6 =	vsel vm3, v4, v9;
	vm2 =	vmand vm2, vm13  }
0xb3: {  	v7 =	vsel vm2, v5, v11;
	v8 =	vsel vm2, v6, v12  }
0xb4: {  	(xrf1) =	vsort.dscd.msk.f32 $0xffff, v7, v8;
	_ =	sdelay $0xd  }
0xb5: {  	v9, v10, _ =	vpop (xrf1)  }
0xb6: {  	v11 =	vbroadcast v10, $0x0;
	v9 =	vbroadcast v9, $0x0;
	_ =	sdelay $0x1  }
0xb7: {  	v3 =	vsel vm3, $0xFF800000, v3;
	vm3 =	veq.s32 v8, v11;
	vm14 =	veq.f32 v7, v9  }
0xb8: {  	v3 =	vsel vm2, v3, v5;
	v4 =	vsel vm2, v4, v6;
	vm2 =	vmand vm3, vm14  }
0xb9: {  	v3 =	vsel vm2, v3, v7;
	v4 =	vsel vm2, v4, v8  }
0xba: {  	(xrf1) =	vsort.dscd.msk.f32 $0xffff, v3, v4;
	_ =	sdelay $0x7  }
0xbb: {  	(v2sf) =	vpush v14, $0x0;
	_ =	sdelay $0x2  }
0xbc: {  	(v2sf) =	vpush v15, $0x0;
	_ =	sdelay $0x1  }
0xbd: {  	(v2sf) =	vpush v10, $0x0  }
0xbe: {  	_, v3, _ =	vpop (xrf1)  }
0xbf: {  	(v2sf) =	vpush v3, $0x0;
	_ =	sdelay $0x7  }
0xc0: {  	s26 =	spop (v2sf)  }
0xc1: {  	s28 =	sshll.u32 s26, $0x5  }
0xc2: {  	s20 =	sand.u32 $0xF, s26;
	s21 =	sand.u32 $0xFFFFFE00, s28  }
0xc3: {  	s20 =	sor.u32 s20, s21;
	s22 =	spop (v2sf)  }
0xc4: {  	s29 =	sshll.u32 s22, $0x5;
	v3 =	vor.u32 s20, v1  }
0xc5: {  	s22 =	sand.u32 $0xF, s22;
	s21 =	sand.u32 $0xFFFFFE00, s29;
	s23 =	spop (v2sf)  }
0xc6: {  	s21 =	sor.u32 s22, s21;
	v4 =	vor.u32 s20, v2;
	s30 =	sshll.u32 s23, $0x5  }
0xc7: {  	v5 =	vor.u32 s21, v1;
	s23 =	sand.u32 $0xF, s23;
	s24 =	sand.u32 $0xFFFFFE00, s30;
	s31 =	spop (v2sf)  }
0xc8: {  	v6 =	vor.u32 s21, v2;
	s24 =	sor.u32 s23, s24;
	s20 =	simm.s32 $0x0;
	s25 =	sshll.u32 s31, $0x5  }
0xc9: {  	v8 =	vor.u32 s24, v1;
	v7 =	vld.idx.msk [tilespmem:v3+s20+$0x0], $0xffff;
	s22 =	sand.u32 $0xF, s31;
	s23 =	sand.u32 $0xFFFFFE00, s25  }
0xca: {  	v9 =	vor.u32 s24, v2;
	s26 =	sor.u32 s22, s23  }
0xcb: {  	v10 =	vld.idx.msk [tilespmem:v4+s20+$0x0], $0xffff;
	v11 =	vor.u32 s26, v1  }
0xcc: {  	v12 =	vld.idx.msk [tilespmem:v5+s20+$0x0], $0xffff;
	v13 =	vor.u32 s26, v2  }
0xcd: {  	v14 =	vld.idx.msk [tilespmem:v6+s20+$0x0], $0xffff  }
0xce: {  	v15 =	vld.idx.msk [tilespmem:v8+s20+$0x0], $0xffff;
	vm2 =	vlt.f32 v7, $-Inf;
	vm3 =	vgt.f32 v7, $-Inf  }
0xcf: {  	v16 =	vld.idx.msk [tilespmem:v9+s20+$0x0], $0xffff;
	vm2 =	vmor vm3, vm2  }
0xd0: {  	v17 =	vmax.f32 v10, v7;
	vm3 =	vgt.f32 v10, v7;
	v3 =	vnsel vm2, $0x0, v3;
	v18 =	vld.idx.msk [tilespmem:v11+s20+$0x0], $0xffff  }
0xd1: {  	vm8 =	vgt.f32 v12, v17;
	v20 =	vmax.f32 v12, v17;
	v19 =	vsel vm3, v4, v3;
	v21 =	vld.idx.msk [tilespmem:v13+s20+$0x0], $0xffff  }
0xd2: {  	vm15 =	vgt.f32 v14, v20;
	v23 =	vmax.f32 v14, v20;
	v22 =	vsel vm8, v5, v19  }
0xd3: {  	vm5 =	vgt.f32 v15, v23;
	v51 =	vmax.f32 v15, v23;
	v50 =	vsel vm15, v6, v22  }
0xd4: {  	vm6 =	vgt.f32 v16, v51;
	v53 =	vmax.f32 v16, v51;
	v52 =	vsel vm5, v8, v50  }
0xd5: {  	v54 =	vsel vm6, v9, v52;
	vm7 =	vgt.f32 v18, v53;
	v55 =	vmax.f32 v18, v53  }
0xd6: {  	v56 =	vsel vm7, v11, v54;
	vm2 =	vgt.f32 v21, v55  }
0xd7: {  	v31 =	vmax.f32 v21, v55;
	v32 =	vsel vm2, v13, v56  }
0xd8: {  	(xrf1) =	vsort.dscd.msk.f32 $0xffff, v31, v32;
	_ =	sdelay $0xd  }
0xd9: {  	v33, _, _ =	vpop (xrf1)  }
0xda: {  	v33 =	vbroadcast v33, $0x0;
	_ =	sdelay $0x1  }
0xdb: {  	vm10 =	veq.f32 v31, v33  }
0xdc: {  	v33 =	vnsel vm10, $0x7FFFFFFF, v32  }
0xdd: {  	v34 =	vxor.u32 $0x80000000, v33  }
0xde: {  	(xrf1) =	vsort.ascd.msk.u32 $0xffff, v34, v33;
	_ =	sdelay $0xd  }
0xdf: {  	v33, _, _ =	vpop (xrf1)  }
0xe0: {  	(v2sf) =	vpush v33, $0x0;
	_ =	sdelay $0x5  }
0xe1: {  	v57 =	vmin.f32 v7, $-Inf;
	v7 =	vmin.f32 v10, v7;
	v12 =	vmin.f32 v12, v17  }
0xe2: {  	vm9 =	vgt.f32 v7, v57;
	v14 =	vmin.f32 v14, v20;
	v3 =	vsel vm3, v3, v4  }
0xe3: {  	vm3 =	vmneg vm9;
	v4 =	vmax.f32 v7, v57;
	v15 =	vmin.f32 v15, v23  }
0xe4: {  	v10 =	vsel vm3, $0x0, v3;
	v5 =	vsel vm8, v19, v5;
	vm9 =	vgt.f32 v12, v4  }
0xe5: {  	v17 =	vmax.f32 v12, v4;
	v16 =	vmin.f32 v16, v51;
	v19 =	vsel vm9, v5, v10  }
0xe6: {  	v6 =	vsel vm15, v22, v6;
	vm4 =	vgt.f32 v14, v17;
	v20 =	vmax.f32 v14, v17  }
0xe7: {  	v22 =	vsel vm4, v6, v19;
	v8 =	vsel vm5, v50, v8;
	vm5 =	vgt.f32 v15, v20  }
0xe8: {  	v23 =	vmax.f32 v15, v20;
	v24 =	vsel vm5, v8, v22;
	v9 =	vsel vm6, v52, v9  }
0xe9: {  	vm12 =	vgt.f32 v16, v23;
	v25 =	vmax.f32 v16, v23;
	v18 =	vmin.f32 v18, v53  }
0xea: {  	v26 =	vsel vm12, v9, v24;
	v11 =	vsel vm7, v54, v11;
	vm13 =	vgt.f32 v18, v25;
	s28 =	spop (v2sf)  }
0xeb: {  	v27 =	vmax.f32 v18, v25;
	v21 =	vmin.f32 v21, v55;
	v28 =	vsel vm13, v11, v26;
	s21 =	sxor.u32 $0x80000000, s28  }
0xec: {  	v13 =	vsel vm2, v56, v13;
	vm14 =	vgt.f32 v21, v27;
	vm2 =	veq.s32 v32, s21  }
0xed: {  	v29 =	vmax.f32 v21, v27;
	v30 =	vsel vm14, v13, v28;
	vm2 =	vmand vm10, vm2  }
0xee: {  	v31 =	vsel vm2, v29, v31;
	v32 =	vsel vm2, v30, v32  }
0xef: {  	(xrf1) =	vsort.dscd.msk.f32 $0xffff, v31, v32;
	_ =	sdelay $0xd  }
0xf0: {  	v58, _, _ =	vpop (xrf1)  }
0xf1: {  	v34 =	vbroadcast v58, $0x0;
	_ =	sdelay $0x1  }
0xf2: {  	vm15 =	veq.f32 v31, v34  }
0xf3: {  	v34 =	vnsel vm15, $0x7FFFFFFF, v32  }
0xf4: {  	v35 =	vxor.u32 $0x80000000, v34  }
0xf5: {  	(xrf1) =	vsort.ascd.msk.u32 $0xffff, v35, v34;
	_ =	sdelay $0xd  }
0xf6: {  	v34, _, _ =	vpop (xrf1)  }
0xf7: {  	(v2sf) =	vpush v34, $0x0;
	_ =	sdelay $0x3  }
0xf8: {  	v7 =	vmin.f32 v7, v57  }
0xf9: {  	vm11 =	vgt.f32 v7, v57  }
0xfa: {  	v7 =	vmax.f32 v7, v57;
	vm3 =	vmand vm11, vm3  }
0xfb: {  	v4 =	vmin.f32 v12, v4;
	v5 =	vsel vm9, v10, v5;
	v3 =	vnsel vm3, $0x0, v3  }
0xfc: {  	vm3 =	vgt.f32 v4, v7;
	v4 =	vmax.f32 v4, v7;
	v7 =	vmin.f32 v14, v17  }
0xfd: {  	v3 =	vsel vm3, v5, v3;
	v5 =	vsel vm4, v19, v6;
	vm3 =	vgt.f32 v7, v4  }
0xfe: {  	v4 =	vmax.f32 v7, v4;
	v3 =	vsel vm3, v5, v3;
	v5 =	vmin.f32 v15, v20  }
0xff: {  	v6 =	vsel vm5, v22, v8;
	vm3 =	vgt.f32 v5, v4  }
0x100: {  	v4 =	vmax.f32 v5, v4;
	v5 =	vmin.f32 v16, v23;
	v3 =	vsel vm3, v6, v3  }
0x101: {  	v6 =	vsel vm12, v24, v9;
	vm3 =	vgt.f32 v5, v4;
	v4 =	vmax.f32 v5, v4  }
0x102: {  	v3 =	vsel vm3, v6, v3;
	v5 =	vmin.f32 v18, v25;
	v6 =	vsel vm13, v26, v11  }
0x103: {  	vm3 =	vgt.f32 v5, v4;
	v4 =	vmax.f32 v5, v4;
	v5 =	vmin.f32 v21, v27;
	s29 =	spop (v2sf)  }
0x104: {  	v3 =	vsel vm3, v6, v3;
	v6 =	vsel vm14, v28, v13;
	vm3 =	vgt.f32 v5, v4;
	s22 =	sxor.u32 $0x80000000, s29  }
0x105: {  	v4 =	vmax.f32 v5, v4;
	v3 =	vsel vm3, v6, v3;
	vm3 =	veq.s32 v32, s22  }
0x106: {  	v4 =	vsel vm2, v4, v29;
	v3 =	vsel vm2, v3, v30;
	vm2 =	vmand vm15, vm3  }
0x107: {  	v4 =	vsel vm2, v4, v31;
	v3 =	vsel vm2, v3, v32  }
0x108: {  	(xrf1) =	vsort.dscd.msk.f32 $0xffff, v4, v3;
	_ =	sdelay $0xd  }
0x109: {  	v5, _, _ =	vpop (xrf1)  }
0x10a: {  	v5 =	vbroadcast v5, $0x0;
	_ =	sdelay $0x1  }
0x10b: {  	vm2 =	veq.f32 v4, v5  }
0x10c: {  	v3 =	vnsel vm2, $0x7FFFFFFF, v3  }
0x10d: {  	v4 =	vxor.u32 $0x80000000, v3  }
0x10e: {  	(xrf1) =	vsort.ascd.msk.u32 $0xffff, v4, v3;
	_ =	sdelay $0xd  }
0x10f: {  	v3, _, _ =	vpop (xrf1)  }
0x110: {  	(v2sf) =	vpush v3, $0x0;
	_ =	sdelay $0xd  }
0x111: {  	v3 =	vmov s21  }
0x112: {  	v3 =	vnsel vm0, $0x0, v3;
	s30 =	spop (v2sf)  }
0x113: {  	vm2 =	veq.s32 v0, $0x2;
	v3 =	vsel vm1, s22, v3;
	s21 =	sxor.u32 $0x80000000, s30  }
0x114: {  	v3 =	vsel vm2, s21, v3  }
0x115: {  	[tilespmem:$0x10000] =	vst v3  }
0x116: {  	[tilespmem:s20], [sflag:$0x1] =	stream.strided.gather [hbm4b:s6+s10], $0x8000, s11, s10, $0x38;
	[tilespmem:$0x10080] =	vst v63  }
0x117: {  	_ =	swait.ge [sflag:s16], $0x8000  }
0x118: {  	[sflag:s16] =	ssyncset.done $0x0  }
0x119: {  	s31 =	simm.s32 $0x8100;
	[sflag:s16] =	ssyncadd.s32 $0xFFFF8000  }
0x11a: {  	v5 =	vld [tilespmem:s31+$0x40]  }
0x11b: {  	v6 =	vld [tilespmem:s31+$0xFFFFFF00]  }
0x11c: {  	v7 =	vld [tilespmem:s31+$0xFFFFFF10]  }
0x11d: {  	v8 =	vld [tilespmem:s31+$0xFFFFFF20]  }
0x11e: {  	v9 =	vld [tilespmem:s31+$0xFFFFFF30]  }
0x11f: {  	v11 =	vld [tilespmem:s31+$0xFFFFFF40]  }
0x120: {  	v12 =	vld [tilespmem:s31+$0xFFFFFF50]  }
0x121: {  	v13 =	vld [tilespmem:s31+$0xFFFFFF60]  }
0x122: {  	v14 =	vld [tilespmem:s31+$0xFFFFFF70]  }
0x123: {  	v10 =	vld [tilespmem:s31+$0xFFFFFFF0]  }
0x124: {  	v15 =	vld [tilespmem:s31+$0xFFFFFFE0]  }
0x125: {  	v16 =	vld [tilespmem:s31+$0xFFFFFF80]  }
0x126: {  	v17 =	vld [tilespmem:s31+$0xFFFFFFA0]  }
0x127: {  	v18 =	vld [tilespmem:s31+$0xFFFFFFB0]  }
0x128: {  	v19 =	vld [tilespmem:s31+$0xFFFFFFC0]  }
0x129: {  	v20 =	vld [tilespmem:s31+$0xFFFFFFD0]  }
0x12a: {  	v21 =	vld [tilespmem:s31+$0x70]  }
0x12b: {  	v22 =	vld [tilespmem:s31+$0xFFFFFF90]  }
0x12c: {  	v23 =	vld [tilespmem:s31+$0x60]  }
0x12d: {  	v59 =	vld [tilespmem:s31+$0x0]  }
0x12e: {  	v60 =	vld [tilespmem:s31+$0x20]  }
0x12f: {  	v62 =	vld [tilespmem:s31+$0x50]  }
0x130: {  	v63 =	vld [tilespmem:s31+$0x10]  }
0x131: {  	v4 =	vimm.s32 $0x0;
	v3 =	vimm.f32 $-Inf;
	v61 =	vld [tilespmem:s31+$0x30]  }
0x132: {  	v10 =	vmax.f32 v15, v10;
	v13 =	vmax.f32 v13, v14;
	v14 =	vmax.f32 v17, v18;
	v15 =	vld [tilespmem:s31+$0xF0]  }
0x133: {  	v17 =	vmax.f32 v11, v12;
	v11 =	vmax.f32 v19, v20;
	v8 =	vmax.f32 v8, v9;
	v20 =	vld [tilespmem:s31+$0xE0]  }
0x134: {  	v9 =	vld [tilespmem:s31+$0x80];
	v12 =	vmax.f32 v16, v22;
	v6 =	vmax.f32 v6, v7;
	v7 =	vmax.f32 v23, v21  }
0x135: {  	v16 =	vld [tilespmem:s31+$0xD0];
	v5 =	vmax.f32 v5, v62;
	v19 =	vmax.f32 v59, v63;
	v12 =	vmax.f32 v12, v14  }
0x136: {  	v18 =	vld [tilespmem:s31+$0xC0];
	v6 =	vmax.f32 v6, v8;
	v8 =	vmax.f32 v17, v13;
	v14 =	vmax.f32 v60, v61  }
0x137: {  	v17 =	vld [tilespmem:s31+$0xB0];
	v5 =	vmax.f32 v5, v7;
	v13 =	vmax.f32 v6, v8;
	v6 =	vmax.f32 v19, v14  }
0x138: {  	v7 =	vimm.s32 $0x0;
	v19 =	vld [tilespmem:s31+$0xA0];
	v8 =	vimm.s32 $0x0;
	v14 =	vmax.f32 v6, v5  }
0x139: {  	s22 =	simm.s32 $0x8300;
	s21 =	simm.s32 $0x10;
	v5 =	vimm.f32 $-Inf;
	v6 =	vimm.f32 $-Inf;
	v15 =	vmax.f32 v20, v15;
	v20 =	vld [tilespmem:s31+$0x90]  }
.LBB2_6:
0x13a: {  	v21 =	vld [tilespmem:s22+$0x40];
	p0 =	sne.s32 s21, $0x3F0;
	s23 =	smov.u32 s21;
	s21 =	sadd.s32 $0x10, s21  }
0x13b: {  	v22 =	vld [tilespmem:s22+$0x80];
	v16 =	vmax.f32 v18, v16  }
0x13c: {  	v18 =	vld [tilespmem:s22+$0xFFFFFF00]  }
0x13d: {  	v23 =	vld [tilespmem:s22+$0xFFFFFF10]  }
0x13e: {  	v17 =	vmax.f32 v19, v17;
	v24 =	vld [tilespmem:s22+$0xFFFFFF20];
	v25 =	vmax.f32 v9, v20  }
0x13f: {  	v19 =	vld [tilespmem:s22+$0xFFFFFF30];
	v17 =	vmax.f32 v25, v17  }
0x140: {  	v20 =	vld [tilespmem:s22+$0xFFFFFF40];
	v9 =	vmov v22  }
0x141: {  	v22 =	vld [tilespmem:s22+$0xFFFFFF50]  }
0x142: {  	v10 =	vmax.f32 v11, v10;
	v11 =	vmax.f32 v16, v15;
	v25 =	vld [tilespmem:s22+$0xFFFFFF60]  }
0x143: {  	v10 =	vmax.f32 v12, v10;
	v11 =	vmax.f32 v17, v11;
	v15 =	vld [tilespmem:s22+$0xFFFFFF70]  }
0x144: {  	v10 =	vmax.f32 v13, v10;
	v11 =	vmax.f32 v14, v11;
	v12 =	vld [tilespmem:s22+$0xFFFFFFF0]  }
0x145: {  	v10 =	vmax.f32 v10, v11;
	v11 =	vor.u32 s20, v0;
	s20 =	smov.u32 s23;
	v13 =	vld [tilespmem:s22+$0xFFFFFFE0]  }
0x146: {  	vm2 =	vgt.f32 v10, v3;
	v16 =	vmin.f32 v10, v3;
	v3 =	vmax.f32 v10, v3;
	v14 =	vld [tilespmem:s22+$0xFFFFFF80]  }
0x147: {  	v10 =	vsel vm2, v4, v11;
	vm3 =	vgt.f32 v16, v5;
	v26 =	vmin.f32 v16, v5;
	v17 =	vld [tilespmem:s22+$0xFFFFFFA0]  }
0x148: {  	v28 =	vsel vm3, v8, v10;
	v8 =	vsel vm3, v10, v8;
	vm3 =	vgt.f32 v26, v6;
	v27 =	vld [tilespmem:s22+$0xFFFFFFB0]  }
0x149: {  	v4 =	vsel vm2, v11, v4;
	v6 =	vmax.f32 v26, v6;
	v7 =	vsel vm3, v28, v7;
	v29 =	vld [tilespmem:s22+$0xFFFFFFC0]  }
0x14a: {  	v5 =	vmax.f32 v16, v5;
	v11 =	vld [tilespmem:s22+$0xFFFFFFD0];
	v10 =	vmax.f32 v13, v12  }
0x14b: {  	v12 =	vld [tilespmem:s22+$0x70]  }
0x14c: {  	v13 =	vld [tilespmem:s22+$0xFFFFFF90]  }
0x14d: {  	v15 =	vmax.f32 v25, v15;
	v16 =	vld [tilespmem:s22+$0x60];
	v17 =	vmax.f32 v17, v27  }
0x14e: {  	v25 =	vld [tilespmem:s22+$0x0]  }
0x14f: {  	v20 =	vmax.f32 v20, v22;
	v26 =	vld [tilespmem:s22+$0x20];
	v11 =	vmax.f32 v29, v11  }
0x150: {  	v22 =	vld [tilespmem:s22+$0x30]  }
0x151: {  	v19 =	vmax.f32 v24, v19;
	v27 =	vld [tilespmem:s22+$0x50];
	v13 =	vmax.f32 v14, v13  }
0x152: {  	v18 =	vmax.f32 v18, v23;
	v14 =	vld [tilespmem:s22+$0x10];
	v23 =	vmax.f32 v16, v12;
	v12 =	vmax.f32 v13, v17  }
0x153: {  	v15 =	vmax.f32 v20, v15;
	v13 =	vmax.f32 v18, v19;
	v24 =	vld [tilespmem:s22+$0xF0]  }
0x154: {  	v13 =	vmax.f32 v13, v15;
	v28 =	vld [tilespmem:s22+$0xE0]  }
.Ltmp2:
0x155: {  	v16 =	vld [tilespmem:s22+$0xD0];
	v15 =	vmax.f32 v26, v22;
	(pc) =	sbr.rel @p0 .LBB2_6-.Ltmp2, $4  }
0x156: {  	v18 =	vld [tilespmem:s22+$0xC0];
	v19 =	vmax.f32 v21, v27  }
0x157: {  	v17 =	vld [tilespmem:s22+$0xB0];
	v14 =	vmax.f32 v25, v14;
	v21 =	vmax.f32 v19, v23  }
0x158: {  	v19 =	vld [tilespmem:s22+$0xA0];
	v14 =	vmax.f32 v14, v15  }
0x159: {  	v20 =	vld [tilespmem:s22+$0x90];
	v15 =	vmax.f32 v28, v24;
	v14 =	vmax.f32 v14, v21;
	s22 =	sadd.s32 $0x200, s22  }
0x15a: {  	_ =	sdelay $0x3  }
0x15b: {  	v16 =	vmax.f32 v18, v16;
	v17 =	vmax.f32 v19, v17;
	v9 =	vmax.f32 v9, v20  }
0x15c: {  	v10 =	vmax.f32 v11, v10;
	v11 =	vmax.f32 v16, v15;
	v9 =	vmax.f32 v9, v17  }
0x15d: {  	v10 =	vmax.f32 v12, v10;
	v9 =	vmax.f32 v9, v11  }
0x15e: {  	v10 =	vmax.f32 v13, v10;
	v9 =	vmax.f32 v14, v9  }
0x15f: {  	v9 =	vmax.f32 v10, v9  }
0x160: {  	v10 =	vor.u32 s20, v0;
	vm2 =	vgt.f32 v9, v3  }
0x161: {  	v11 =	vmax.f32 v9, v3;
	v12 =	vsel vm2, v10, v4  }
0x162: {  	(xrf1) =	vsort.dscd.msk.f32 $0xffff, v11, v12;
	_ =	sdelay $0xd  }
0x163: {  	v13, v14, _ =	vpop (xrf1)  }
0x164: {  	v15 =	vbroadcast v14, $0x0;
	v13 =	vbroadcast v13, $0x0  }
0x165: {  	v3 =	vmin.f32 v9, v3;
	v4 =	vsel vm2, v4, v10  }
0x166: {  	vm2 =	vgt.f32 v3, v5;
	vm3 =	veq.s32 v12, v15;
	vm4 =	veq.f32 v11, v13  }
0x167: {  	v10 =	vmax.f32 v3, v5;
	v9 =	vsel vm2, v4, v8;
	vm3 =	vmand vm3, vm4  }
0x168: {  	v11 =	vsel vm3, v10, v11;
	v12 =	vsel vm3, v9, v12  }
0x169: {  	(xrf1) =	vsort.dscd.msk.f32 $0xffff, v11, v12;
	_ =	sdelay $0xd  }
0x16a: {  	v13, v15, _ =	vpop (xrf1)  }
0x16b: {  	v3 =	vmin.f32 v3, v5;
	v5 =	vbroadcast v15, $0x0;
	v13 =	vbroadcast v13, $0x0  }
0x16c: {  	v4 =	vsel vm2, v8, v4;
	vm2 =	vgt.f32 v3, v6;
	v3 =	vmax.f32 v3, v6  }
0x16d: {  	v4 =	vsel vm2, v4, v7;
	vm2 =	veq.s32 v12, v5;
	vm13 =	veq.f32 v11, v13  }
0x16e: {  	v6 =	vsel vm3, v4, v9;
	v5 =	vsel vm3, v3, v10;
	vm2 =	vmand vm2, vm13  }
0x16f: {  	v7 =	vsel vm2, v5, v11;
	v8 =	vsel vm2, v6, v12  }
0x170: {  	(xrf1) =	vsort.dscd.msk.f32 $0xffff, v7, v8;
	_ =	sdelay $0xd  }
0x171: {  	v9, v10, _ =	vpop (xrf1)  }
0x172: {  	v11 =	vbroadcast v10, $0x0;
	v9 =	vbroadcast v9, $0x0;
	_ =	sdelay $0x1  }
0x173: {  	v3 =	vsel vm3, $0xFF800000, v3;
	vm3 =	veq.s32 v8, v11;
	vm14 =	veq.f32 v7, v9  }
0x174: {  	v3 =	vsel vm2, v3, v5;
	v4 =	vsel vm2, v4, v6;
	vm2 =	vmand vm3, vm14  }
0x175: {  	v3 =	vsel vm2, v3, v7;
	v4 =	vsel vm2, v4, v8  }
0x176: {  	(xrf1) =	vsort.dscd.msk.f32 $0xffff, v3, v4;
	_ =	sdelay $0x7  }
0x177: {  	(v2sf) =	vpush v14, $0x0;
	_ =	sdelay $0x2  }
0x178: {  	(v2sf) =	vpush v15, $0x0;
	_ =	sdelay $0x1  }
0x179: {  	(v2sf) =	vpush v10, $0x0  }
0x17a: {  	_, v3, _ =	vpop (xrf1)  }
0x17b: {  	(v2sf) =	vpush v3, $0x0;
	_ =	sdelay $0x7  }
0x17c: {  	s26 =	spop (v2sf)  }
0x17d: {  	s21 =	sshll.u32 s26, $0x5  }
0x17e: {  	s20 =	sand.u32 $0xF, s26;
	s21 =	sand.u32 $0xFFFFFE00, s21  }
0x17f: {  	s20 =	sor.u32 s20, s21;
	s22 =	spop (v2sf)  }
0x180: {  	s28 =	sshll.u32 s22, $0x5;
	v3 =	vor.u32 s20, v1  }
0x181: {  	s22 =	sand.u32 $0xF, s22;
	s21 =	sand.u32 $0xFFFFFE00, s28;
	s23 =	spop (v2sf)  }
0x182: {  	s29 =	sor.u32 s22, s21;
	v4 =	vor.u32 s20, v2;
	s30 =	sshll.u32 s23, $0x5  }
0x183: {  	v5 =	vor.u32 s29, v1;
	s23 =	sand.u32 $0xF, s23;
	s21 =	sand.u32 $0xFFFFFE00, s30;
	s31 =	spop (v2sf)  }
0x184: {  	v6 =	vor.u32 s29, v2;
	s24 =	sor.u32 s23, s21;
	s25 =	sshll.u32 s31, $0x5  }
0x185: {  	v8 =	vor.u32 s24, v1;
	v7 =	vld.idx.msk [tilespmem:v3+s13+$0x0], $0xffff;
	s22 =	sand.u32 $0xF, s31;
	s21 =	sand.u32 $0xFFFFFE00, s25  }
0x186: {  	v9 =	vor.u32 s24, v2;
	s26 =	sor.u32 s22, s21  }
0x187: {  	v10 =	vld.idx.msk [tilespmem:v4+s13+$0x0], $0xffff;
	v11 =	vor.u32 s26, v1  }
0x188: {  	v12 =	vld.idx.msk [tilespmem:v5+s13+$0x0], $0xffff;
	v13 =	vor.u32 s26, v2  }
0x189: {  	v14 =	vld.idx.msk [tilespmem:v6+s13+$0x0], $0xffff  }
0x18a: {  	v15 =	vld.idx.msk [tilespmem:v8+s13+$0x0], $0xffff;
	vm2 =	vlt.f32 v7, $-Inf;
	vm3 =	vgt.f32 v7, $-Inf  }
0x18b: {  	v16 =	vld.idx.msk [tilespmem:v9+s13+$0x0], $0xffff;
	vm2 =	vmor vm3, vm2  }
0x18c: {  	v17 =	vmax.f32 v10, v7;
	vm3 =	vgt.f32 v10, v7;
	v3 =	vnsel vm2, $0x0, v3;
	v18 =	vld.idx.msk [tilespmem:v11+s13+$0x0], $0xffff  }
0x18d: {  	vm8 =	vgt.f32 v12, v17;
	v20 =	vmax.f32 v12, v17;
	v19 =	vsel vm3, v4, v3;
	v21 =	vld.idx.msk [tilespmem:v13+s13+$0x0], $0xffff  }
0x18e: {  	vm15 =	vgt.f32 v14, v20;
	v23 =	vmax.f32 v14, v20;
	v22 =	vsel vm8, v5, v19  }
0x18f: {  	vm7 =	vgt.f32 v15, v23;
	v25 =	vmax.f32 v15, v23;
	v24 =	vsel vm15, v6, v22  }
0x190: {  	vm5 =	vgt.f32 v16, v25;
	v27 =	vmax.f32 v16, v25;
	v26 =	vsel vm7, v8, v24  }
0x191: {  	v28 =	vsel vm5, v9, v26;
	vm6 =	vgt.f32 v18, v27;
	v29 =	vmax.f32 v18, v27  }
0x192: {  	v30 =	vsel vm6, v11, v28;
	vm2 =	vgt.f32 v21, v29  }
0x193: {  	v31 =	vmax.f32 v21, v29;
	v32 =	vsel vm2, v13, v30  }
0x194: {  	(xrf1) =	vsort.dscd.msk.f32 $0xffff, v31, v32;
	_ =	sdelay $0xd  }
0x195: {  	v33, _, _ =	vpop (xrf1)  }
0x196: {  	v33 =	vbroadcast v33, $0x0;
	_ =	sdelay $0x1  }
0x197: {  	vm10 =	veq.f32 v31, v33  }
0x198: {  	v33 =	vnsel vm10, $0x7FFFFFFF, v32  }
0x199: {  	v34 =	vxor.u32 $0x80000000, v33  }
0x19a: {  	(xrf1) =	vsort.ascd.msk.u32 $0xffff, v34, v33;
	_ =	sdelay $0xd  }
0x19b: {  	v33, _, _ =	vpop (xrf1)  }
0x19c: {  	(v2sf) =	vpush v33, $0x0;
	_ =	sdelay $0x5  }
0x19d: {  	v58 =	vmin.f32 v7, $-Inf;
	v7 =	vmin.f32 v10, v7;
	v12 =	vmin.f32 v12, v17  }
0x19e: {  	vm9 =	vgt.f32 v7, v58;
	v14 =	vmin.f32 v14, v20;
	v3 =	vsel vm3, v3, v4  }
0x19f: {  	vm3 =	vmneg vm9;
	v4 =	vmax.f32 v7, v58;
	v15 =	vmin.f32 v15, v23  }
0x1a0: {  	v10 =	vsel vm3, $0x0, v3;
	v5 =	vsel vm8, v19, v5;
	vm9 =	vgt.f32 v12, v4  }
0x1a1: {  	v17 =	vmax.f32 v12, v4;
	v16 =	vmin.f32 v16, v25;
	v19 =	vsel vm9, v5, v10  }
0x1a2: {  	v6 =	vsel vm15, v22, v6;
	vm4 =	vgt.f32 v14, v17;
	v20 =	vmax.f32 v14, v17  }
0x1a3: {  	v22 =	vsel vm4, v6, v19;
	v8 =	vsel vm7, v24, v8;
	vm8 =	vgt.f32 v15, v20  }
0x1a4: {  	v23 =	vmax.f32 v15, v20;
	v24 =	vsel vm8, v8, v22;
	v9 =	vsel vm5, v26, v9  }
0x1a5: {  	vm12 =	vgt.f32 v16, v23;
	v25 =	vmax.f32 v16, v23;
	v18 =	vmin.f32 v18, v27  }
0x1a6: {  	v26 =	vsel vm12, v9, v24;
	v11 =	vsel vm6, v28, v11;
	vm13 =	vgt.f32 v18, v25;
	s28 =	spop (v2sf)  }
0x1a7: {  	v27 =	vmax.f32 v18, v25;
	v21 =	vmin.f32 v21, v29;
	v28 =	vsel vm13, v11, v26;
	s20 =	sxor.u32 $0x80000000, s28  }
0x1a8: {  	v13 =	vsel vm2, v30, v13;
	vm14 =	vgt.f32 v21, v27;
	vm2 =	veq.s32 v32, s20  }
0x1a9: {  	v29 =	vmax.f32 v21, v27;
	v30 =	vsel vm14, v13, v28;
	vm2 =	vmand vm10, vm2  }
0x1aa: {  	v31 =	vsel vm2, v29, v31;
	v32 =	vsel vm2, v30, v32  }
0x1ab: {  	(xrf1) =	vsort.dscd.msk.f32 $0xffff, v31, v32;
	_ =	sdelay $0xd  }
0x1ac: {  	v59, _, _ =	vpop (xrf1)  }
0x1ad: {  	v34 =	vbroadcast v59, $0x0;
	_ =	sdelay $0x1  }
0x1ae: {  	vm15 =	veq.f32 v31, v34  }
0x1af: {  	v34 =	vnsel vm15, $0x7FFFFFFF, v32  }
0x1b0: {  	v35 =	vxor.u32 $0x80000000, v34  }
0x1b1: {  	(xrf1) =	vsort.ascd.msk.u32 $0xffff, v35, v34;
	_ =	sdelay $0xd  }
0x1b2: {  	v34, _, _ =	vpop (xrf1)  }
0x1b3: {  	(v2sf) =	vpush v34, $0x0;
	_ =	sdelay $0x4  }
0x1b4: {  	v7 =	vmin.f32 v7, v58  }
0x1b5: {  	vm11 =	vgt.f32 v7, v58;
	v7 =	vmax.f32 v7, v58  }
0x1b6: {  	v4 =	vmin.f32 v12, v4;
	vm3 =	vmand vm11, vm3;
	v5 =	vsel vm9, v10, v5  }
0x1b7: {  	v3 =	vnsel vm3, $0x0, v3;
	vm3 =	vgt.f32 v4, v7;
	v4 =	vmax.f32 v4, v7  }
0x1b8: {  	v7 =	vmin.f32 v14, v17;
	v3 =	vsel vm3, v5, v3;
	v5 =	vsel vm4, v19, v6  }
0x1b9: {  	vm3 =	vgt.f32 v7, v4;
	v4 =	vmax.f32 v7, v4;
	v6 =	vmin.f32 v15, v20  }
0x1ba: {  	v3 =	vsel vm3, v5, v3;
	v5 =	vsel vm8, v22, v8;
	vm3 =	vgt.f32 v6, v4  }
0x1bb: {  	v4 =	vmax.f32 v6, v4;
	v6 =	vmin.f32 v16, v23;
	v3 =	vsel vm3, v5, v3  }
0x1bc: {  	v5 =	vsel vm12, v24, v9;
	vm3 =	vgt.f32 v6, v4;
	v4 =	vmax.f32 v6, v4  }
0x1bd: {  	v3 =	vsel vm3, v5, v3;
	v5 =	vmin.f32 v18, v25;
	v6 =	vsel vm13, v26, v11  }
0x1be: {  	vm3 =	vgt.f32 v5, v4;
	v4 =	vmax.f32 v5, v4;
	v5 =	vmin.f32 v21, v27;
	s29 =	spop (v2sf)  }
0x1bf: {  	v3 =	vsel vm3, v6, v3;
	v6 =	vsel vm14, v28, v13;
	vm3 =	vgt.f32 v5, v4;
	s21 =	sxor.u32 $0x80000000, s29  }
0x1c0: {  	v4 =	vmax.f32 v5, v4;
	v3 =	vsel vm3, v6, v3;
	vm3 =	veq.s32 v32, s21  }
0x1c1: {  	v4 =	vsel vm2, v4, v29;
	v3 =	vsel vm2, v3, v30;
	vm2 =	vmand vm15, vm3  }
0x1c2: {  	v4 =	vsel vm2, v4, v31;
	v3 =	vsel vm2, v3, v32  }
0x1c3: {  	(xrf1) =	vsort.dscd.msk.f32 $0xffff, v4, v3;
	_ =	sdelay $0xd  }
0x1c4: {  	v5, _, _ =	vpop (xrf1)  }
0x1c5: {  	v5 =	vbroadcast v5, $0x0;
	_ =	sdelay $0x1  }
0x1c6: {  	vm2 =	veq.f32 v4, v5  }
0x1c7: {  	v3 =	vnsel vm2, $0x7FFFFFFF, v3  }
0x1c8: {  	v4 =	vxor.u32 $0x80000000, v3  }
0x1c9: {  	(xrf1) =	vsort.ascd.msk.u32 $0xffff, v4, v3;
	_ =	sdelay $0xd  }
0x1ca: {  	v3, _, _ =	vpop (xrf1)  }
0x1cb: {  	(v2sf) =	vpush v3, $0x0;
	_ =	sdelay $0xd  }
0x1cc: {  	v3 =	vmov s20  }
0x1cd: {  	v3 =	vnsel vm0, $0x0, v3;
	s30 =	spop (v2sf)  }
0x1ce: {  	vm2 =	veq.s32 v0, $0x2;
	v3 =	vsel vm1, s21, v3;
	s20 =	sxor.u32 $0x80000000, s30  }
0x1cf: {  	v3 =	vsel vm2, s20, v3  }
0x1d0: {  	[tilespmem:$0x10010] =	vst v3  }
0x1d1: {  	[tilespmem:s13], [sflag:$0x2] =	stream.strided.gather [hbm4b:s7+s10], $0x8000, s11, s10, $0x38;
	[tilespmem:$0x10080] =	vst v63  }
0x1d2: {  	_ =	swait.ge [sflag:s14], $0x8000  }
0x1d3: {  	[sflag:s14] =	ssyncset.done $0x0  }
0x1d4: {  	s31 =	simm.s32 $0x100;
	[sflag:s14] =	ssyncadd.s32 $0xFFFF8000  }
0x1d5: {  	v5 =	vld [tilespmem:s31+$0x40]  }
0x1d6: {  	v6 =	vld [tilespmem:s31+$0xFFFFFF00]  }
0x1d7: {  	v7 =	vld [tilespmem:s31+$0xFFFFFF10]  }
0x1d8: {  	v4 =	vld [tilespmem:s31+$0xFFFFFF20]  }
0x1d9: {  	v8 =	vld [tilespmem:s31+$0xFFFFFF30]  }
0x1da: {  	v3 =	vld [tilespmem:s31+$0xFFFFFF40]  }
0x1db: {  	v9 =	vld [tilespmem:s31+$0xFFFFFF50]  }
0x1dc: {  	v11 =	vld [tilespmem:s31+$0xFFFFFF60]  }
0x1dd: {  	v12 =	vld [tilespmem:s31+$0xFFFFFF70]  }
0x1de: {  	v10 =	vld [tilespmem:s31+$0xFFFFFFF0]  }
0x1df: {  	v13 =	vld [tilespmem:s31+$0xFFFFFFE0]  }
0x1e0: {  	v14 =	vld [tilespmem:s31+$0xFFFFFF80]  }
0x1e1: {  	v15 =	vld [tilespmem:s31+$0xFFFFFFA0]  }
0x1e2: {  	v16 =	vld [tilespmem:s31+$0xFFFFFFB0]  }
0x1e3: {  	v17 =	vld [tilespmem:s31+$0xFFFFFFC0]  }
0x1e4: {  	v18 =	vld [tilespmem:s31+$0xFFFFFFD0]  }
0x1e5: {  	v19 =	vld [tilespmem:s31+$0x70]  }
0x1e6: {  	v20 =	vld [tilespmem:s31+$0xFFFFFF90]  }
0x1e7: {  	v21 =	vld [tilespmem:s31+$0x60]  }
0x1e8: {  	v22 =	vld [tilespmem:s31+$0x0]  }
0x1e9: {  	v23 =	vld [tilespmem:s31+$0x20]  }
0x1ea: {  	v60 =	vld [tilespmem:s31+$0x30]  }
0x1eb: {  	v61 =	vld [tilespmem:s31+$0x50]  }
0x1ec: {  	v62 =	vld [tilespmem:s31+$0x10];
	v10 =	vmax.f32 v13, v10;
	v13 =	vmax.f32 v11, v12  }
0x1ed: {  	v63 =	vld [tilespmem:s31+$0xF0];
	v12 =	vmax.f32 v15, v16;
	v15 =	vmax.f32 v3, v9;
	v11 =	vmax.f32 v17, v18  }
0x1ee: {  	v3 =	vimm.f32 $-Inf;
	v8 =	vmax.f32 v4, v8;
	v14 =	vmax.f32 v14, v20;
	v20 =	vld [tilespmem:s31+$0xE0]  }
0x1ef: {  	v4 =	vimm.s32 $0x0;
	v6 =	vmax.f32 v6, v7;
	v9 =	vld [tilespmem:s31+$0x80];
	v7 =	vmax.f32 v21, v19  }
0x1f0: {  	v16 =	vld [tilespmem:s31+$0xD0];
	v5 =	vmax.f32 v5, v61;
	v12 =	vmax.f32 v14, v12;
	v6 =	vmax.f32 v6, v8  }
0x1f1: {  	v18 =	vld [tilespmem:s31+$0xC0];
	v8 =	vmax.f32 v15, v13;
	v14 =	vmax.f32 v23, v60;
	v15 =	vmax.f32 v22, v62  }
0x1f2: {  	v17 =	vld [tilespmem:s31+$0xB0];
	v5 =	vmax.f32 v5, v7;
	v13 =	vmax.f32 v6, v8;
	v6 =	vmax.f32 v15, v14  }
0x1f3: {  	v19 =	vld [tilespmem:s31+$0xA0];
	v7 =	vimm.s32 $0x0;
	v8 =	vimm.s32 $0x0;
	v14 =	vmax.f32 v6, v5  }
0x1f4: {  	s22 =	simm.s32 $0x300;
	s21 =	simm.s32 $0x10;
	s20 =	simm.s32 $0x0;
	v5 =	vimm.f32 $-Inf;
	v6 =	vimm.f32 $-Inf;
	v15 =	vmax.f32 v20, v63;
	v20 =	vld [tilespmem:s31+$0x90]  }
.LBB2_8:
0x1f5: {  	v21 =	vld [tilespmem:s22+$0x40];
	p0 =	sne.s32 s21, $0x3F0;
	s23 =	smov.u32 s21;
	s21 =	sadd.s32 $0x10, s21  }
0x1f6: {  	v22 =	vld [tilespmem:s22+$0x80];
	v16 =	vmax.f32 v18, v16  }
0x1f7: {  	v18 =	vld [tilespmem:s22+$0xFFFFFF00]  }
0x1f8: {  	v23 =	vld [tilespmem:s22+$0xFFFFFF10]  }
0x1f9: {  	v17 =	vmax.f32 v19, v17;
	v24 =	vld [tilespmem:s22+$0xFFFFFF20];
	v25 =	vmax.f32 v9, v20  }
0x1fa: {  	v19 =	vld [tilespmem:s22+$0xFFFFFF30];
	v17 =	vmax.f32 v25, v17  }
0x1fb: {  	v20 =	vld [tilespmem:s22+$0xFFFFFF40];
	v9 =	vmov v22  }
0x1fc: {  	v22 =	vld [tilespmem:s22+$0xFFFFFF50]  }
0x1fd: {  	v10 =	vmax.f32 v11, v10;
	v11 =	vmax.f32 v16, v15;
	v25 =	vld [tilespmem:s22+$0xFFFFFF60]  }
0x1fe: {  	v10 =	vmax.f32 v12, v10;
	v11 =	vmax.f32 v17, v11;
	v15 =	vld [tilespmem:s22+$0xFFFFFF70]  }
0x1ff: {  	v10 =	vmax.f32 v13, v10;
	v11 =	vmax.f32 v14, v11;
	v12 =	vld [tilespmem:s22+$0xFFFFFFF0]  }
0x200: {  	v10 =	vmax.f32 v10, v11;
	v11 =	vor.u32 s20, v0;
	s20 =	smov.u32 s23;
	v13 =	vld [tilespmem:s22+$0xFFFFFFE0]  }
0x201: {  	vm2 =	vgt.f32 v10, v3;
	v16 =	vmin.f32 v10, v3;
	v3 =	vmax.f32 v10, v3;
	v14 =	vld [tilespmem:s22+$0xFFFFFF80]  }
0x202: {  	v10 =	vsel vm2, v4, v11;
	vm3 =	vgt.f32 v16, v5;
	v26 =	vmin.f32 v16, v5;
	v17 =	vld [tilespmem:s22+$0xFFFFFFA0]  }
0x203: {  	v28 =	vsel vm3, v8, v10;
	v8 =	vsel vm3, v10, v8;
	vm3 =	vgt.f32 v26, v6;
	v27 =	vld [tilespmem:s22+$0xFFFFFFB0]  }
0x204: {  	v4 =	vsel vm2, v11, v4;
	v6 =	vmax.f32 v26, v6;
	v7 =	vsel vm3, v28, v7;
	v29 =	vld [tilespmem:s22+$0xFFFFFFC0]  }
0x205: {  	v5 =	vmax.f32 v16, v5;
	v11 =	vld [tilespmem:s22+$0xFFFFFFD0];
	v10 =	vmax.f32 v13, v12  }
0x206: {  	v12 =	vld [tilespmem:s22+$0x70]  }
0x207: {  	v13 =	vld [tilespmem:s22+$0xFFFFFF90]  }
0x208: {  	v15 =	vmax.f32 v25, v15;
	v16 =	vld [tilespmem:s22+$0x60];
	v17 =	vmax.f32 v17, v27  }
0x209: {  	v25 =	vld [tilespmem:s22+$0x0]  }
0x20a: {  	v20 =	vmax.f32 v20, v22;
	v26 =	vld [tilespmem:s22+$0x20];
	v11 =	vmax.f32 v29, v11  }
0x20b: {  	v22 =	vld [tilespmem:s22+$0x30]  }
0x20c: {  	v19 =	vmax.f32 v24, v19;
	v27 =	vld [tilespmem:s22+$0x50];
	v13 =	vmax.f32 v14, v13  }
0x20d: {  	v18 =	vmax.f32 v18, v23;
	v14 =	vld [tilespmem:s22+$0x10];
	v23 =	vmax.f32 v16, v12;
	v12 =	vmax.f32 v13, v17  }
0x20e: {  	v15 =	vmax.f32 v20, v15;
	v13 =	vmax.f32 v18, v19;
	v24 =	vld [tilespmem:s22+$0xF0]  }
0x20f: {  	v13 =	vmax.f32 v13, v15;
	v28 =	vld [tilespmem:s22+$0xE0]  }
.Ltmp3:
0x210: {  	v16 =	vld [tilespmem:s22+$0xD0];
	v15 =	vmax.f32 v26, v22;
	(pc) =	sbr.rel @p0 .LBB2_8-.Ltmp3, $4  }
0x211: {  	v18 =	vld [tilespmem:s22+$0xC0];
	v19 =	vmax.f32 v21, v27  }
0x212: {  	v17 =	vld [tilespmem:s22+$0xB0];
	v14 =	vmax.f32 v25, v14;
	v21 =	vmax.f32 v19, v23  }
0x213: {  	v19 =	vld [tilespmem:s22+$0xA0];
	v14 =	vmax.f32 v14, v15  }
0x214: {  	v20 =	vld [tilespmem:s22+$0x90];
	v15 =	vmax.f32 v28, v24;
	v14 =	vmax.f32 v14, v21;
	s22 =	sadd.s32 $0x200, s22  }
0x215: {  	_ =	sdelay $0x3  }
0x216: {  	v16 =	vmax.f32 v18, v16;
	v17 =	vmax.f32 v19, v17;
	v9 =	vmax.f32 v9, v20  }
0x217: {  	v10 =	vmax.f32 v11, v10;
	v11 =	vmax.f32 v16, v15;
	v9 =	vmax.f32 v9, v17  }
0x218: {  	v10 =	vmax.f32 v12, v10;
	v9 =	vmax.f32 v9, v11  }
0x219: {  	v10 =	vmax.f32 v13, v10;
	v9 =	vmax.f32 v14, v9  }
0x21a: {  	v9 =	vmax.f32 v10, v9  }
0x21b: {  	v10 =	vor.u32 s20, v0;
	vm2 =	vgt.f32 v9, v3  }
0x21c: {  	v11 =	vmax.f32 v9, v3;
	v12 =	vsel vm2, v10, v4  }
0x21d: {  	(xrf1) =	vsort.dscd.msk.f32 $0xffff, v11, v12;
	_ =	sdelay $0xd  }
0x21e: {  	v13, v14, _ =	vpop (xrf1)  }
0x21f: {  	v15 =	vbroadcast v14, $0x0;
	v13 =	vbroadcast v13, $0x0  }
0x220: {  	v3 =	vmin.f32 v9, v3;
	v4 =	vsel vm2, v4, v10  }
0x221: {  	vm2 =	vgt.f32 v3, v5;
	vm3 =	veq.s32 v12, v15;
	vm4 =	veq.f32 v11, v13  }
0x222: {  	v10 =	vmax.f32 v3, v5;
	v9 =	vsel vm2, v4, v8;
	vm3 =	vmand vm3, vm4  }
0x223: {  	v11 =	vsel vm3, v10, v11;
	v12 =	vsel vm3, v9, v12  }
0x224: {  	(xrf1) =	vsort.dscd.msk.f32 $0xffff, v11, v12;
	_ =	sdelay $0xd  }
0x225: {  	v13, v15, _ =	vpop (xrf1)  }
0x226: {  	v3 =	vmin.f32 v3, v5;
	v5 =	vbroadcast v15, $0x0;
	v13 =	vbroadcast v13, $0x0  }
0x227: {  	v4 =	vsel vm2, v8, v4;
	vm2 =	vgt.f32 v3, v6;
	v3 =	vmax.f32 v3, v6  }
0x228: {  	v4 =	vsel vm2, v4, v7;
	vm2 =	veq.s32 v12, v5;
	vm13 =	veq.f32 v11, v13  }
0x229: {  	v6 =	vsel vm3, v4, v9;
	v5 =	vsel vm3, v3, v10;
	vm2 =	vmand vm2, vm13  }
0x22a: {  	v7 =	vsel vm2, v5, v11;
	v8 =	vsel vm2, v6, v12  }
0x22b: {  	(xrf1) =	vsort.dscd.msk.f32 $0xffff, v7, v8;
	_ =	sdelay $0xd  }
0x22c: {  	v9, v10, _ =	vpop (xrf1)  }
0x22d: {  	v11 =	vbroadcast v10, $0x0;
	v9 =	vbroadcast v9, $0x0;
	_ =	sdelay $0x1  }
0x22e: {  	v3 =	vsel vm3, $0xFF800000, v3;
	vm3 =	veq.s32 v8, v11;
	vm14 =	veq.f32 v7, v9  }
0x22f: {  	v3 =	vsel vm2, v3, v5;
	v4 =	vsel vm2, v4, v6;
	vm2 =	vmand vm3, vm14  }
0x230: {  	v3 =	vsel vm2, v3, v7;
	v4 =	vsel vm2, v4, v8  }
0x231: {  	(xrf1) =	vsort.dscd.msk.f32 $0xffff, v3, v4;
	_ =	sdelay $0x7  }
0x232: {  	(v2sf) =	vpush v14, $0x0;
	_ =	sdelay $0x2  }
0x233: {  	(v2sf) =	vpush v15, $0x0;
	_ =	sdelay $0x1  }
0x234: {  	(v2sf) =	vpush v10, $0x0  }
0x235: {  	_, v3, _ =	vpop (xrf1)  }
0x236: {  	(v2sf) =	vpush v3, $0x0;
	_ =	sdelay $0x7  }
0x237: {  	s28 =	spop (v2sf)  }
0x238: {  	s21 =	sshll.u32 s28, $0x5  }
0x239: {  	s20 =	sand.u32 $0xF, s28;
	s21 =	sand.u32 $0xFFFFFE00, s21  }
0x23a: {  	s20 =	sor.u32 s20, s21;
	s22 =	spop (v2sf)  }
0x23b: {  	s29 =	sshll.u32 s22, $0x5;
	v3 =	vor.u32 s20, v1  }
0x23c: {  	s22 =	sand.u32 $0xF, s22;
	s21 =	sand.u32 $0xFFFFFE00, s29;
	s23 =	spop (v2sf)  }
0x23d: {  	s21 =	sor.u32 s22, s21;
	v4 =	vor.u32 s20, v2;
	s30 =	sshll.u32 s23, $0x5  }
0x23e: {  	v5 =	vor.u32 s21, v1;
	s23 =	sand.u32 $0xF, s23;
	s24 =	sand.u32 $0xFFFFFE00, s30;
	s31 =	spop (v2sf)  }
0x23f: {  	v6 =	vor.u32 s21, v2;
	s24 =	sor.u32 s23, s24;
	s20 =	simm.s32 $0x0;
	s25 =	sshll.u32 s31, $0x5  }
0x240: {  	v8 =	vor.u32 s24, v1;
	v7 =	vld.idx.msk [tilespmem:v3+s20+$0x0], $0xffff;
	s22 =	sand.u32 $0xF, s31;
	s23 =	sand.u32 $0xFFFFFE00, s25  }
0x241: {  	v9 =	vor.u32 s24, v2;
	s26 =	sor.u32 s22, s23  }
0x242: {  	v10 =	vld.idx.msk [tilespmem:v4+s20+$0x0], $0xffff;
	v11 =	vor.u32 s26, v1  }
0x243: {  	v12 =	vld.idx.msk [tilespmem:v5+s20+$0x0], $0xffff;
	v13 =	vor.u32 s26, v2  }
0x244: {  	v14 =	vld.idx.msk [tilespmem:v6+s20+$0x0], $0xffff  }
0x245: {  	v15 =	vld.idx.msk [tilespmem:v8+s20+$0x0], $0xffff;
	vm2 =	vlt.f32 v7, $-Inf;
	vm3 =	vgt.f32 v7, $-Inf  }
0x246: {  	v16 =	vld.idx.msk [tilespmem:v9+s20+$0x0], $0xffff;
	vm2 =	vmor vm3, vm2  }
0x247: {  	v17 =	vmax.f32 v10, v7;
	vm3 =	vgt.f32 v10, v7;
	v3 =	vnsel vm2, $0x0, v3;
	v18 =	vld.idx.msk [tilespmem:v11+s20+$0x0], $0xffff  }
0x248: {  	vm8 =	vgt.f32 v12, v17;
	v20 =	vmax.f32 v12, v17;
	v19 =	vsel vm3, v4, v3;
	v21 =	vld.idx.msk [tilespmem:v13+s20+$0x0], $0xffff  }
0x249: {  	vm15 =	vgt.f32 v14, v20;
	v23 =	vmax.f32 v14, v20;
	v22 =	vsel vm8, v5, v19  }
0x24a: {  	vm7 =	vgt.f32 v15, v23;
	v25 =	vmax.f32 v15, v23;
	v24 =	vsel vm15, v6, v22  }
0x24b: {  	vm5 =	vgt.f32 v16, v25;
	v27 =	vmax.f32 v16, v25;
	v26 =	vsel vm7, v8, v24  }
0x24c: {  	v28 =	vsel vm5, v9, v26;
	vm6 =	vgt.f32 v18, v27;
	v29 =	vmax.f32 v18, v27  }
0x24d: {  	v30 =	vsel vm6, v11, v28;
	vm2 =	vgt.f32 v21, v29  }
0x24e: {  	v31 =	vmax.f32 v21, v29;
	v32 =	vsel vm2, v13, v30  }
0x24f: {  	(xrf1) =	vsort.dscd.msk.f32 $0xffff, v31, v32;
	_ =	sdelay $0xd  }
0x250: {  	v33, _, _ =	vpop (xrf1)  }
0x251: {  	v33 =	vbroadcast v33, $0x0;
	_ =	sdelay $0x1  }
0x252: {  	vm10 =	veq.f32 v31, v33  }
0x253: {  	v33 =	vnsel vm10, $0x7FFFFFFF, v32  }
0x254: {  	v34 =	vxor.u32 $0x80000000, v33  }
0x255: {  	(xrf1) =	vsort.ascd.msk.u32 $0xffff, v34, v33;
	_ =	sdelay $0xd  }
0x256: {  	v33, _, _ =	vpop (xrf1)  }
0x257: {  	(v2sf) =	vpush v33, $0x0;
	_ =	sdelay $0x5  }
0x258: {  	v58 =	vmin.f32 v7, $-Inf;
	v7 =	vmin.f32 v10, v7;
	v12 =	vmin.f32 v12, v17  }
0x259: {  	vm9 =	vgt.f32 v7, v58;
	v14 =	vmin.f32 v14, v20;
	v3 =	vsel vm3, v3, v4  }
0x25a: {  	vm3 =	vmneg vm9;
	v4 =	vmax.f32 v7, v58;
	v15 =	vmin.f32 v15, v23  }
0x25b: {  	v10 =	vsel vm3, $0x0, v3;
	v5 =	vsel vm8, v19, v5;
	vm9 =	vgt.f32 v12, v4  }
0x25c: {  	v17 =	vmax.f32 v12, v4;
	v16 =	vmin.f32 v16, v25;
	v19 =	vsel vm9, v5, v10  }
0x25d: {  	v6 =	vsel vm15, v22, v6;
	vm4 =	vgt.f32 v14, v17;
	v20 =	vmax.f32 v14, v17  }
0x25e: {  	v22 =	vsel vm4, v6, v19;
	v8 =	vsel vm7, v24, v8;
	vm8 =	vgt.f32 v15, v20  }
0x25f: {  	v23 =	vmax.f32 v15, v20;
	v24 =	vsel vm8, v8, v22;
	v9 =	vsel vm5, v26, v9  }
0x260: {  	vm12 =	vgt.f32 v16, v23;
	v25 =	vmax.f32 v16, v23;
	v18 =	vmin.f32 v18, v27  }
0x261: {  	v26 =	vsel vm12, v9, v24;
	v11 =	vsel vm6, v28, v11;
	vm13 =	vgt.f32 v18, v25;
	s28 =	spop (v2sf)  }
0x262: {  	v27 =	vmax.f32 v18, v25;
	v21 =	vmin.f32 v21, v29;
	v28 =	vsel vm13, v11, v26;
	s21 =	sxor.u32 $0x80000000, s28  }
0x263: {  	v13 =	vsel vm2, v30, v13;
	vm14 =	vgt.f32 v21, v27;
	vm2 =	veq.s32 v32, s21  }
0x264: {  	v29 =	vmax.f32 v21, v27;
	v30 =	vsel vm14, v13, v28;
	vm2 =	vmand vm10, vm2  }
0x265: {  	v31 =	vsel vm2, v29, v31;
	v32 =	vsel vm2, v30, v32  }
0x266: {  	(xrf1) =	vsort.dscd.msk.f32 $0xffff, v31, v32;
	_ =	sdelay $0xd  }
0x267: {  	v59, _, _ =	vpop (xrf1)  }
0x268: {  	v34 =	vbroadcast v59, $0x0;
	_ =	sdelay $0x1  }
0x269: {  	vm15 =	veq.f32 v31, v34  }
0x26a: {  	v34 =	vnsel vm15, $0x7FFFFFFF, v32  }
0x26b: {  	v35 =	vxor.u32 $0x80000000, v34  }
0x26c: {  	(xrf1) =	vsort.ascd.msk.u32 $0xffff, v35, v34;
	_ =	sdelay $0xd  }
0x26d: {  	v34, _, _ =	vpop (xrf1)  }
0x26e: {  	(v2sf) =	vpush v34, $0x0;
	_ =	sdelay $0x4  }
0x26f: {  	v7 =	vmin.f32 v7, v58  }
0x270: {  	vm11 =	vgt.f32 v7, v58;
	v7 =	vmax.f32 v7, v58  }
0x271: {  	v4 =	vmin.f32 v12, v4;
	vm3 =	vmand vm11, vm3;
	v5 =	vsel vm9, v10, v5  }
0x272: {  	v3 =	vnsel vm3, $0x0, v3;
	vm3 =	vgt.f32 v4, v7;
	v4 =	vmax.f32 v4, v7  }
0x273: {  	v7 =	vmin.f32 v14, v17;
	v3 =	vsel vm3, v5, v3;
	v5 =	vsel vm4, v19, v6  }
0x274: {  	vm3 =	vgt.f32 v7, v4;
	v4 =	vmax.f32 v7, v4;
	v6 =	vmin.f32 v15, v20  }
0x275: {  	v3 =	vsel vm3, v5, v3;
	v5 =	vsel vm8, v22, v8;
	vm3 =	vgt.f32 v6, v4  }
0x276: {  	v4 =	vmax.f32 v6, v4;
	v6 =	vmin.f32 v16, v23;
	v3 =	vsel vm3, v5, v3  }
0x277: {  	v5 =	vsel vm12, v24, v9;
	vm3 =	vgt.f32 v6, v4;
	v4 =	vmax.f32 v6, v4  }
0x278: {  	v3 =	vsel vm3, v5, v3;
	v5 =	vmin.f32 v18, v25;
	v6 =	vsel vm13, v26, v11  }
0x279: {  	vm3 =	vgt.f32 v5, v4;
	v4 =	vmax.f32 v5, v4;
	v5 =	vmin.f32 v21, v27;
	s29 =	spop (v2sf)  }
0x27a: {  	v3 =	vsel vm3, v6, v3;
	v6 =	vsel vm14, v28, v13;
	vm3 =	vgt.f32 v5, v4;
	s22 =	sxor.u32 $0x80000000, s29  }
0x27b: {  	v4 =	vmax.f32 v5, v4;
	v3 =	vsel vm3, v6, v3;
	vm3 =	veq.s32 v32, s22  }
0x27c: {  	v4 =	vsel vm2, v4, v29;
	v3 =	vsel vm2, v3, v30;
	vm2 =	vmand vm15, vm3  }
0x27d: {  	v4 =	vsel vm2, v4, v31;
	v3 =	vsel vm2, v3, v32  }
0x27e: {  	(xrf1) =	vsort.dscd.msk.f32 $0xffff, v4, v3;
	_ =	sdelay $0xd  }
0x27f: {  	v5, _, _ =	vpop (xrf1)  }
0x280: {  	v5 =	vbroadcast v5, $0x0;
	_ =	sdelay $0x1  }
0x281: {  	vm2 =	veq.f32 v4, v5  }
0x282: {  	v3 =	vnsel vm2, $0x7FFFFFFF, v3  }
0x283: {  	v4 =	vxor.u32 $0x80000000, v3  }
0x284: {  	(xrf1) =	vsort.ascd.msk.u32 $0xffff, v4, v3;
	_ =	sdelay $0xd  }
0x285: {  	v3, _, _ =	vpop (xrf1)  }
0x286: {  	(v2sf) =	vpush v3, $0x0;
	_ =	sdelay $0xd  }
0x287: {  	v3 =	vmov s21  }
0x288: {  	v3 =	vnsel vm0, $0x0, v3;
	s30 =	spop (v2sf)  }
0x289: {  	vm2 =	veq.s32 v0, $0x2;
	v3 =	vsel vm1, s22, v3;
	s21 =	sxor.u32 $0x80000000, s30  }
0x28a: {  	v3 =	vsel vm2, s21, v3  }
0x28b: {  	[tilespmem:$0x10020] =	vst v3  }
0x28c: {  	_ =	swait.ge [sflag:s16], $0x8000  }
0x28d: {  	[sflag:s16] =	ssyncset.done $0x0  }
0x28e: {  	s31 =	simm.s32 $0x8100;
	[sflag:s16] =	ssyncadd.s32 $0xFFFF8000  }
0x28f: {  	v5 =	vld [tilespmem:s31+$0x40]  }
0x290: {  	v6 =	vld [tilespmem:s31+$0xFFFFFF00]  }
0x291: {  	v7 =	vld [tilespmem:s31+$0xFFFFFF10]  }
0x292: {  	v4 =	vld [tilespmem:s31+$0xFFFFFF20]  }
0x293: {  	v8 =	vld [tilespmem:s31+$0xFFFFFF30]  }
0x294: {  	v3 =	vld [tilespmem:s31+$0xFFFFFF40]  }
0x295: {  	v9 =	vld [tilespmem:s31+$0xFFFFFF50]  }
0x296: {  	v11 =	vld [tilespmem:s31+$0xFFFFFF60]  }
0x297: {  	v12 =	vld [tilespmem:s31+$0xFFFFFF70]  }
0x298: {  	v10 =	vld [tilespmem:s31+$0xFFFFFFF0]  }
0x299: {  	v13 =	vld [tilespmem:s31+$0xFFFFFFE0]  }
0x29a: {  	v14 =	vld [tilespmem:s31+$0xFFFFFF80]  }
0x29b: {  	v15 =	vld [tilespmem:s31+$0xFFFFFFA0]  }
0x29c: {  	v16 =	vld [tilespmem:s31+$0xFFFFFFB0]  }
0x29d: {  	v17 =	vld [tilespmem:s31+$0xFFFFFFC0]  }
0x29e: {  	v18 =	vld [tilespmem:s31+$0xFFFFFFD0]  }
0x29f: {  	v19 =	vld [tilespmem:s31+$0x70]  }
0x2a0: {  	v20 =	vld [tilespmem:s31+$0xFFFFFF90]  }
0x2a1: {  	v21 =	vld [tilespmem:s31+$0x60]  }
0x2a2: {  	v22 =	vld [tilespmem:s31+$0x0]  }
0x2a3: {  	v23 =	vld [tilespmem:s31+$0x20]  }
0x2a4: {  	v60 =	vld [tilespmem:s31+$0x30]  }
0x2a5: {  	v61 =	vld [tilespmem:s31+$0x50]  }
0x2a6: {  	v62 =	vld [tilespmem:s31+$0x10];
	v10 =	vmax.f32 v13, v10;
	v13 =	vmax.f32 v11, v12  }
0x2a7: {  	v63 =	vld [tilespmem:s31+$0xF0];
	v12 =	vmax.f32 v15, v16;
	v15 =	vmax.f32 v3, v9;
	v11 =	vmax.f32 v17, v18  }
0x2a8: {  	v3 =	vimm.f32 $-Inf;
	v8 =	vmax.f32 v4, v8;
	v14 =	vmax.f32 v14, v20;
	v20 =	vld [tilespmem:s31+$0xE0]  }
0x2a9: {  	v4 =	vimm.s32 $0x0;
	v6 =	vmax.f32 v6, v7;
	v9 =	vld [tilespmem:s31+$0x80];
	v7 =	vmax.f32 v21, v19  }
0x2aa: {  	v16 =	vld [tilespmem:s31+$0xD0];
	v5 =	vmax.f32 v5, v61;
	v12 =	vmax.f32 v14, v12;
	v6 =	vmax.f32 v6, v8  }
0x2ab: {  	v18 =	vld [tilespmem:s31+$0xC0];
	v8 =	vmax.f32 v15, v13;
	v14 =	vmax.f32 v23, v60;
	v15 =	vmax.f32 v22, v62  }
0x2ac: {  	v17 =	vld [tilespmem:s31+$0xB0];
	v5 =	vmax.f32 v5, v7;
	v13 =	vmax.f32 v6, v8;
	v6 =	vmax.f32 v15, v14  }
0x2ad: {  	v19 =	vld [tilespmem:s31+$0xA0];
	v7 =	vimm.s32 $0x0;
	v8 =	vimm.s32 $0x0;
	v14 =	vmax.f32 v6, v5  }
0x2ae: {  	s22 =	simm.s32 $0x8300;
	s21 =	simm.s32 $0x10;
	v5 =	vimm.f32 $-Inf;
	v6 =	vimm.f32 $-Inf;
	v15 =	vmax.f32 v20, v63;
	v20 =	vld [tilespmem:s31+$0x90]  }
.LBB2_10:
0x2af: {  	v21 =	vld [tilespmem:s22+$0x40];
	p0 =	sne.s32 s21, $0x3F0;
	s23 =	smov.u32 s21;
	s21 =	sadd.s32 $0x10, s21  }
0x2b0: {  	v22 =	vld [tilespmem:s22+$0x80];
	v16 =	vmax.f32 v18, v16  }
0x2b1: {  	v18 =	vld [tilespmem:s22+$0xFFFFFF00]  }
0x2b2: {  	v23 =	vld [tilespmem:s22+$0xFFFFFF10]  }
0x2b3: {  	v17 =	vmax.f32 v19, v17;
	v24 =	vld [tilespmem:s22+$0xFFFFFF20];
	v25 =	vmax.f32 v9, v20  }
0x2b4: {  	v19 =	vld [tilespmem:s22+$0xFFFFFF30];
	v17 =	vmax.f32 v25, v17  }
0x2b5: {  	v20 =	vld [tilespmem:s22+$0xFFFFFF40];
	v9 =	vmov v22  }
0x2b6: {  	v22 =	vld [tilespmem:s22+$0xFFFFFF50]  }
0x2b7: {  	v10 =	vmax.f32 v11, v10;
	v11 =	vmax.f32 v16, v15;
	v25 =	vld [tilespmem:s22+$0xFFFFFF60]  }
0x2b8: {  	v10 =	vmax.f32 v12, v10;
	v11 =	vmax.f32 v17, v11;
	v15 =	vld [tilespmem:s22+$0xFFFFFF70]  }
0x2b9: {  	v10 =	vmax.f32 v13, v10;
	v11 =	vmax.f32 v14, v11;
	v12 =	vld [tilespmem:s22+$0xFFFFFFF0]  }
0x2ba: {  	v10 =	vmax.f32 v10, v11;
	v11 =	vor.u32 s20, v0;
	s20 =	smov.u32 s23;
	v13 =	vld [tilespmem:s22+$0xFFFFFFE0]  }
0x2bb: {  	vm2 =	vgt.f32 v10, v3;
	v16 =	vmin.f32 v10, v3;
	v3 =	vmax.f32 v10, v3;
	v14 =	vld [tilespmem:s22+$0xFFFFFF80]  }
0x2bc: {  	v10 =	vsel vm2, v4, v11;
	vm3 =	vgt.f32 v16, v5;
	v26 =	vmin.f32 v16, v5;
	v17 =	vld [tilespmem:s22+$0xFFFFFFA0]  }
0x2bd: {  	v28 =	vsel vm3, v8, v10;
	v8 =	vsel vm3, v10, v8;
	vm3 =	vgt.f32 v26, v6;
	v27 =	vld [tilespmem:s22+$0xFFFFFFB0]  }
0x2be: {  	v4 =	vsel vm2, v11, v4;
	v6 =	vmax.f32 v26, v6;
	v7 =	vsel vm3, v28, v7;
	v29 =	vld [tilespmem:s22+$0xFFFFFFC0]  }
0x2bf: {  	v5 =	vmax.f32 v16, v5;
	v11 =	vld [tilespmem:s22+$0xFFFFFFD0];
	v10 =	vmax.f32 v13, v12  }
0x2c0: {  	v12 =	vld [tilespmem:s22+$0x70]  }
0x2c1: {  	v13 =	vld [tilespmem:s22+$0xFFFFFF90]  }
0x2c2: {  	v15 =	vmax.f32 v25, v15;
	v16 =	vld [tilespmem:s22+$0x60];
	v17 =	vmax.f32 v17, v27  }
0x2c3: {  	v25 =	vld [tilespmem:s22+$0x0]  }
0x2c4: {  	v20 =	vmax.f32 v20, v22;
	v26 =	vld [tilespmem:s22+$0x20];
	v11 =	vmax.f32 v29, v11  }
0x2c5: {  	v22 =	vld [tilespmem:s22+$0x30]  }
0x2c6: {  	v19 =	vmax.f32 v24, v19;
	v27 =	vld [tilespmem:s22+$0x50];
	v13 =	vmax.f32 v14, v13  }
0x2c7: {  	v18 =	vmax.f32 v18, v23;
	v14 =	vld [tilespmem:s22+$0x10];
	v23 =	vmax.f32 v16, v12;
	v12 =	vmax.f32 v13, v17  }
0x2c8: {  	v15 =	vmax.f32 v20, v15;
	v13 =	vmax.f32 v18, v19;
	v24 =	vld [tilespmem:s22+$0xF0]  }
0x2c9: {  	v13 =	vmax.f32 v13, v15;
	v28 =	vld [tilespmem:s22+$0xE0]  }
.Ltmp4:
0x2ca: {  	v16 =	vld [tilespmem:s22+$0xD0];
	v15 =	vmax.f32 v26, v22;
	(pc) =	sbr.rel @p0 .LBB2_10-.Ltmp4, $4  }
0x2cb: {  	v18 =	vld [tilespmem:s22+$0xC0];
	v19 =	vmax.f32 v21, v27  }
0x2cc: {  	v17 =	vld [tilespmem:s22+$0xB0];
	v14 =	vmax.f32 v25, v14;
	v21 =	vmax.f32 v19, v23  }
0x2cd: {  	v19 =	vld [tilespmem:s22+$0xA0];
	v14 =	vmax.f32 v14, v15  }
0x2ce: {  	v20 =	vld [tilespmem:s22+$0x90];
	v15 =	vmax.f32 v28, v24;
	v14 =	vmax.f32 v14, v21;
	s22 =	sadd.s32 $0x200, s22  }
0x2cf: {  	_ =	sdelay $0x3  }
0x2d0: {  	v16 =	vmax.f32 v18, v16;
	v17 =	vmax.f32 v19, v17;
	v9 =	vmax.f32 v9, v20  }
0x2d1: {  	v10 =	vmax.f32 v11, v10;
	v39 =	vmax.f32 v16, v15;
	v9 =	vmax.f32 v9, v17  }
0x2d2: {  	v10 =	vmax.f32 v12, v10;
	v9 =	vmax.f32 v9, v39  }
0x2d3: {  	v10 =	vmax.f32 v13, v10;
	v9 =	vmax.f32 v14, v9  }
0x2d4: {  	v9 =	vmax.f32 v10, v9  }
0x2d5: {  	v40 =	vor.u32 s20, v0;
	vm2 =	vgt.f32 v9, v3  }
0x2d6: {  	v41 =	vmax.f32 v9, v3;
	v42 =	vsel vm2, v40, v4  }
0x2d7: {  	(xrf1) =	vsort.dscd.msk.f32 $0xffff, v41, v42;
	_ =	sdelay $0xd  }
0x2d8: {  	v43, v44, _ =	vpop (xrf1)  }
0x2d9: {  	v45 =	vbroadcast v44, $0x0;
	v13 =	vbroadcast v43, $0x0  }
0x2da: {  	v3 =	vmin.f32 v9, v3;
	v46 =	vsel vm2, v4, v40  }
0x2db: {  	vm2 =	vgt.f32 v3, v5;
	vm3 =	veq.s32 v42, v45;
	vm4 =	veq.f32 v41, v13  }
0x2dc: {  	v48 =	vmax.f32 v3, v5;
	v47 =	vsel vm2, v46, v8;
	vm3 =	vmand vm3, vm4  }
0x2dd: {  	v11 =	vsel vm3, v48, v41;
	v12 =	vsel vm3, v47, v42  }
0x2de: {  	(xrf1) =	vsort.dscd.msk.f32 $0xffff, v11, v12;
	_ =	sdelay $0xd  }
0x2df: {  	v50, v49, _ =	vpop (xrf1)  }
0x2e0: {  	v3 =	vmin.f32 v3, v5;
	v51 =	vbroadcast v49, $0x0;
	v13 =	vbroadcast v50, $0x0  }
0x2e1: {  	v4 =	vsel vm2, v8, v46;
	vm2 =	vgt.f32 v3, v6;
	v3 =	vmax.f32 v3, v6  }
0x2e2: {  	v4 =	vsel vm2, v4, v7;
	vm2 =	veq.s32 v12, v51;
	vm13 =	veq.f32 v11, v13  }
0x2e3: {  	v52 =	vsel vm3, v3, v48;
	v53 =	vsel vm3, v4, v47;
	vm2 =	vmand vm2, vm13  }
0x2e4: {  	v54 =	vsel vm2, v52, v11;
	v55 =	vsel vm2, v53, v12  }
0x2e5: {  	(xrf1) =	vsort.dscd.msk.f32 $0xffff, v54, v55;
	_ =	sdelay $0xd  }
0x2e6: {  	v57, v56, _ =	vpop (xrf1)  }
0x2e7: {  	v58 =	vbroadcast v56, $0x0;
	v9 =	vbroadcast v57, $0x0;
	_ =	sdelay $0x1  }
0x2e8: {  	v3 =	vsel vm3, $0xFF800000, v3;
	vm3 =	veq.s32 v55, v58;
	vm14 =	veq.f32 v54, v9  }
0x2e9: {  	v3 =	vsel vm2, v3, v52;
	v4 =	vsel vm2, v4, v53;
	vm2 =	vmand vm3, vm14  }
0x2ea: {  	v3 =	vsel vm2, v3, v54;
	v4 =	vsel vm2, v4, v55  }
0x2eb: {  	(xrf1) =	vsort.dscd.msk.f32 $0xffff, v3, v4;
	_ =	sdelay $0x7  }
0x2ec: {  	(v2sf) =	vpush v44, $0x0;
	_ =	sdelay $0x2  }
0x2ed: {  	(v2sf) =	vpush v49, $0x0;
	_ =	sdelay $0x1  }
0x2ee: {  	(v2sf) =	vpush v56, $0x0  }
0x2ef: {  	_, v3, _ =	vpop (xrf1)  }
0x2f0: {  	(v2sf) =	vpush v3, $0x0;
	_ =	sdelay $0x7  }
0x2f1: {  	s29 =	spop (v2sf)  }
0x2f2: {  	s21 =	sshll.u32 s29, $0x5  }
0x2f3: {  	s20 =	sand.u32 $0xF, s29;
	s21 =	sand.u32 $0xFFFFFE00, s21  }
0x2f4: {  	s20 =	sor.u32 s20, s21;
	s22 =	spop (v2sf)  }
0x2f5: {  	s30 =	sshll.u32 s22, $0x5;
	v3 =	vor.u32 s20, v1  }
0x2f6: {  	s22 =	sand.u32 $0xF, s22;
	s21 =	sand.u32 $0xFFFFFE00, s30;
	s23 =	spop (v2sf)  }
0x2f7: {  	v59 =	vor.u32 s20, v2;
	s31 =	sor.u32 s22, s21;
	s22 =	sshll.u32 s23, $0x5  }
0x2f8: {  	v60 =	vor.u32 s31, v1;
	s23 =	sand.u32 $0xF, s23;
	s21 =	sand.u32 $0xFFFFFE00, s22;
	s24 =	spop (v2sf)  }
0x2f9: {  	v61 =	vor.u32 s31, v2;
	s25 =	sor.u32 s23, s21;
	s26 =	sshll.u32 s24, $0x5  }
0x2fa: {  	v63 =	vor.u32 s25, v1;
	v62 =	vld.idx.msk [tilespmem:v3+s13+$0x0], $0xffff;
	s22 =	sand.u32 $0xF, s24;
	s21 =	sand.u32 $0xFFFFFE00, s26  }
0x2fb: {  	v36 =	vor.u32 s25, v2;
	s28 =	sor.u32 s22, s21  }
0x2fc: {  	v37 =	vld.idx.msk [tilespmem:v59+s13+$0x0], $0xffff;
	v38 =	vor.u32 s28, v1  }
0x2fd: {  	v39 =	vld.idx.msk [tilespmem:v60+s13+$0x0], $0xffff;
	v40 =	vor.u32 s28, v2  }
0x2fe: {  	v41 =	vld.idx.msk [tilespmem:v61+s13+$0x0], $0xffff  }
0x2ff: {  	v42 =	vld.idx.msk [tilespmem:v63+s13+$0x0], $0xffff;
	vm2 =	vlt.f32 v62, $-Inf;
	vm3 =	vgt.f32 v62, $-Inf  }
0x300: {  	v43 =	vld.idx.msk [tilespmem:v36+s13+$0x0], $0xffff;
	vm2 =	vmor vm3, vm2  }
0x301: {  	v44 =	vmax.f32 v37, v62;
	vm3 =	vgt.f32 v37, v62;
	v3 =	vnsel vm2, $0x0, v3;
	v45 =	vld.idx.msk [tilespmem:v38+s13+$0x0], $0xffff  }
0x302: {  	vm8 =	vgt.f32 v39, v44;
	v47 =	vmax.f32 v39, v44;
	v46 =	vsel vm3, v59, v3;
	v21 =	vld.idx.msk [tilespmem:v40+s13+$0x0], $0xffff  }
0x303: {  	vm15 =	vgt.f32 v41, v47;
	v23 =	vmax.f32 v41, v47;
	v22 =	vsel vm8, v60, v46  }
0x304: {  	vm5 =	vgt.f32 v42, v23;
	v25 =	vmax.f32 v42, v23;
	v24 =	vsel vm15, v61, v22  }
0x305: {  	vm6 =	vgt.f32 v43, v25;
	v27 =	vmax.f32 v43, v25;
	v26 =	vsel vm5, v63, v24  }
0x306: {  	v28 =	vsel vm6, v36, v26;
	vm7 =	vgt.f32 v45, v27;
	v29 =	vmax.f32 v45, v27  }
0x307: {  	v30 =	vsel vm7, v38, v28;
	vm2 =	vgt.f32 v21, v29  }
0x308: {  	v31 =	vmax.f32 v21, v29;
	v32 =	vsel vm2, v40, v30  }
0x309: {  	(xrf1) =	vsort.dscd.msk.f32 $0xffff, v31, v32;
	_ =	sdelay $0xd  }
0x30a: {  	v33, _, _ =	vpop (xrf1)  }
0x30b: {  	v33 =	vbroadcast v33, $0x0;
	_ =	sdelay $0x1  }
0x30c: {  	vm10 =	veq.f32 v31, v33  }
0x30d: {  	v33 =	vnsel vm10, $0x7FFFFFFF, v32  }
0x30e: {  	v34 =	vxor.u32 $0x80000000, v33  }
0x30f: {  	(xrf1) =	vsort.ascd.msk.u32 $0xffff, v34, v33;
	_ =	sdelay $0xd  }
0x310: {  	v33, _, _ =	vpop (xrf1)  }
0x311: {  	(v2sf) =	vpush v33, $0x0;
	_ =	sdelay $0x4  }
0x312: {  	v48 =	vmin.f32 v62, $-Inf;
	v7 =	vmin.f32 v37, v62  }
0x313: {  	v49 =	vmax.f32 v7, v48;
	v12 =	vmin.f32 v39, v44  }
0x314: {  	vm9 =	vgt.f32 v7, v48;
	v17 =	vmax.f32 v12, v49  }
0x315: {  	v14 =	vmin.f32 v41, v47;
	v3 =	vsel vm3, v3, v59;
	vm3 =	vmneg vm9  }
0x316: {  	vm9 =	vgt.f32 v12, v49;
	vm4 =	vgt.f32 v14, v17;
	v20 =	vmax.f32 v14, v17  }
0x317: {  	v15 =	vmin.f32 v42, v23;
	v50 =	vsel vm3, $0x0, v3;
	v5 =	vsel vm8, v46, v60  }
0x318: {  	v23 =	vmax.f32 v15, v20;
	v16 =	vmin.f32 v43, v25;
	v19 =	vsel vm9, v5, v50  }
0x319: {  	v6 =	vsel vm15, v22, v61;
	vm12 =	vgt.f32 v16, v23;
	v25 =	vmax.f32 v16, v23  }
0x31a: {  	v22 =	vsel vm4, v6, v19;
	v8 =	vsel vm5, v24, v63;
	vm5 =	vgt.f32 v15, v20  }
0x31b: {  	v24 =	vsel vm5, v8, v22;
	v9 =	vsel vm6, v26, v36;
	v18 =	vmin.f32 v45, v27  }
0x31c: {  	v26 =	vsel vm12, v9, v24;
	v11 =	vsel vm7, v28, v38;
	vm13 =	vgt.f32 v18, v25;
	s29 =	spop (v2sf)  }
0x31d: {  	v27 =	vmax.f32 v18, v25;
	v21 =	vmin.f32 v21, v29;
	v28 =	vsel vm13, v11, v26;
	s20 =	sxor.u32 $0x80000000, s29  }
0x31e: {  	v13 =	vsel vm2, v30, v40;
	vm14 =	vgt.f32 v21, v27;
	vm2 =	veq.s32 v32, s20  }
0x31f: {  	v29 =	vmax.f32 v21, v27;
	v30 =	vsel vm14, v13, v28;
	vm2 =	vmand vm10, vm2  }
0x320: {  	v31 =	vsel vm2, v29, v31;
	v32 =	vsel vm2, v30, v32  }
0x321: {  	(xrf1) =	vsort.dscd.msk.f32 $0xffff, v31, v32;
	_ =	sdelay $0xd  }
0x322: {  	v51, _, _ =	vpop (xrf1)  }
0x323: {  	v34 =	vbroadcast v51, $0x0;
	_ =	sdelay $0x1  }
0x324: {  	vm15 =	veq.f32 v31, v34  }
0x325: {  	v34 =	vnsel vm15, $0x7FFFFFFF, v32  }
0x326: {  	v35 =	vxor.u32 $0x80000000, v34  }
0x327: {  	(xrf1) =	vsort.ascd.msk.u32 $0xffff, v35, v34;
	_ =	sdelay $0xd  }
0x328: {  	v34, _, _ =	vpop (xrf1)  }
0x329: {  	(v2sf) =	vpush v34, $0x0;
	_ =	sdelay $0x4  }
0x32a: {  	v7 =	vmin.f32 v7, v48  }
0x32b: {  	vm11 =	vgt.f32 v7, v48;
	v7 =	vmax.f32 v7, v48  }
0x32c: {  	v4 =	vmin.f32 v12, v49;
	v52 =	vmin.f32 v14, v17;
	vm3 =	vmand vm11, vm3  }
0x32d: {  	v5 =	vsel vm9, v50, v5;
	v3 =	vnsel vm3, $0x0, v3;
	vm3 =	vgt.f32 v4, v7  }
0x32e: {  	v54 =	vmin.f32 v15, v20;
	v4 =	vmax.f32 v4, v7;
	v3 =	vsel vm3, v5, v3  }
0x32f: {  	v53 =	vsel vm4, v19, v6;
	vm3 =	vgt.f32 v52, v4;
	v4 =	vmax.f32 v52, v4  }
0x330: {  	v3 =	vsel vm3, v53, v3;
	v55 =	vsel vm5, v22, v8;
	vm3 =	vgt.f32 v54, v4  }
0x331: {  	v56 =	vmin.f32 v16, v23;
	v4 =	vmax.f32 v54, v4;
	v3 =	vsel vm3, v55, v3  }
0x332: {  	v57 =	vsel vm12, v24, v9;
	vm3 =	vgt.f32 v56, v4;
	v4 =	vmax.f32 v56, v4  }
0x333: {  	v3 =	vsel vm3, v57, v3;
	v58 =	vmin.f32 v18, v25;
	v59 =	vsel vm13, v26, v11  }
0x334: {  	vm3 =	vgt.f32 v58, v4;
	v4 =	vmax.f32 v58, v4;
	v60 =	vmin.f32 v21, v27;
	s30 =	spop (v2sf)  }
0x335: {  	v3 =	vsel vm3, v59, v3;
	v61 =	vsel vm14, v28, v13;
	vm3 =	vgt.f32 v60, v4;
	s21 =	sxor.u32 $0x80000000, s30  }
0x336: {  	v4 =	vmax.f32 v60, v4;
	v3 =	vsel vm3, v61, v3;
	vm3 =	veq.s32 v32, s21  }
0x337: {  	v4 =	vsel vm2, v4, v29;
	v3 =	vsel vm2, v3, v30;
	vm2 =	vmand vm15, vm3  }
0x338: {  	v4 =	vsel vm2, v4, v31;
	v3 =	vsel vm2, v3, v32  }
0x339: {  	(xrf1) =	vsort.dscd.msk.f32 $0xffff, v4, v3;
	_ =	sdelay $0xd  }
0x33a: {  	v62, _, _ =	vpop (xrf1)  }
0x33b: {  	v5 =	vbroadcast v62, $0x0;
	_ =	sdelay $0x1  }
0x33c: {  	vm2 =	veq.f32 v4, v5  }
0x33d: {  	v3 =	vnsel vm2, $0x7FFFFFFF, v3  }
0x33e: {  	v63 =	vxor.u32 $0x80000000, v3  }
0x33f: {  	(xrf1) =	vsort.ascd.msk.u32 $0xffff, v63, v3;
	_ =	sdelay $0xd  }
0x340: {  	v3, _, _ =	vpop (xrf1)  }
0x341: {  	(v2sf) =	vpush v3, $0x0;
	_ =	sdelay $0xd  }
0x342: {  	v3 =	vmov s20  }
0x343: {  	v3 =	vnsel vm0, $0x0, v3;
	s31 =	spop (v2sf)  }
0x344: {  	s19 =	sadd.s32 $0x1, s19;
	vm2 =	veq.s32 v0, $0x2;
	v3 =	vsel vm1, s21, v3;
	s20 =	sxor.u32 $0x80000000, s31  }
0x345: {  	p0 =	sne.s32 s19, s9;
	v3 =	vsel vm2, s20, v3  }
.Ltmp5:
0x346: {  	[tilespmem:$0x10030] =	vst v3;
	(pc) =	sbr.rel @p0 .LBB2_1-.Ltmp5, $4  }
0x347: {  	[hbm4b:s8+s2] =	stream.linear.scatter [tilespmem:s17], [sflag:$0x4], $0x40, $0x38;
	[tilespmem:$0x10080] =	vst v63  }
0x348: {  	_ =	swait.ge [sflag:s18], $0x40  }
0x349: {  	[sflag:s18] =	ssyncset.done $0x0  }
0x34a: {  	[sflag:s18] =	ssyncadd.s32 $0xFFFFFFC0  }
0x34b: {  	_ =	sfence.sel $0x180000  }
0x34c: {  	[bflag:$0x0] =	sbarrier.arrive $0xFFFF  }
0x34d: {  	p0 =	sne.s32 s1, $0x0;
	_ =	strace $0x90000047  }
0x34e: {  	s0 =	sadd.s32 @!p0 $0x100000, s0;
	[bflag:$0x2] =	sbarrier.arrive $0xFFFF  }
0x34f: {  	[sflag:s0] =	ssyncadd.tile.s32 @!p0 $0x1;
	_ =	shalt  }
.Lfunc_end2:
_tile_overlayer_lowered:
.L_overlay_start_2:
0x350: {  	(tag) =	ssettag $0x2  }
0x351: {  	s0 =	rddreg [dreg:$0x0];
	s2 =	stileid.u32  }
0x352: {  	s1 =	rddreg [dreg:$0x1];
	p0 =	sne.s32 s2, $0x0  }
0x353: {  	s3 =	rddreg [dreg:$0x2];
	[bflag:$0x3] =	sbarrier.arrive $0xFFFF;
	s2 =	simm.s32 @!p0 $0x1C04  }
0x354: {  	[timem:s3], [sflag:s2] =	dma.local @!p0 [hbm:s0], s1  }
0x355: {  	s0 =	simm.s32 @!p0 $0x4  }
0x356: {  	_ =	swait.ge @!p0 [sflag:s0], s1  }
0x357: {  	s1 =	ssub.s32 @!p0 $0x0, s1;
	[sflag:s0] =	ssyncset.done @!p0 $0x0  }
0x358: {  	[sflag:s0] =	ssyncadd.s32 @!p0 s1  }
0x359: {  	[bflag:$0x3] =	sbarrier.arrive $0xFFFF  }
0x35a: {  	_ =	shalt  }

</sc_bundles>
